<compile_context>
chip_gen: v7x
topology: tpu7x:2x2x1
jax: 0.10.2.dev20260603
libtpu: 0.0.44.dev20260713+nightly
codegen_flags: <defaults>
</compile_context>

<pallas_src>
import functools

import jax
import jax.numpy as jnp
from jax import lax
from jax.experimental import pallas as pl
from jax.experimental.pallas import tpu as pltpu
from jax.experimental.pallas import tpu_sc as plsc

N = 10000
D = 128
E = 320000

NPAD = 10240
NW = 32
K = 128
CHUNKS = 80
PHASES = 2
CPP = CHUNKS // PHASES
EPT = K * CHUNKS
EPAD = NW * EPT
RB = 512
GRID = NPAD // RB

_PREC = lax.Precision.HIGHEST


def _ln_rows(x, g, b):
    m = jnp.mean(x, axis=-1, keepdims=True)
    v = jnp.mean((x - m) ** 2, axis=-1, keepdims=True)
    return (x - m) / jnp.sqrt(v + 1e-5) * g + b


def _mm(a, bt):
    return jnp.dot(a, bt, preferred_element_type=jnp.float32, precision=_PREC)



def _in_proj_body(x_ref, w1t, b1, w2t, b2, g, b, o_ref):
    h = _ln_rows(x_ref[...], g[...], b[...])
    h = jnp.maximum(_mm(h, w1t[...]) + b1[...], 0.0)
    o_ref[...] = _mm(h, w2t[...]) + b2[...]


def _layer_body(h_ref, ab_ref, w1t, b1, w2t, b2, g, b, o_ref):
    h = h_ref[...]
    z = ab_ref[0] + ab_ref[1] - h
    z = jnp.maximum(_mm(z, w1t[...]) + b1[...], 0.0)
    z = _mm(z, w2t[...]) + b2[...]
    z = _ln_rows(z, g[...], b[...])
    o_ref[...] = h + jnp.maximum(z, 0.0)


def _out_proj_body(h_ref, x_ref, w1t, b1, w2t, b2, g, b, o_ref):
    d = jnp.maximum(_mm(h_ref[...], w1t[...]) + b1[...], 0.0)
    d = _mm(d, w2t[...]) + b2[...]
    o_ref[...] = _ln_rows(x_ref[...] + d, g[...], b[...])


def _row_spec():
    return pl.BlockSpec((RB, None), lambda i: (i, 0))


def _full(shape):
    return pl.BlockSpec(shape, lambda i: tuple(0 for _ in shape))


def _tc_call(body, n_rows_inputs, weight_shapes, extra_specs=()):
    in_specs = [pl.BlockSpec((RB, D), lambda i: (i, 0)) for _ in range(n_rows_inputs)]
    in_specs += list(extra_specs)
    in_specs += [_full(s) for s in weight_shapes]
    return pl.pallas_call(
        body,
        grid=(GRID,),
        in_specs=in_specs,
        out_specs=pl.BlockSpec((RB, D), lambda i: (i, 0)),
        out_shape=jax.ShapeDtypeStruct((NPAD, D), jnp.float32),
    )



@functools.lru_cache(maxsize=1)
def _make_segsum():
    mesh = plsc.VectorSubcoreMesh(core_axis_name="c", subcore_axis_name="s",
                                  num_cores=2, num_subcores=16)

    @functools.partial(
        pl.kernel,
        mesh=mesh,
        out_type=jax.ShapeDtypeStruct((2, NPAD, D), jnp.float32),
        scratch_types=[
            pltpu.VMEM((CPP, K), jnp.int32),
            pltpu.VMEM((CPP, K), jnp.int32),
            pltpu.VMEM((K, D), jnp.float32),
            pltpu.VMEM((K, D), jnp.float32),
            pltpu.VMEM_SHARED((NPAD, D), jnp.float32),
            pltpu.SemaphoreType.DMA,
            pltpu.SemaphoreType.DMA,
        ],
    )
    def segsum(h_hbm, src_hbm, dst_hbm, out_hbm,
               src_v, dst_v, rows0, rows1, acc, sem0, sem1):
        cid = lax.axis_index("c")
        sid = lax.axis_index("s")
        wid = cid * 16 + sid
        rpt = NPAD // 16
        rbase = sid * rpt
        pltpu.sync_copy(h_hbm.at[pl.ds(rbase, rpt)], acc.at[pl.ds(rbase, rpt)])
        plsc.subcore_barrier()

        for phase in range(PHASES):
            pbase = phase * CPP
            pltpu.sync_copy(src_hbm.at[wid, pl.ds(pbase, CPP)], src_v)
            pltpu.sync_copy(dst_hbm.at[wid, pl.ds(pbase, CPP)], dst_v)
            pltpu.async_copy(h_hbm.at[src_v.at[0]], rows0, sem0)

            def body(i, carry):
                j = i * 2
                pltpu.async_copy(h_hbm.at[src_v.at[j + 1]], rows1, sem1)
                pltpu.make_async_copy(h_hbm.at[src_v.at[j]], rows0, sem0).wait()
                pltpu.sync_copy(rows0, acc.at[dst_v.at[j]], add=True)

                @pl.when(j + 2 < CPP)
                def _():
                    pltpu.async_copy(h_hbm.at[src_v.at[j + 2]], rows0, sem0)

                pltpu.make_async_copy(h_hbm.at[src_v.at[j + 1]], rows1,
                                      sem1).wait()
                pltpu.sync_copy(rows1, acc.at[dst_v.at[j + 1]], add=True)
                return carry

            lax.fori_loop(0, CPP // 2, body, 0)
        plsc.subcore_barrier()
        pltpu.sync_copy(acc.at[pl.ds(rbase, rpt)],
                        out_hbm.at[cid, pl.ds(rbase, rpt)])

    return segsum



def kernel(x, edge_index, params):
    xp = jnp.pad(x, ((0, NPAD - N), (0, 0)))

    def row(v):
        return v.reshape(1, -1)

    p = params
    h = _tc_call(_in_proj_body, 1,
                 [(D, 512), (1, 512), (512, D), (1, D), (1, D), (1, D)])(
        xp, p['in_w1'].T, row(p['in_b1']), p['in_w2'].T, row(p['in_b2']),
        row(p['in_ln_g']), row(p['in_ln_b']))

    pad_len = EPAD - E
    pad_idx = N + (jnp.arange(pad_len, dtype=jnp.int32) % (NPAD - N))
    srcp = jnp.concatenate([edge_index[0], pad_idx]).reshape(NW, CHUNKS, K)
    dstp = jnp.concatenate([edge_index[1], pad_idx]).reshape(NW, CHUNKS, K)

    layer_call = _tc_call(
        _layer_body, 1,
        [(D, D), (1, D), (D, D), (1, D), (1, D), (1, D)],
        extra_specs=[pl.BlockSpec((2, RB, D), lambda i: (0, i, 0))])

    segsum = _make_segsum()
    for lp in p['layers']:
        ab = segsum(h, srcp, dstp)
        h = layer_call(h, ab, lp['w1'].T, row(lp['b1']), lp['w2'].T,
                       row(lp['b2']), row(lp['ln_g']), row(lp['ln_b']))

    out = _tc_call(_out_proj_body, 2,
                   [(D, 512), (1, 512), (512, D), (1, D), (1, D), (1, D)])(
        h, xp, p['d_w1'].T, row(p['d_b1']), p['d_w2'].T, row(p['d_b2']),
        row(p['out_ln_g']), row(p['out_ln_b']))
    return out[:N]

# --- scband reference (transcript-rebuilt; emitter-appended) ---
"""Pipeline reference for scband-paper-context-gnn-72353019069072 (READ-ONLY COPY).

The authoritative reference and input builder live on the scoring server;
editing this copy changes nothing except your own understanding.
"""

import jax, jax.numpy as jnp
import numpy as np

N = 10000
E = 320000
D = 128
H = 128
NL = 3


def _ln(x, g, b):
    m = jnp.mean(x, axis=-1, keepdims=True)
    v = jnp.var(x, axis=-1, keepdims=True)
    return (x - m) / jnp.sqrt(v + 1e-5) * g + b


def _lin(x, w, b):
    return x @ w.T + b


def _make_params(key):
    ks = list(jax.random.split(key, 4 + 2 * NL))
    def nrm(k, shape, fan_in):
        return jax.random.normal(k, shape, dtype=jnp.float32) / np.sqrt(fan_in).astype(np.float32)
    p = {
        'in_ln_g': jnp.ones((D,), jnp.float32),
        'in_ln_b': jnp.zeros((D,), jnp.float32),
        'in_w1': nrm(ks[0], (512, D), D), 'in_b1': jnp.zeros((512,), jnp.float32),
        'in_w2': nrm(ks[1], (H, 512), 512), 'in_b2': jnp.zeros((H,), jnp.float32),
        'd_w1': nrm(ks[2], (512, H), H), 'd_b1': jnp.zeros((512,), jnp.float32),
        'd_w2': nrm(ks[3], (D, 512), 512), 'd_b2': jnp.zeros((D,), jnp.float32),
        'out_ln_g': jnp.ones((D,), jnp.float32),
        'out_ln_b': jnp.zeros((D,), jnp.float32),
        'layers': [],
    }
    for i in range(NL):
        base = 4 + 2 * i
        p['layers'].append({
            'w1': nrm(ks[base], (H, H), H), 'b1': jnp.zeros((H,), jnp.float32),
            'w2': nrm(ks[base + 1], (H, H), H), 'b2': jnp.zeros((H,), jnp.float32),
            'ln_g': jnp.ones((H,), jnp.float32), 'ln_b': jnp.zeros((H,), jnp.float32),
        })
    return p


def setup_inputs(seed: int = 0):
    key = jax.random.key(seed)
    kx, ke, kp = jax.random.split(key, 3)
    x = jax.random.normal(kx, (N, D), dtype=jnp.float32)
    edge_index = jax.random.randint(ke, (2, E), 0, N, dtype=jnp.int32)
    params = _make_params(kp)
    return {'x': x, 'edge_index': edge_index, 'params': params}


def _forward(x, params, edge_index):
    src = edge_index[0]
    dst = edge_index[1]
    # in_proj: LayerNorm -> Linear -> ReLU -> (Dropout: identity at eval) -> Linear
    h = _ln(x, params['in_ln_g'], params['in_ln_b'])
    h = jnp.maximum(_lin(h, params['in_w1'], params['in_b1']), 0.0)
    h = _lin(h, params['in_w2'], params['in_b2'])
    # GNN blocks: GINConv(mlp) -> LayerNorm -> ReLU -> residual
    for lp in params['layers']:
        agg = jax.ops.segment_sum(h[src], dst, num_segments=N)
        z = h + agg  # GIN: (1 + eps) * x + sum_{j in N(i)} x_j, eps = 0
        z = jnp.maximum(_lin(z, lp['w1'], lp['b1']), 0.0)
        z = _lin(z, lp['w2'], lp['b2'])
        z = _ln(z, lp['ln_g'], lp['ln_b'])
        z = jnp.maximum(z, 0.0)
        h = h + z
    # delta_proj: Linear -> ReLU -> Linear
    d = jnp.maximum(_lin(h, params['d_w1'], params['d_b1']), 0.0)
    d = _lin(d, params['d_w2'], params['d_b2'])
    out = x + d
    return _ln(out, params['out_ln_g'], params['out_ln_b'])


def reference(x, edge_index, params):
    return _forward(x, params, edge_index)

if __name__ == "__main__":
    import jax
    _d = setup_inputs()
    print(jax.jit(kernel)(*tuple(_d.values())))

</pallas_src>

<mosaic_0001>
#map = affine_map<(d0, d1) -> (0, 0)>
#map1 = affine_map<(d0, d1) -> (0, 0, 0)>
module attributes {stable_mosaic.version = 14 : i64} {
  func.func @segsum(%arg0: i32, %arg1: i32, %arg2: memref<10240x128xf32, #tpu.memory_space<hbm>>, %arg3: memref<32x80x128xi32, #tpu.memory_space<hbm>>, %arg4: memref<32x80x128xi32, #tpu.memory_space<hbm>>, %arg5: memref<2x10240x128xf32, #tpu.memory_space<hbm>>, %arg6: memref<40x128xi32, #tpu.memory_space<vmem>>, %arg7: memref<40x128xi32, #tpu.memory_space<vmem>>, %arg8: memref<128x128xf32, #tpu.memory_space<vmem>>, %arg9: memref<128x128xf32, #tpu.memory_space<vmem>>, %arg10: memref<10240x128xf32, #tpu.memory_space<vmem_shared>>, %arg11: memref<!tpu.dma_semaphore, #tpu.memory_space<semaphore_mem>>, %arg12: memref<!tpu.dma_semaphore, #tpu.memory_space<semaphore_mem>>) attributes {dimension_semantics = [#tpu.dimension_semantics<core_parallel>, #tpu.dimension_semantics<subcore_parallel>], iteration_bounds = array<i64: 2, 16>, scalar_prefetch = 0 : i64, scratch_operands = 7 : i64, tpu.core_type = #tpu.core_type<sc_vector_subcore>, window_params = [{transform_indices = #map}, {transform_indices = #map1}, {transform_indices = #map1}, {transform_indices = #map1}]} {
    %mul3A = arith.constant 16 : i32
    %mul3A_0 = arith.muli %arg0, %mul3A : i32
    %add3A = arith.addi %mul3A_0, %arg1 : i32
    %mul3A_1 = arith.constant 640 : i32
    %mul3A_2 = arith.muli %arg1, %mul3A_1 : i32
    "tpu.region"() ({
      %run_scoped3A = tpu.sem_alloc : memref<!tpu.dma_semaphore, #tpu.memory_space<semaphore_mem>>
      %dma_start3A_28 = arith.constant 0 : i32
      %dma_start3A_29 = tpu.memref_slice %arg10[%mul3A_2, %dma_start3A_28] : memref<10240x128xf32, #tpu.memory_space<vmem_shared>> -> memref<640x128xf32, #tpu.memory_space<vmem_shared>>
      %dma_start3A_30 = arith.constant 0 : i32
      %dma_start3A_31 = tpu.memref_slice %arg2[%mul3A_2, %dma_start3A_30] : memref<10240x128xf32, #tpu.memory_space<hbm>> -> memref<640x128xf32, #tpu.memory_space<hbm>>
      tpu.enqueue_dma source(%dma_start3A_31 : memref<640x128xf32, #tpu.memory_space<hbm>>) target(%dma_start3A_29 : memref<640x128xf32, #tpu.memory_space<vmem_shared>>) target_semaphore(%run_scoped3A : memref<!tpu.dma_semaphore, #tpu.memory_space<semaphore_mem>>)
      %dma_wait3A = arith.constant 0 : i32
      %dma_wait3A_32 = tpu.memref_slice %arg10[%mul3A_2, %dma_wait3A] : memref<10240x128xf32, #tpu.memory_space<vmem_shared>> -> memref<640x128xf32, #tpu.memory_space<vmem_shared>>
      %dma_wait3A_33 = arith.constant 0 : i32
      %dma_wait3A_34 = tpu.memref_slice %arg2[%mul3A_2, %dma_wait3A_33] : memref<10240x128xf32, #tpu.memory_space<hbm>> -> memref<640x128xf32, #tpu.memory_space<hbm>>
      tpu.wait_dma2 semaphore(%run_scoped3A : memref<!tpu.dma_semaphore, #tpu.memory_space<semaphore_mem>>) src(%dma_wait3A_34 : memref<640x128xf32, #tpu.memory_space<hbm>>) dst(%dma_wait3A_32 : memref<640x128xf32, #tpu.memory_space<vmem_shared>>)
      tpu.yield
    }) : () -> ()
    %barrier3A = arith.constant 0 : index
    tpu.barrier barrier_id(%barrier3A)
    "tpu.region"() ({
      %run_scoped3A = tpu.sem_alloc : memref<!tpu.dma_semaphore, #tpu.memory_space<semaphore_mem>>
      %dma_start3A_28 = arith.constant 0 : i32
      %dma_start3A_29 = arith.constant 0 : i32
      %dma_start3A_30 = tpu.memref_slice %arg3[%add3A, %dma_start3A_28, %dma_start3A_29] : memref<32x80x128xi32, #tpu.memory_space<hbm>> -> memref<1x40x128xi32, #tpu.memory_space<hbm>>
      %dma_start3A_31 = tpu.memref_squeeze %dma_start3A_30 : memref<1x40x128xi32, #tpu.memory_space<hbm>> -> memref<40x128xi32, #tpu.memory_space<hbm>>
      %dma_start3A_32 = arith.constant 0 : i32
      %dma_start3A_33 = arith.constant 0 : i32
      %dma_start3A_34 = tpu.memref_slice %arg3[%add3A, %dma_start3A_32, %dma_start3A_33] : memref<32x80x128xi32, #tpu.memory_space<hbm>> -> memref<1x40x128xi32, #tpu.memory_space<hbm>>
      %dma_start3A_35 = tpu.memref_squeeze %dma_start3A_34 : memref<1x40x128xi32, #tpu.memory_space<hbm>> -> memref<40x128xi32, #tpu.memory_space<hbm>>
      tpu.enqueue_dma source(%dma_start3A_35 : memref<40x128xi32, #tpu.memory_space<hbm>>) target(%arg6 : memref<40x128xi32, #tpu.memory_space<vmem>>) target_semaphore(%run_scoped3A : memref<!tpu.dma_semaphore, #tpu.memory_space<semaphore_mem>>)
      %dma_wait3A = arith.constant 0 : i32
      %dma_wait3A_36 = arith.constant 0 : i32
      %dma_wait3A_37 = tpu.memref_slice %arg3[%add3A, %dma_wait3A, %dma_wait3A_36] : memref<32x80x128xi32, #tpu.memory_space<hbm>> -> memref<1x40x128xi32, #tpu.memory_space<hbm>>
      %dma_wait3A_38 = tpu.memref_squeeze %dma_wait3A_37 : memref<1x40x128xi32, #tpu.memory_space<hbm>> -> memref<40x128xi32, #tpu.memory_space<hbm>>
      %dma_wait3A_39 = arith.constant 0 : i32
      %dma_wait3A_40 = arith.constant 0 : i32
      %dma_wait3A_41 = tpu.memref_slice %arg3[%add3A, %dma_wait3A_39, %dma_wait3A_40] : memref<32x80x128xi32, #tpu.memory_space<hbm>> -> memref<1x40x128xi32, #tpu.memory_space<hbm>>
      %dma_wait3A_42 = tpu.memref_squeeze %dma_wait3A_41 : memref<1x40x128xi32, #tpu.memory_space<hbm>> -> memref<40x128xi32, #tpu.memory_space<hbm>>
      tpu.wait_dma2 semaphore(%run_scoped3A : memref<!tpu.dma_semaphore, #tpu.memory_space<semaphore_mem>>) src(%dma_wait3A_42 : memref<40x128xi32, #tpu.memory_space<hbm>>) dst(%arg6 : memref<40x128xi32, #tpu.memory_space<vmem>>)
      tpu.yield
    }) : () -> ()
    "tpu.region"() ({
      %run_scoped3A = tpu.sem_alloc : memref<!tpu.dma_semaphore, #tpu.memory_space<semaphore_mem>>
      %dma_start3A_28 = arith.constant 0 : i32
      %dma_start3A_29 = arith.constant 0 : i32
      %dma_start3A_30 = tpu.memref_slice %arg4[%add3A, %dma_start3A_28, %dma_start3A_29] : memref<32x80x128xi32, #tpu.memory_space<hbm>> -> memref<1x40x128xi32, #tpu.memory_space<hbm>>
      %dma_start3A_31 = tpu.memref_squeeze %dma_start3A_30 : memref<1x40x128xi32, #tpu.memory_space<hbm>> -> memref<40x128xi32, #tpu.memory_space<hbm>>
      %dma_start3A_32 = arith.constant 0 : i32
      %dma_start3A_33 = arith.constant 0 : i32
      %dma_start3A_34 = tpu.memref_slice %arg4[%add3A, %dma_start3A_32, %dma_start3A_33] : memref<32x80x128xi32, #tpu.memory_space<hbm>> -> memref<1x40x128xi32, #tpu.memory_space<hbm>>
      %dma_start3A_35 = tpu.memref_squeeze %dma_start3A_34 : memref<1x40x128xi32, #tpu.memory_space<hbm>> -> memref<40x128xi32, #tpu.memory_space<hbm>>
      tpu.enqueue_dma source(%dma_start3A_35 : memref<40x128xi32, #tpu.memory_space<hbm>>) target(%arg7 : memref<40x128xi32, #tpu.memory_space<vmem>>) target_semaphore(%run_scoped3A : memref<!tpu.dma_semaphore, #tpu.memory_space<semaphore_mem>>)
      %dma_wait3A = arith.constant 0 : i32
      %dma_wait3A_36 = arith.constant 0 : i32
      %dma_wait3A_37 = tpu.memref_slice %arg4[%add3A, %dma_wait3A, %dma_wait3A_36] : memref<32x80x128xi32, #tpu.memory_space<hbm>> -> memref<1x40x128xi32, #tpu.memory_space<hbm>>
      %dma_wait3A_38 = tpu.memref_squeeze %dma_wait3A_37 : memref<1x40x128xi32, #tpu.memory_space<hbm>> -> memref<40x128xi32, #tpu.memory_space<hbm>>
      %dma_wait3A_39 = arith.constant 0 : i32
      %dma_wait3A_40 = arith.constant 0 : i32
      %dma_wait3A_41 = tpu.memref_slice %arg4[%add3A, %dma_wait3A_39, %dma_wait3A_40] : memref<32x80x128xi32, #tpu.memory_space<hbm>> -> memref<1x40x128xi32, #tpu.memory_space<hbm>>
      %dma_wait3A_42 = tpu.memref_squeeze %dma_wait3A_41 : memref<1x40x128xi32, #tpu.memory_space<hbm>> -> memref<40x128xi32, #tpu.memory_space<hbm>>
      tpu.wait_dma2 semaphore(%run_scoped3A : memref<!tpu.dma_semaphore, #tpu.memory_space<semaphore_mem>>) src(%dma_wait3A_42 : memref<40x128xi32, #tpu.memory_space<hbm>>) dst(%arg7 : memref<40x128xi32, #tpu.memory_space<vmem>>)
      tpu.yield
    }) : () -> ()
    %dma_start3A = arith.constant 0 : i32
    %dma_start3A_3 = arith.constant 0 : i32
    %dma_start3A_4 = tpu.memref_slice %arg6[%dma_start3A, %dma_start3A_3] : memref<40x128xi32, #tpu.memory_space<vmem>> -> memref<1x128xi32, #tpu.memory_space<vmem>>
    %dma_start3A_5 = tpu.memref_squeeze %dma_start3A_4 : memref<1x128xi32, #tpu.memory_space<vmem>> -> memref<128xi32, #tpu.memory_space<vmem>>
    %dma_start3A_6 = arith.constant 0 : i32
    %dma_start3A_7 = arith.constant 0 : i32
    %dma_start3A_8 = tpu.memref_slice %arg2[%dma_start3A_6, %dma_start3A_7] : memref<10240x128xf32, #tpu.memory_space<hbm>> -> memref<10240x128xf32, #tpu.memory_space<hbm>>
    tpu.enqueue_indirect_dma source(%dma_start3A_8 : memref<10240x128xf32, #tpu.memory_space<hbm>>) target(%arg8 : memref<128x128xf32, #tpu.memory_space<vmem>>) offsets(%dma_start3A_5 : memref<128xi32, #tpu.memory_space<vmem>>) semaphore(%arg11 : memref<!tpu.dma_semaphore, #tpu.memory_space<semaphore_mem>>)
    %scan3A = arith.constant 0 : i32
    %scan3A_9 = arith.constant 0 : i32
    %scan3A_10 = arith.constant 20 : i32
    %scan3A_11 = arith.addi %scan3A_9, %scan3A_10 : i32
    %scan3A_12 = arith.constant 1 : i32
    scf.for %scan3A_28 = %scan3A_9 to %scan3A_11 step %scan3A_12  : i32 {
      %mul3A_29 = arith.constant 2 : i32
      %mul3A_30 = arith.muli %scan3A_28, %mul3A_29 : i32
      %add3A_31 = arith.constant 1 : i32
      %add3A_32 = arith.addi %mul3A_30, %add3A_31 : i32
      %dma_start3A_33 = arith.constant 0 : i32
      %dma_start3A_34 = tpu.memref_slice %arg6[%add3A_32, %dma_start3A_33] : memref<40x128xi32, #tpu.memory_space<vmem>> -> memref<1x128xi32, #tpu.memory_space<vmem>>
      %dma_start3A_35 = tpu.memref_squeeze %dma_start3A_34 : memref<1x128xi32, #tpu.memory_space<vmem>> -> memref<128xi32, #tpu.memory_space<vmem>>
      %dma_start3A_36 = arith.constant 0 : i32
      %dma_start3A_37 = arith.constant 0 : i32
      %dma_start3A_38 = tpu.memref_slice %arg2[%dma_start3A_36, %dma_start3A_37] : memref<10240x128xf32, #tpu.memory_space<hbm>> -> memref<10240x128xf32, #tpu.memory_space<hbm>>
      tpu.enqueue_indirect_dma source(%dma_start3A_38 : memref<10240x128xf32, #tpu.memory_space<hbm>>) target(%arg9 : memref<128x128xf32, #tpu.memory_space<vmem>>) offsets(%dma_start3A_35 : memref<128xi32, #tpu.memory_space<vmem>>) semaphore(%arg12 : memref<!tpu.dma_semaphore, #tpu.memory_space<semaphore_mem>>)
      %dma_wait3A = arith.constant 0 : i32
      %dma_wait3A_39 = tpu.memref_slice %arg6[%mul3A_30, %dma_wait3A] : memref<40x128xi32, #tpu.memory_space<vmem>> -> memref<1x128xi32, #tpu.memory_space<vmem>>
      %dma_wait3A_40 = tpu.memref_squeeze %dma_wait3A_39 : memref<1x128xi32, #tpu.memory_space<vmem>> -> memref<128xi32, #tpu.memory_space<vmem>>
      %dma_wait3A_41 = arith.constant 0 : i32
      %dma_wait3A_42 = arith.constant 0 : i32
      %dma_wait3A_43 = tpu.memref_slice %arg2[%dma_wait3A_41, %dma_wait3A_42] : memref<10240x128xf32, #tpu.memory_space<hbm>> -> memref<10240x128xf32, #tpu.memory_space<hbm>>
      tpu.wait_indirect_dma semaphore(%arg11 : memref<!tpu.dma_semaphore, #tpu.memory_space<semaphore_mem>>) src(%dma_wait3A_43 : memref<10240x128xf32, #tpu.memory_space<hbm>>) dst(%arg8 : memref<128x128xf32, #tpu.memory_space<vmem>>)
      "tpu.region"() ({
        %run_scoped3A = tpu.sem_alloc : memref<!tpu.dma_semaphore, #tpu.memory_space<semaphore_mem>>
        %dma_start3A_58 = arith.constant 0 : i32
        %dma_start3A_59 = tpu.memref_slice %arg7[%mul3A_30, %dma_start3A_58] : memref<40x128xi32, #tpu.memory_space<vmem>> -> memref<1x128xi32, #tpu.memory_space<vmem>>
        %dma_start3A_60 = tpu.memref_squeeze %dma_start3A_59 : memref<1x128xi32, #tpu.memory_space<vmem>> -> memref<128xi32, #tpu.memory_space<vmem>>
        %dma_start3A_61 = arith.constant 0 : i32
        %dma_start3A_62 = arith.constant 0 : i32
        %dma_start3A_63 = tpu.memref_slice %arg10[%dma_start3A_61, %dma_start3A_62] : memref<10240x128xf32, #tpu.memory_space<vmem_shared>> -> memref<10240x128xf32, #tpu.memory_space<vmem_shared>>
        tpu.enqueue_indirect_dma source(%arg8 : memref<128x128xf32, #tpu.memory_space<vmem>>) target(%dma_start3A_63 : memref<10240x128xf32, #tpu.memory_space<vmem_shared>>) offsets(%dma_start3A_60 : memref<128xi32, #tpu.memory_space<vmem>>) semaphore(%run_scoped3A : memref<!tpu.dma_semaphore, #tpu.memory_space<semaphore_mem>>) {add = true}
        %dma_wait3A_64 = arith.constant 0 : i32
        %dma_wait3A_65 = tpu.memref_slice %arg7[%mul3A_30, %dma_wait3A_64] : memref<40x128xi32, #tpu.memory_space<vmem>> -> memref<1x128xi32, #tpu.memory_space<vmem>>
        %dma_wait3A_66 = tpu.memref_squeeze %dma_wait3A_65 : memref<1x128xi32, #tpu.memory_space<vmem>> -> memref<128xi32, #tpu.memory_space<vmem>>
        %dma_wait3A_67 = arith.constant 0 : i32
        %dma_wait3A_68 = arith.constant 0 : i32
        %dma_wait3A_69 = tpu.memref_slice %arg10[%dma_wait3A_67, %dma_wait3A_68] : memref<10240x128xf32, #tpu.memory_space<vmem_shared>> -> memref<10240x128xf32, #tpu.memory_space<vmem_shared>>
        tpu.wait_indirect_dma semaphore(%run_scoped3A : memref<!tpu.dma_semaphore, #tpu.memory_space<semaphore_mem>>) src(%arg8 : memref<128x128xf32, #tpu.memory_space<vmem>>) dst(%dma_wait3A_69 : memref<10240x128xf32, #tpu.memory_space<vmem_shared>>)
        tpu.yield
      }) : () -> ()
      %add3A_44 = arith.constant 2 : i32
      %add3A_45 = arith.addi %mul3A_30, %add3A_44 : i32
      %lt3A = arith.constant 40 : i32
      %lt3A_46 = arith.cmpi slt, %add3A_45, %lt3A : i32
      %convert_element_type3A = arith.extui %lt3A_46 : i1 to i32
      %cond3A = arith.constant 0 : i32
      %cond3A_47 = arith.cmpi ne, %convert_element_type3A, %cond3A : i32
      scf.if %cond3A_47 {
        %add3A_58 = arith.constant 2 : i32
        %add3A_59 = arith.addi %mul3A_30, %add3A_58 : i32
        %dma_start3A_60 = arith.constant 0 : i32
        %dma_start3A_61 = tpu.memref_slice %arg6[%add3A_59, %dma_start3A_60] : memref<40x128xi32, #tpu.memory_space<vmem>> -> memref<1x128xi32, #tpu.memory_space<vmem>>
        %dma_start3A_62 = tpu.memref_squeeze %dma_start3A_61 : memref<1x128xi32, #tpu.memory_space<vmem>> -> memref<128xi32, #tpu.memory_space<vmem>>
        %dma_start3A_63 = arith.constant 0 : i32
        %dma_start3A_64 = arith.constant 0 : i32
        %dma_start3A_65 = tpu.memref_slice %arg2[%dma_start3A_63, %dma_start3A_64] : memref<10240x128xf32, #tpu.memory_space<hbm>> -> memref<10240x128xf32, #tpu.memory_space<hbm>>
        tpu.enqueue_indirect_dma source(%dma_start3A_65 : memref<10240x128xf32, #tpu.memory_space<hbm>>) target(%arg8 : memref<128x128xf32, #tpu.memory_space<vmem>>) offsets(%dma_start3A_62 : memref<128xi32, #tpu.memory_space<vmem>>) semaphore(%arg11 : memref<!tpu.dma_semaphore, #tpu.memory_space<semaphore_mem>>)
      } else {
      }
      %add3A_48 = arith.constant 1 : i32
      %add3A_49 = arith.addi %mul3A_30, %add3A_48 : i32
      %dma_wait3A_50 = arith.constant 0 : i32
      %dma_wait3A_51 = tpu.memref_slice %arg6[%add3A_49, %dma_wait3A_50] : memref<40x128xi32, #tpu.memory_space<vmem>> -> memref<1x128xi32, #tpu.memory_space<vmem>>
      %dma_wait3A_52 = tpu.memref_squeeze %dma_wait3A_51 : memref<1x128xi32, #tpu.memory_space<vmem>> -> memref<128xi32, #tpu.memory_space<vmem>>
      %dma_wait3A_53 = arith.constant 0 : i32
      %dma_wait3A_54 = arith.constant 0 : i32
      %dma_wait3A_55 = tpu.memref_slice %arg2[%dma_wait3A_53, %dma_wait3A_54] : memref<10240x128xf32, #tpu.memory_space<hbm>> -> memref<10240x128xf32, #tpu.memory_space<hbm>>
      tpu.wait_indirect_dma semaphore(%arg12 : memref<!tpu.dma_semaphore, #tpu.memory_space<semaphore_mem>>) src(%dma_wait3A_55 : memref<10240x128xf32, #tpu.memory_space<hbm>>) dst(%arg9 : memref<128x128xf32, #tpu.memory_space<vmem>>)
      %add3A_56 = arith.constant 1 : i32
      %add3A_57 = arith.addi %mul3A_30, %add3A_56 : i32
      "tpu.region"() ({
        %run_scoped3A = tpu.sem_alloc : memref<!tpu.dma_semaphore, #tpu.memory_space<semaphore_mem>>
        %dma_start3A_58 = arith.constant 0 : i32
        %dma_start3A_59 = tpu.memref_slice %arg7[%add3A_57, %dma_start3A_58] : memref<40x128xi32, #tpu.memory_space<vmem>> -> memref<1x128xi32, #tpu.memory_space<vmem>>
        %dma_start3A_60 = tpu.memref_squeeze %dma_start3A_59 : memref<1x128xi32, #tpu.memory_space<vmem>> -> memref<128xi32, #tpu.memory_space<vmem>>
        %dma_start3A_61 = arith.constant 0 : i32
        %dma_start3A_62 = arith.constant 0 : i32
        %dma_start3A_63 = tpu.memref_slice %arg10[%dma_start3A_61, %dma_start3A_62] : memref<10240x128xf32, #tpu.memory_space<vmem_shared>> -> memref<10240x128xf32, #tpu.memory_space<vmem_shared>>
        tpu.enqueue_indirect_dma source(%arg9 : memref<128x128xf32, #tpu.memory_space<vmem>>) target(%dma_start3A_63 : memref<10240x128xf32, #tpu.memory_space<vmem_shared>>) offsets(%dma_start3A_60 : memref<128xi32, #tpu.memory_space<vmem>>) semaphore(%run_scoped3A : memref<!tpu.dma_semaphore, #tpu.memory_space<semaphore_mem>>) {add = true}
        %dma_wait3A_64 = arith.constant 0 : i32
        %dma_wait3A_65 = tpu.memref_slice %arg7[%add3A_57, %dma_wait3A_64] : memref<40x128xi32, #tpu.memory_space<vmem>> -> memref<1x128xi32, #tpu.memory_space<vmem>>
        %dma_wait3A_66 = tpu.memref_squeeze %dma_wait3A_65 : memref<1x128xi32, #tpu.memory_space<vmem>> -> memref<128xi32, #tpu.memory_space<vmem>>
        %dma_wait3A_67 = arith.constant 0 : i32
        %dma_wait3A_68 = arith.constant 0 : i32
        %dma_wait3A_69 = tpu.memref_slice %arg10[%dma_wait3A_67, %dma_wait3A_68] : memref<10240x128xf32, #tpu.memory_space<vmem_shared>> -> memref<10240x128xf32, #tpu.memory_space<vmem_shared>>
        tpu.wait_indirect_dma semaphore(%run_scoped3A : memref<!tpu.dma_semaphore, #tpu.memory_space<semaphore_mem>>) src(%arg9 : memref<128x128xf32, #tpu.memory_space<vmem>>) dst(%dma_wait3A_69 : memref<10240x128xf32, #tpu.memory_space<vmem_shared>>)
        tpu.yield
      }) : () -> ()
    }
    %scan3A_13 = arith.constant 20 : i32
    "tpu.region"() ({
      %run_scoped3A = tpu.sem_alloc : memref<!tpu.dma_semaphore, #tpu.memory_space<semaphore_mem>>
      %dma_start3A_28 = arith.constant 40 : i32
      %dma_start3A_29 = arith.constant 0 : i32
      %dma_start3A_30 = tpu.memref_slice %arg3[%add3A, %dma_start3A_28, %dma_start3A_29] : memref<32x80x128xi32, #tpu.memory_space<hbm>> -> memref<1x40x128xi32, #tpu.memory_space<hbm>>
      %dma_start3A_31 = tpu.memref_squeeze %dma_start3A_30 : memref<1x40x128xi32, #tpu.memory_space<hbm>> -> memref<40x128xi32, #tpu.memory_space<hbm>>
      %dma_start3A_32 = arith.constant 40 : i32
      %dma_start3A_33 = arith.constant 0 : i32
      %dma_start3A_34 = tpu.memref_slice %arg3[%add3A, %dma_start3A_32, %dma_start3A_33] : memref<32x80x128xi32, #tpu.memory_space<hbm>> -> memref<1x40x128xi32, #tpu.memory_space<hbm>>
      %dma_start3A_35 = tpu.memref_squeeze %dma_start3A_34 : memref<1x40x128xi32, #tpu.memory_space<hbm>> -> memref<40x128xi32, #tpu.memory_space<hbm>>
      tpu.enqueue_dma source(%dma_start3A_35 : memref<40x128xi32, #tpu.memory_space<hbm>>) target(%arg6 : memref<40x128xi32, #tpu.memory_space<vmem>>) target_semaphore(%run_scoped3A : memref<!tpu.dma_semaphore, #tpu.memory_space<semaphore_mem>>)
      %dma_wait3A = arith.constant 40 : i32
      %dma_wait3A_36 = arith.constant 0 : i32
      %dma_wait3A_37 = tpu.memref_slice %arg3[%add3A, %dma_wait3A, %dma_wait3A_36] : memref<32x80x128xi32, #tpu.memory_space<hbm>> -> memref<1x40x128xi32, #tpu.memory_space<hbm>>
      %dma_wait3A_38 = tpu.memref_squeeze %dma_wait3A_37 : memref<1x40x128xi32, #tpu.memory_space<hbm>> -> memref<40x128xi32, #tpu.memory_space<hbm>>
      %dma_wait3A_39 = arith.constant 40 : i32
      %dma_wait3A_40 = arith.constant 0 : i32
      %dma_wait3A_41 = tpu.memref_slice %arg3[%add3A, %dma_wait3A_39, %dma_wait3A_40] : memref<32x80x128xi32, #tpu.memory_space<hbm>> -> memref<1x40x128xi32, #tpu.memory_space<hbm>>
      %dma_wait3A_42 = tpu.memref_squeeze %dma_wait3A_41 : memref<1x40x128xi32, #tpu.memory_space<hbm>> -> memref<40x128xi32, #tpu.memory_space<hbm>>
      tpu.wait_dma2 semaphore(%run_scoped3A : memref<!tpu.dma_semaphore, #tpu.memory_space<semaphore_mem>>) src(%dma_wait3A_42 : memref<40x128xi32, #tpu.memory_space<hbm>>) dst(%arg6 : memref<40x128xi32, #tpu.memory_space<vmem>>)
      tpu.yield
    }) : () -> ()
    "tpu.region"() ({
      %run_scoped3A = tpu.sem_alloc : memref<!tpu.dma_semaphore, #tpu.memory_space<semaphore_mem>>
      %dma_start3A_28 = arith.constant 40 : i32
      %dma_start3A_29 = arith.constant 0 : i32
      %dma_start3A_30 = tpu.memref_slice %arg4[%add3A, %dma_start3A_28, %dma_start3A_29] : memref<32x80x128xi32, #tpu.memory_space<hbm>> -> memref<1x40x128xi32, #tpu.memory_space<hbm>>
      %dma_start3A_31 = tpu.memref_squeeze %dma_start3A_30 : memref<1x40x128xi32, #tpu.memory_space<hbm>> -> memref<40x128xi32, #tpu.memory_space<hbm>>
      %dma_start3A_32 = arith.constant 40 : i32
      %dma_start3A_33 = arith.constant 0 : i32
      %dma_start3A_34 = tpu.memref_slice %arg4[%add3A, %dma_start3A_32, %dma_start3A_33] : memref<32x80x128xi32, #tpu.memory_space<hbm>> -> memref<1x40x128xi32, #tpu.memory_space<hbm>>
      %dma_start3A_35 = tpu.memref_squeeze %dma_start3A_34 : memref<1x40x128xi32, #tpu.memory_space<hbm>> -> memref<40x128xi32, #tpu.memory_space<hbm>>
      tpu.enqueue_dma source(%dma_start3A_35 : memref<40x128xi32, #tpu.memory_space<hbm>>) target(%arg7 : memref<40x128xi32, #tpu.memory_space<vmem>>) target_semaphore(%run_scoped3A : memref<!tpu.dma_semaphore, #tpu.memory_space<semaphore_mem>>)
      %dma_wait3A = arith.constant 40 : i32
      %dma_wait3A_36 = arith.constant 0 : i32
      %dma_wait3A_37 = tpu.memref_slice %arg4[%add3A, %dma_wait3A, %dma_wait3A_36] : memref<32x80x128xi32, #tpu.memory_space<hbm>> -> memref<1x40x128xi32, #tpu.memory_space<hbm>>
      %dma_wait3A_38 = tpu.memref_squeeze %dma_wait3A_37 : memref<1x40x128xi32, #tpu.memory_space<hbm>> -> memref<40x128xi32, #tpu.memory_space<hbm>>
      %dma_wait3A_39 = arith.constant 40 : i32
      %dma_wait3A_40 = arith.constant 0 : i32
      %dma_wait3A_41 = tpu.memref_slice %arg4[%add3A, %dma_wait3A_39, %dma_wait3A_40] : memref<32x80x128xi32, #tpu.memory_space<hbm>> -> memref<1x40x128xi32, #tpu.memory_space<hbm>>
      %dma_wait3A_42 = tpu.memref_squeeze %dma_wait3A_41 : memref<1x40x128xi32, #tpu.memory_space<hbm>> -> memref<40x128xi32, #tpu.memory_space<hbm>>
      tpu.wait_dma2 semaphore(%run_scoped3A : memref<!tpu.dma_semaphore, #tpu.memory_space<semaphore_mem>>) src(%dma_wait3A_42 : memref<40x128xi32, #tpu.memory_space<hbm>>) dst(%arg7 : memref<40x128xi32, #tpu.memory_space<vmem>>)
      tpu.yield
    }) : () -> ()
    %dma_start3A_14 = arith.constant 0 : i32
    %dma_start3A_15 = arith.constant 0 : i32
    %dma_start3A_16 = tpu.memref_slice %arg6[%dma_start3A_14, %dma_start3A_15] : memref<40x128xi32, #tpu.memory_space<vmem>> -> memref<1x128xi32, #tpu.memory_space<vmem>>
    %dma_start3A_17 = tpu.memref_squeeze %dma_start3A_16 : memref<1x128xi32, #tpu.memory_space<vmem>> -> memref<128xi32, #tpu.memory_space<vmem>>
    %dma_start3A_18 = arith.constant 0 : i32
    %dma_start3A_19 = arith.constant 0 : i32
    %dma_start3A_20 = tpu.memref_slice %arg2[%dma_start3A_18, %dma_start3A_19] : memref<10240x128xf32, #tpu.memory_space<hbm>> -> memref<10240x128xf32, #tpu.memory_space<hbm>>
    tpu.enqueue_indirect_dma source(%dma_start3A_20 : memref<10240x128xf32, #tpu.memory_space<hbm>>) target(%arg8 : memref<128x128xf32, #tpu.memory_space<vmem>>) offsets(%dma_start3A_17 : memref<128xi32, #tpu.memory_space<vmem>>) semaphore(%arg11 : memref<!tpu.dma_semaphore, #tpu.memory_space<semaphore_mem>>)
    %scan3A_21 = arith.constant 0 : i32
    %scan3A_22 = arith.constant 0 : i32
    %scan3A_23 = arith.constant 20 : i32
    %scan3A_24 = arith.addi %scan3A_22, %scan3A_23 : i32
    %scan3A_25 = arith.constant 1 : i32
    scf.for %scan3A_28 = %scan3A_22 to %scan3A_24 step %scan3A_25  : i32 {
      %mul3A_29 = arith.constant 2 : i32
      %mul3A_30 = arith.muli %scan3A_28, %mul3A_29 : i32
      %add3A_31 = arith.constant 1 : i32
      %add3A_32 = arith.addi %mul3A_30, %add3A_31 : i32
      %dma_start3A_33 = arith.constant 0 : i32
      %dma_start3A_34 = tpu.memref_slice %arg6[%add3A_32, %dma_start3A_33] : memref<40x128xi32, #tpu.memory_space<vmem>> -> memref<1x128xi32, #tpu.memory_space<vmem>>
      %dma_start3A_35 = tpu.memref_squeeze %dma_start3A_34 : memref<1x128xi32, #tpu.memory_space<vmem>> -> memref<128xi32, #tpu.memory_space<vmem>>
      %dma_start3A_36 = arith.constant 0 : i32
      %dma_start3A_37 = arith.constant 0 : i32
      %dma_start3A_38 = tpu.memref_slice %arg2[%dma_start3A_36, %dma_start3A_37] : memref<10240x128xf32, #tpu.memory_space<hbm>> -> memref<10240x128xf32, #tpu.memory_space<hbm>>
      tpu.enqueue_indirect_dma source(%dma_start3A_38 : memref<10240x128xf32, #tpu.memory_space<hbm>>) target(%arg9 : memref<128x128xf32, #tpu.memory_space<vmem>>) offsets(%dma_start3A_35 : memref<128xi32, #tpu.memory_space<vmem>>) semaphore(%arg12 : memref<!tpu.dma_semaphore, #tpu.memory_space<semaphore_mem>>)
      %dma_wait3A = arith.constant 0 : i32
      %dma_wait3A_39 = tpu.memref_slice %arg6[%mul3A_30, %dma_wait3A] : memref<40x128xi32, #tpu.memory_space<vmem>> -> memref<1x128xi32, #tpu.memory_space<vmem>>
      %dma_wait3A_40 = tpu.memref_squeeze %dma_wait3A_39 : memref<1x128xi32, #tpu.memory_space<vmem>> -> memref<128xi32, #tpu.memory_space<vmem>>
      %dma_wait3A_41 = arith.constant 0 : i32
      %dma_wait3A_42 = arith.constant 0 : i32
      %dma_wait3A_43 = tpu.memref_slice %arg2[%dma_wait3A_41, %dma_wait3A_42] : memref<10240x128xf32, #tpu.memory_space<hbm>> -> memref<10240x128xf32, #tpu.memory_space<hbm>>
      tpu.wait_indirect_dma semaphore(%arg11 : memref<!tpu.dma_semaphore, #tpu.memory_space<semaphore_mem>>) src(%dma_wait3A_43 : memref<10240x128xf32, #tpu.memory_space<hbm>>) dst(%arg8 : memref<128x128xf32, #tpu.memory_space<vmem>>)
      "tpu.region"() ({
        %run_scoped3A = tpu.sem_alloc : memref<!tpu.dma_semaphore, #tpu.memory_space<semaphore_mem>>
        %dma_start3A_58 = arith.constant 0 : i32
        %dma_start3A_59 = tpu.memref_slice %arg7[%mul3A_30, %dma_start3A_58] : memref<40x128xi32, #tpu.memory_space<vmem>> -> memref<1x128xi32, #tpu.memory_space<vmem>>
        %dma_start3A_60 = tpu.memref_squeeze %dma_start3A_59 : memref<1x128xi32, #tpu.memory_space<vmem>> -> memref<128xi32, #tpu.memory_space<vmem>>
        %dma_start3A_61 = arith.constant 0 : i32
        %dma_start3A_62 = arith.constant 0 : i32
        %dma_start3A_63 = tpu.memref_slice %arg10[%dma_start3A_61, %dma_start3A_62] : memref<10240x128xf32, #tpu.memory_space<vmem_shared>> -> memref<10240x128xf32, #tpu.memory_space<vmem_shared>>
        tpu.enqueue_indirect_dma source(%arg8 : memref<128x128xf32, #tpu.memory_space<vmem>>) target(%dma_start3A_63 : memref<10240x128xf32, #tpu.memory_space<vmem_shared>>) offsets(%dma_start3A_60 : memref<128xi32, #tpu.memory_space<vmem>>) semaphore(%run_scoped3A : memref<!tpu.dma_semaphore, #tpu.memory_space<semaphore_mem>>) {add = true}
        %dma_wait3A_64 = arith.constant 0 : i32
        %dma_wait3A_65 = tpu.memref_slice %arg7[%mul3A_30, %dma_wait3A_64] : memref<40x128xi32, #tpu.memory_space<vmem>> -> memref<1x128xi32, #tpu.memory_space<vmem>>
        %dma_wait3A_66 = tpu.memref_squeeze %dma_wait3A_65 : memref<1x128xi32, #tpu.memory_space<vmem>> -> memref<128xi32, #tpu.memory_space<vmem>>
        %dma_wait3A_67 = arith.constant 0 : i32
        %dma_wait3A_68 = arith.constant 0 : i32
        %dma_wait3A_69 = tpu.memref_slice %arg10[%dma_wait3A_67, %dma_wait3A_68] : memref<10240x128xf32, #tpu.memory_space<vmem_shared>> -> memref<10240x128xf32, #tpu.memory_space<vmem_shared>>
        tpu.wait_indirect_dma semaphore(%run_scoped3A : memref<!tpu.dma_semaphore, #tpu.memory_space<semaphore_mem>>) src(%arg8 : memref<128x128xf32, #tpu.memory_space<vmem>>) dst(%dma_wait3A_69 : memref<10240x128xf32, #tpu.memory_space<vmem_shared>>)
        tpu.yield
      }) : () -> ()
      %add3A_44 = arith.constant 2 : i32
      %add3A_45 = arith.addi %mul3A_30, %add3A_44 : i32
      %lt3A = arith.constant 40 : i32
      %lt3A_46 = arith.cmpi slt, %add3A_45, %lt3A : i32
      %convert_element_type3A = arith.extui %lt3A_46 : i1 to i32
      %cond3A = arith.constant 0 : i32
      %cond3A_47 = arith.cmpi ne, %convert_element_type3A, %cond3A : i32
      scf.if %cond3A_47 {
        %add3A_58 = arith.constant 2 : i32
        %add3A_59 = arith.addi %mul3A_30, %add3A_58 : i32
        %dma_start3A_60 = arith.constant 0 : i32
        %dma_start3A_61 = tpu.memref_slice %arg6[%add3A_59, %dma_start3A_60] : memref<40x128xi32, #tpu.memory_space<vmem>> -> memref<1x128xi32, #tpu.memory_space<vmem>>
        %dma_start3A_62 = tpu.memref_squeeze %dma_start3A_61 : memref<1x128xi32, #tpu.memory_space<vmem>> -> memref<128xi32, #tpu.memory_space<vmem>>
        %dma_start3A_63 = arith.constant 0 : i32
        %dma_start3A_64 = arith.constant 0 : i32
        %dma_start3A_65 = tpu.memref_slice %arg2[%dma_start3A_63, %dma_start3A_64] : memref<10240x128xf32, #tpu.memory_space<hbm>> -> memref<10240x128xf32, #tpu.memory_space<hbm>>
        tpu.enqueue_indirect_dma source(%dma_start3A_65 : memref<10240x128xf32, #tpu.memory_space<hbm>>) target(%arg8 : memref<128x128xf32, #tpu.memory_space<vmem>>) offsets(%dma_start3A_62 : memref<128xi32, #tpu.memory_space<vmem>>) semaphore(%arg11 : memref<!tpu.dma_semaphore, #tpu.memory_space<semaphore_mem>>)
      } else {
      }
      %add3A_48 = arith.constant 1 : i32
      %add3A_49 = arith.addi %mul3A_30, %add3A_48 : i32
      %dma_wait3A_50 = arith.constant 0 : i32
      %dma_wait3A_51 = tpu.memref_slice %arg6[%add3A_49, %dma_wait3A_50] : memref<40x128xi32, #tpu.memory_space<vmem>> -> memref<1x128xi32, #tpu.memory_space<vmem>>
      %dma_wait3A_52 = tpu.memref_squeeze %dma_wait3A_51 : memref<1x128xi32, #tpu.memory_space<vmem>> -> memref<128xi32, #tpu.memory_space<vmem>>
      %dma_wait3A_53 = arith.constant 0 : i32
      %dma_wait3A_54 = arith.constant 0 : i32
      %dma_wait3A_55 = tpu.memref_slice %arg2[%dma_wait3A_53, %dma_wait3A_54] : memref<10240x128xf32, #tpu.memory_space<hbm>> -> memref<10240x128xf32, #tpu.memory_space<hbm>>
      tpu.wait_indirect_dma semaphore(%arg12 : memref<!tpu.dma_semaphore, #tpu.memory_space<semaphore_mem>>) src(%dma_wait3A_55 : memref<10240x128xf32, #tpu.memory_space<hbm>>) dst(%arg9 : memref<128x128xf32, #tpu.memory_space<vmem>>)
      %add3A_56 = arith.constant 1 : i32
      %add3A_57 = arith.addi %mul3A_30, %add3A_56 : i32
      "tpu.region"() ({
        %run_scoped3A = tpu.sem_alloc : memref<!tpu.dma_semaphore, #tpu.memory_space<semaphore_mem>>
        %dma_start3A_58 = arith.constant 0 : i32
        %dma_start3A_59 = tpu.memref_slice %arg7[%add3A_57, %dma_start3A_58] : memref<40x128xi32, #tpu.memory_space<vmem>> -> memref<1x128xi32, #tpu.memory_space<vmem>>
        %dma_start3A_60 = tpu.memref_squeeze %dma_start3A_59 : memref<1x128xi32, #tpu.memory_space<vmem>> -> memref<128xi32, #tpu.memory_space<vmem>>
        %dma_start3A_61 = arith.constant 0 : i32
        %dma_start3A_62 = arith.constant 0 : i32
        %dma_start3A_63 = tpu.memref_slice %arg10[%dma_start3A_61, %dma_start3A_62] : memref<10240x128xf32, #tpu.memory_space<vmem_shared>> -> memref<10240x128xf32, #tpu.memory_space<vmem_shared>>
        tpu.enqueue_indirect_dma source(%arg9 : memref<128x128xf32, #tpu.memory_space<vmem>>) target(%dma_start3A_63 : memref<10240x128xf32, #tpu.memory_space<vmem_shared>>) offsets(%dma_start3A_60 : memref<128xi32, #tpu.memory_space<vmem>>) semaphore(%run_scoped3A : memref<!tpu.dma_semaphore, #tpu.memory_space<semaphore_mem>>) {add = true}
        %dma_wait3A_64 = arith.constant 0 : i32
        %dma_wait3A_65 = tpu.memref_slice %arg7[%add3A_57, %dma_wait3A_64] : memref<40x128xi32, #tpu.memory_space<vmem>> -> memref<1x128xi32, #tpu.memory_space<vmem>>
        %dma_wait3A_66 = tpu.memref_squeeze %dma_wait3A_65 : memref<1x128xi32, #tpu.memory_space<vmem>> -> memref<128xi32, #tpu.memory_space<vmem>>
        %dma_wait3A_67 = arith.constant 0 : i32
        %dma_wait3A_68 = arith.constant 0 : i32
        %dma_wait3A_69 = tpu.memref_slice %arg10[%dma_wait3A_67, %dma_wait3A_68] : memref<10240x128xf32, #tpu.memory_space<vmem_shared>> -> memref<10240x128xf32, #tpu.memory_space<vmem_shared>>
        tpu.wait_indirect_dma semaphore(%run_scoped3A : memref<!tpu.dma_semaphore, #tpu.memory_space<semaphore_mem>>) src(%arg9 : memref<128x128xf32, #tpu.memory_space<vmem>>) dst(%dma_wait3A_69 : memref<10240x128xf32, #tpu.memory_space<vmem_shared>>)
        tpu.yield
      }) : () -> ()
    }
    %scan3A_26 = arith.constant 20 : i32
    %barrier3A_27 = arith.constant 0 : index
    tpu.barrier barrier_id(%barrier3A_27)
    "tpu.region"() ({
      %run_scoped3A = tpu.sem_alloc : memref<!tpu.dma_semaphore, #tpu.memory_space<semaphore_mem>>
      %dma_start3A_28 = arith.constant 0 : i32
      %dma_start3A_29 = tpu.memref_slice %arg5[%arg0, %mul3A_2, %dma_start3A_28] : memref<2x10240x128xf32, #tpu.memory_space<hbm>> -> memref<1x640x128xf32, #tpu.memory_space<hbm>>
      %dma_start3A_30 = tpu.memref_squeeze %dma_start3A_29 : memref<1x640x128xf32, #tpu.memory_space<hbm>> -> memref<640x128xf32, #tpu.memory_space<hbm>>
      %dma_start3A_31 = arith.constant 0 : i32
      %dma_start3A_32 = tpu.memref_slice %arg10[%mul3A_2, %dma_start3A_31] : memref<10240x128xf32, #tpu.memory_space<vmem_shared>> -> memref<640x128xf32, #tpu.memory_space<vmem_shared>>
      tpu.enqueue_dma source(%dma_start3A_32 : memref<640x128xf32, #tpu.memory_space<vmem_shared>>) target(%dma_start3A_30 : memref<640x128xf32, #tpu.memory_space<hbm>>) target_semaphore(%run_scoped3A : memref<!tpu.dma_semaphore, #tpu.memory_space<semaphore_mem>>)
      %dma_wait3A = arith.constant 0 : i32
      %dma_wait3A_33 = tpu.memref_slice %arg5[%arg0, %mul3A_2, %dma_wait3A] : memref<2x10240x128xf32, #tpu.memory_space<hbm>> -> memref<1x640x128xf32, #tpu.memory_space<hbm>>
      %dma_wait3A_34 = tpu.memref_squeeze %dma_wait3A_33 : memref<1x640x128xf32, #tpu.memory_space<hbm>> -> memref<640x128xf32, #tpu.memory_space<hbm>>
      %dma_wait3A_35 = arith.constant 0 : i32
      %dma_wait3A_36 = tpu.memref_slice %arg10[%mul3A_2, %dma_wait3A_35] : memref<10240x128xf32, #tpu.memory_space<vmem_shared>> -> memref<640x128xf32, #tpu.memory_space<vmem_shared>>
      tpu.wait_dma2 semaphore(%run_scoped3A : memref<!tpu.dma_semaphore, #tpu.memory_space<semaphore_mem>>) src(%dma_wait3A_36 : memref<640x128xf32, #tpu.memory_space<vmem_shared>>) dst(%dma_wait3A_34 : memref<640x128xf32, #tpu.memory_space<hbm>>)
      tpu.yield
    }) : () -> ()
    return
  }
}

#map = affine_map<(d0, d1) -> (0, 0)>
#map1 = affine_map<(d0, d1) -> (0, 0, 0)>
module attributes {stable_mosaic.version = 14 : i64} {
  func.func @segsum(%arg0: i32, %arg1: i32, %arg2: memref<10240x128xf32, #tpu.memory_space<hbm>>, %arg3: memref<32x80x128xi32, #tpu.memory_space<hbm>>, %arg4: memref<32x80x128xi32, #tpu.memory_space<hbm>>, %arg5: memref<2x10240x128xf32, #tpu.memory_space<hbm>>, %arg6: memref<40x128xi32, #tpu.memory_space<vmem>>, %arg7: memref<40x128xi32, #tpu.memory_space<vmem>>, %arg8: memref<128x128xf32, #tpu.memory_space<vmem>>, %arg9: memref<128x128xf32, #tpu.memory_space<vmem>>, %arg10: memref<10240x128xf32, #tpu.memory_space<vmem_shared>>, %arg11: memref<!tpu.dma_semaphore, #tpu.memory_space<semaphore_mem>>, %arg12: memref<!tpu.dma_semaphore, #tpu.memory_space<semaphore_mem>>) attributes {dimension_semantics = [#tpu.dimension_semantics<core_parallel>, #tpu.dimension_semantics<subcore_parallel>], iteration_bounds = array<i64: 2, 16>, scalar_prefetch = 0 : i64, scratch_operands = 7 : i64, tpu.core_type = #tpu.core_type<sc_vector_subcore>, window_params = [{transform_indices = #map}, {transform_indices = #map1}, {transform_indices = #map1}, {transform_indices = #map1}]} {
    %mul3A = arith.constant 16 : i32
    %mul3A_0 = arith.muli %arg0, %mul3A : i32
    %add3A = arith.addi %mul3A_0, %arg1 : i32
    %mul3A_1 = arith.constant 640 : i32
    %mul3A_2 = arith.muli %arg1, %mul3A_1 : i32
    "tpu.region"() ({
      %run_scoped3A = tpu.sem_alloc : memref<!tpu.dma_semaphore, #tpu.memory_space<semaphore_mem>>
      %dma_start3A_28 = arith.constant 0 : i32
      %dma_start3A_29 = tpu.memref_slice %arg10[%mul3A_2, %dma_start3A_28] : memref<10240x128xf32, #tpu.memory_space<vmem_shared>> -> memref<640x128xf32, #tpu.memory_space<vmem_shared>>
      %dma_start3A_30 = arith.constant 0 : i32
      %dma_start3A_31 = tpu.memref_slice %arg2[%mul3A_2, %dma_start3A_30] : memref<10240x128xf32, #tpu.memory_space<hbm>> -> memref<640x128xf32, #tpu.memory_space<hbm>>
      tpu.enqueue_dma source(%dma_start3A_31 : memref<640x128xf32, #tpu.memory_space<hbm>>) target(%dma_start3A_29 : memref<640x128xf32, #tpu.memory_space<vmem_shared>>) target_semaphore(%run_scoped3A : memref<!tpu.dma_semaphore, #tpu.memory_space<semaphore_mem>>)
      %dma_wait3A = arith.constant 0 : i32
      %dma_wait3A_32 = tpu.memref_slice %arg10[%mul3A_2, %dma_wait3A] : memref<10240x128xf32, #tpu.memory_space<vmem_shared>> -> memref<640x128xf32, #tpu.memory_space<vmem_shared>>
      %dma_wait3A_33 = arith.constant 0 : i32
      %dma_wait3A_34 = tpu.memref_slice %arg2[%mul3A_2, %dma_wait3A_33] : memref<10240x128xf32, #tpu.memory_space<hbm>> -> memref<640x128xf32, #tpu.memory_space<hbm>>
      tpu.wait_dma2 semaphore(%run_scoped3A : memref<!tpu.dma_semaphore, #tpu.memory_space<semaphore_mem>>) src(%dma_wait3A_34 : memref<640x128xf32, #tpu.memory_space<hbm>>) dst(%dma_wait3A_32 : memref<640x128xf32, #tpu.memory_space<vmem_shared>>)
      tpu.yield
    }) : () -> ()
    %barrier3A = arith.constant 0 : index
    tpu.barrier barrier_id(%barrier3A)
    "tpu.region"() ({
      %run_scoped3A = tpu.sem_alloc : memref<!tpu.dma_semaphore, #tpu.memory_space<semaphore_mem>>
      %dma_start3A_28 = arith.constant 0 : i32
      %dma_start3A_29 = arith.constant 0 : i32
      %dma_start3A_30 = tpu.memref_slice %arg3[%add3A, %dma_start3A_28, %dma_start3A_29] : memref<32x80x128xi32, #tpu.memory_space<hbm>> -> memref<1x40x128xi32, #tpu.memory_space<hbm>>
      %dma_start3A_31 = tpu.memref_squeeze %dma_start3A_30 : memref<1x40x128xi32, #tpu.memory_space<hbm>> -> memref<40x128xi32, #tpu.memory_space<hbm>>
      %dma_start3A_32 = arith.constant 0 : i32
      %dma_start3A_33 = arith.constant 0 : i32
      %dma_start3A_34 = tpu.memref_slice %arg3[%add3A, %dma_start3A_32, %dma_start3A_33] : memref<32x80x128xi32, #tpu.memory_space<hbm>> -> memref<1x40x128xi32, #tpu.memory_space<hbm>>
      %dma_start3A_35 = tpu.memref_squeeze %dma_start3A_34 : memref<1x40x128xi32, #tpu.memory_space<hbm>> -> memref<40x128xi32, #tpu.memory_space<hbm>>
      tpu.enqueue_dma source(%dma_start3A_35 : memref<40x128xi32, #tpu.memory_space<hbm>>) target(%arg6 : memref<40x128xi32, #tpu.memory_space<vmem>>) target_semaphore(%run_scoped3A : memref<!tpu.dma_semaphore, #tpu.memory_space<semaphore_mem>>)
      %dma_wait3A = arith.constant 0 : i32
      %dma_wait3A_36 = arith.constant 0 : i32
      %dma_wait3A_37 = tpu.memref_slice %arg3[%add3A, %dma_wait3A, %dma_wait3A_36] : memref<32x80x128xi32, #tpu.memory_space<hbm>> -> memref<1x40x128xi32, #tpu.memory_space<hbm>>
      %dma_wait3A_38 = tpu.memref_squeeze %dma_wait3A_37 : memref<1x40x128xi32, #tpu.memory_space<hbm>> -> memref<40x128xi32, #tpu.memory_space<hbm>>
      %dma_wait3A_39 = arith.constant 0 : i32
      %dma_wait3A_40 = arith.constant 0 : i32
      %dma_wait3A_41 = tpu.memref_slice %arg3[%add3A, %dma_wait3A_39, %dma_wait3A_40] : memref<32x80x128xi32, #tpu.memory_space<hbm>> -> memref<1x40x128xi32, #tpu.memory_space<hbm>>
      %dma_wait3A_42 = tpu.memref_squeeze %dma_wait3A_41 : memref<1x40x128xi32, #tpu.memory_space<hbm>> -> memref<40x128xi32, #tpu.memory_space<hbm>>
      tpu.wait_dma2 semaphore(%run_scoped3A : memref<!tpu.dma_semaphore, #tpu.memory_space<semaphore_mem>>) src(%dma_wait3A_42 : memref<40x128xi32, #tpu.memory_space<hbm>>) dst(%arg6 : memref<40x128xi32, #tpu.memory_space<vmem>>)
      tpu.yield
    }) : () -> ()
    "tpu.region"() ({
      %run_scoped3A = tpu.sem_alloc : memref<!tpu.dma_semaphore, #tpu.memory_space<semaphore_mem>>
      %dma_start3A_28 = arith.constant 0 : i32
      %dma_start3A_29 = arith.constant 0 : i32
      %dma_start3A_30 = tpu.memref_slice %arg4[%add3A, %dma_start3A_28, %dma_start3A_29] : memref<32x80x128xi32, #tpu.memory_space<hbm>> -> memref<1x40x128xi32, #tpu.memory_space<hbm>>
      %dma_start3A_31 = tpu.memref_squeeze %dma_start3A_30 : memref<1x40x128xi32, #tpu.memory_space<hbm>> -> memref<40x128xi32, #tpu.memory_space<hbm>>
      %dma_start3A_32 = arith.constant 0 : i32
      %dma_start3A_33 = arith.constant 0 : i32
      %dma_start3A_34 = tpu.memref_slice %arg4[%add3A, %dma_start3A_32, %dma_start3A_33] : memref<32x80x128xi32, #tpu.memory_space<hbm>> -> memref<1x40x128xi32, #tpu.memory_space<hbm>>
      %dma_start3A_35 = tpu.memref_squeeze %dma_start3A_34 : memref<1x40x128xi32, #tpu.memory_space<hbm>> -> memref<40x128xi32, #tpu.memory_space<hbm>>
      tpu.enqueue_dma source(%dma_start3A_35 : memref<40x128xi32, #tpu.memory_space<hbm>>) target(%arg7 : memref<40x128xi32, #tpu.memory_space<vmem>>) target_semaphore(%run_scoped3A : memref<!tpu.dma_semaphore, #tpu.memory_space<semaphore_mem>>)
      %dma_wait3A = arith.constant 0 : i32
      %dma_wait3A_36 = arith.constant 0 : i32
      %dma_wait3A_37 = tpu.memref_slice %arg4[%add3A, %dma_wait3A, %dma_wait3A_36] : memref<32x80x128xi32, #tpu.memory_space<hbm>> -> memref<1x40x128xi32, #tpu.memory_space<hbm>>
      %dma_wait3A_38 = tpu.memref_squeeze %dma_wait3A_37 : memref<1x40x128xi32, #tpu.memory_space<hbm>> -> memref<40x128xi32, #tpu.memory_space<hbm>>
      %dma_wait3A_39 = arith.constant 0 : i32
      %dma_wait3A_40 = arith.constant 0 : i32
      %dma_wait3A_41 = tpu.memref_slice %arg4[%add3A, %dma_wait3A_39, %dma_wait3A_40] : memref<32x80x128xi32, #tpu.memory_space<hbm>> -> memref<1x40x128xi32, #tpu.memory_space<hbm>>
      %dma_wait3A_42 = tpu.memref_squeeze %dma_wait3A_41 : memref<1x40x128xi32, #tpu.memory_space<hbm>> -> memref<40x128xi32, #tpu.memory_space<hbm>>
      tpu.wait_dma2 semaphore(%run_scoped3A : memref<!tpu.dma_semaphore, #tpu.memory_space<semaphore_mem>>) src(%dma_wait3A_42 : memref<40x128xi32, #tpu.memory_space<hbm>>) dst(%arg7 : memref<40x128xi32, #tpu.memory_space<vmem>>)
      tpu.yield
    }) : () -> ()
    %dma_start3A = arith.constant 0 : i32
    %dma_start3A_3 = arith.constant 0 : i32
    %dma_start3A_4 = tpu.memref_slice %arg6[%dma_start3A, %dma_start3A_3] : memref<40x128xi32, #tpu.memory_space<vmem>> -> memref<1x128xi32, #tpu.memory_space<vmem>>
    %dma_start3A_5 = tpu.memref_squeeze %dma_start3A_4 : memref<1x128xi32, #tpu.memory_space<vmem>> -> memref<128xi32, #tpu.memory_space<vmem>>
    %dma_start3A_6 = arith.constant 0 : i32
    %dma_start3A_7 = arith.constant 0 : i32
    %dma_start3A_8 = tpu.memref_slice %arg2[%dma_start3A_6, %dma_start3A_7] : memref<10240x128xf32, #tpu.memory_space<hbm>> -> memref<10240x128xf32, #tpu.memory_space<hbm>>
    tpu.enqueue_indirect_dma source(%dma_start3A_8 : memref<10240x128xf32, #tpu.memory_space<hbm>>) target(%arg8 : memref<128x128xf32, #tpu.memory_space<vmem>>) offsets(%dma_start3A_5 : memref<128xi32, #tpu.memory_space<vmem>>) semaphore(%arg11 : memref<!tpu.dma_semaphore, #tpu.memory_space<semaphore_mem>>)
    %scan3A = arith.constant 0 : i32
    %scan3A_9 = arith.constant 0 : i32
    %scan3A_10 = arith.constant 20 : i32
    %scan3A_11 = arith.addi %scan3A_9, %scan3A_10 : i32
    %scan3A_12 = arith.constant 1 : i32
    scf.for %scan3A_28 = %scan3A_9 to %scan3A_11 step %scan3A_12  : i32 {
      %mul3A_29 = arith.constant 2 : i32
      %mul3A_30 = arith.muli %scan3A_28, %mul3A_29 : i32
      %add3A_31 = arith.constant 1 : i32
      %add3A_32 = arith.addi %mul3A_30, %add3A_31 : i32
      %dma_start3A_33 = arith.constant 0 : i32
      %dma_start3A_34 = tpu.memref_slice %arg6[%add3A_32, %dma_start3A_33] : memref<40x128xi32, #tpu.memory_space<vmem>> -> memref<1x128xi32, #tpu.memory_space<vmem>>
      %dma_start3A_35 = tpu.memref_squeeze %dma_start3A_34 : memref<1x128xi32, #tpu.memory_space<vmem>> -> memref<128xi32, #tpu.memory_space<vmem>>
      %dma_start3A_36 = arith.constant 0 : i32
      %dma_start3A_37 = arith.constant 0 : i32
      %dma_start3A_38 = tpu.memref_slice %arg2[%dma_start3A_36, %dma_start3A_37] : memref<10240x128xf32, #tpu.memory_space<hbm>> -> memref<10240x128xf32, #tpu.memory_space<hbm>>
      tpu.enqueue_indirect_dma source(%dma_start3A_38 : memref<10240x128xf32, #tpu.memory_space<hbm>>) target(%arg9 : memref<128x128xf32, #tpu.memory_space<vmem>>) offsets(%dma_start3A_35 : memref<128xi32, #tpu.memory_space<vmem>>) semaphore(%arg12 : memref<!tpu.dma_semaphore, #tpu.memory_space<semaphore_mem>>)
      %dma_wait3A = arith.constant 0 : i32
      %dma_wait3A_39 = tpu.memref_slice %arg6[%mul3A_30, %dma_wait3A] : memref<40x128xi32, #tpu.memory_space<vmem>> -> memref<1x128xi32, #tpu.memory_space<vmem>>
      %dma_wait3A_40 = tpu.memref_squeeze %dma_wait3A_39 : memref<1x128xi32, #tpu.memory_space<vmem>> -> memref<128xi32, #tpu.memory_space<vmem>>
      %dma_wait3A_41 = arith.constant 0 : i32
      %dma_wait3A_42 = arith.constant 0 : i32
      %dma_wait3A_43 = tpu.memref_slice %arg2[%dma_wait3A_41, %dma_wait3A_42] : memref<10240x128xf32, #tpu.memory_space<hbm>> -> memref<10240x128xf32, #tpu.memory_space<hbm>>
      tpu.wait_indirect_dma semaphore(%arg11 : memref<!tpu.dma_semaphore, #tpu.memory_space<semaphore_mem>>) src(%dma_wait3A_43 : memref<10240x128xf32, #tpu.memory_space<hbm>>) dst(%arg8 : memref<128x128xf32, #tpu.memory_space<vmem>>)
      "tpu.region"() ({
        %run_scoped3A = tpu.sem_alloc : memref<!tpu.dma_semaphore, #tpu.memory_space<semaphore_mem>>
        %dma_start3A_58 = arith.constant 0 : i32
        %dma_start3A_59 = tpu.memref_slice %arg7[%mul3A_30, %dma_start3A_58] : memref<40x128xi32, #tpu.memory_space<vmem>> -> memref<1x128xi32, #tpu.memory_space<vmem>>
        %dma_start3A_60 = tpu.memref_squeeze %dma_start3A_59 : memref<1x128xi32, #tpu.memory_space<vmem>> -> memref<128xi32, #tpu.memory_space<vmem>>
        %dma_start3A_61 = arith.constant 0 : i32
        %dma_start3A_62 = arith.constant 0 : i32
        %dma_start3A_63 = tpu.memref_slice %arg10[%dma_start3A_61, %dma_start3A_62] : memref<10240x128xf32, #tpu.memory_space<vmem_shared>> -> memref<10240x128xf32, #tpu.memory_space<vmem_shared>>
        tpu.enqueue_indirect_dma source(%arg8 : memref<128x128xf32, #tpu.memory_space<vmem>>) target(%dma_start3A_63 : memref<10240x128xf32, #tpu.memory_space<vmem_shared>>) offsets(%dma_start3A_60 : memref<128xi32, #tpu.memory_space<vmem>>) semaphore(%run_scoped3A : memref<!tpu.dma_semaphore, #tpu.memory_space<semaphore_mem>>) {add = true}
        %dma_wait3A_64 = arith.constant 0 : i32
        %dma_wait3A_65 = tpu.memref_slice %arg7[%mul3A_30, %dma_wait3A_64] : memref<40x128xi32, #tpu.memory_space<vmem>> -> memref<1x128xi32, #tpu.memory_space<vmem>>
        %dma_wait3A_66 = tpu.memref_squeeze %dma_wait3A_65 : memref<1x128xi32, #tpu.memory_space<vmem>> -> memref<128xi32, #tpu.memory_space<vmem>>
        %dma_wait3A_67 = arith.constant 0 : i32
        %dma_wait3A_68 = arith.constant 0 : i32
        %dma_wait3A_69 = tpu.memref_slice %arg10[%dma_wait3A_67, %dma_wait3A_68] : memref<10240x128xf32, #tpu.memory_space<vmem_shared>> -> memref<10240x128xf32, #tpu.memory_space<vmem_shared>>
        tpu.wait_indirect_dma semaphore(%run_scoped3A : memref<!tpu.dma_semaphore, #tpu.memory_space<semaphore_mem>>) src(%arg8 : memref<128x128xf32, #tpu.memory_space<vmem>>) dst(%dma_wait3A_69 : memref<10240x128xf32, #tpu.memory_space<vmem_shared>>)
        tpu.yield
      }) : () -> ()
      %add3A_44 = arith.constant 2 : i32
      %add3A_45 = arith.addi %mul3A_30, %add3A_44 : i32
      %lt3A = arith.constant 40 : i32
      %lt3A_46 = arith.cmpi slt, %add3A_45, %lt3A : i32
      %convert_element_type3A = arith.extui %lt3A_46 : i1 to i32
      %cond3A = arith.constant 0 : i32
      %cond3A_47 = arith.cmpi ne, %convert_element_type3A, %cond3A : i32
      scf.if %cond3A_47 {
        %add3A_58 = arith.constant 2 : i32
        %add3A_59 = arith.addi %mul3A_30, %add3A_58 : i32
        %dma_start3A_60 = arith.constant 0 : i32
        %dma_start3A_61 = tpu.memref_slice %arg6[%add3A_59, %dma_start3A_60] : memref<40x128xi32, #tpu.memory_space<vmem>> -> memref<1x128xi32, #tpu.memory_space<vmem>>
        %dma_start3A_62 = tpu.memref_squeeze %dma_start3A_61 : memref<1x128xi32, #tpu.memory_space<vmem>> -> memref<128xi32, #tpu.memory_space<vmem>>
        %dma_start3A_63 = arith.constant 0 : i32
        %dma_start3A_64 = arith.constant 0 : i32
        %dma_start3A_65 = tpu.memref_slice %arg2[%dma_start3A_63, %dma_start3A_64] : memref<10240x128xf32, #tpu.memory_space<hbm>> -> memref<10240x128xf32, #tpu.memory_space<hbm>>
        tpu.enqueue_indirect_dma source(%dma_start3A_65 : memref<10240x128xf32, #tpu.memory_space<hbm>>) target(%arg8 : memref<128x128xf32, #tpu.memory_space<vmem>>) offsets(%dma_start3A_62 : memref<128xi32, #tpu.memory_space<vmem>>) semaphore(%arg11 : memref<!tpu.dma_semaphore, #tpu.memory_space<semaphore_mem>>)
      } else {
      }
      %add3A_48 = arith.constant 1 : i32
      %add3A_49 = arith.addi %mul3A_30, %add3A_48 : i32
      %dma_wait3A_50 = arith.constant 0 : i32
      %dma_wait3A_51 = tpu.memref_slice %arg6[%add3A_49, %dma_wait3A_50] : memref<40x128xi32, #tpu.memory_space<vmem>> -> memref<1x128xi32, #tpu.memory_space<vmem>>
      %dma_wait3A_52 = tpu.memref_squeeze %dma_wait3A_51 : memref<1x128xi32, #tpu.memory_space<vmem>> -> memref<128xi32, #tpu.memory_space<vmem>>
      %dma_wait3A_53 = arith.constant 0 : i32
      %dma_wait3A_54 = arith.constant 0 : i32
      %dma_wait3A_55 = tpu.memref_slice %arg2[%dma_wait3A_53, %dma_wait3A_54] : memref<10240x128xf32, #tpu.memory_space<hbm>> -> memref<10240x128xf32, #tpu.memory_space<hbm>>
      tpu.wait_indirect_dma semaphore(%arg12 : memref<!tpu.dma_semaphore, #tpu.memory_space<semaphore_mem>>) src(%dma_wait3A_55 : memref<10240x128xf32, #tpu.memory_space<hbm>>) dst(%arg9 : memref<128x128xf32, #tpu.memory_space<vmem>>)
      %add3A_56 = arith.constant 1 : i32
      %add3A_57 = arith.addi %mul3A_30, %add3A_56 : i32
      "tpu.region"() ({
        %run_scoped3A = tpu.sem_alloc : memref<!tpu.dma_semaphore, #tpu.memory_space<semaphore_mem>>
        %dma_start3A_58 = arith.constant 0 : i32
        %dma_start3A_59 = tpu.memref_slice %arg7[%add3A_57, %dma_start3A_58] : memref<40x128xi32, #tpu.memory_space<vmem>> -> memref<1x128xi32, #tpu.memory_space<vmem>>
        %dma_start3A_60 = tpu.memref_squeeze %dma_start3A_59 : memref<1x128xi32, #tpu.memory_space<vmem>> -> memref<128xi32, #tpu.memory_space<vmem>>
        %dma_start3A_61 = arith.constant 0 : i32
        %dma_start3A_62 = arith.constant 0 : i32
        %dma_start3A_63 = tpu.memref_slice %arg10[%dma_start3A_61, %dma_start3A_62] : memref<10240x128xf32, #tpu.memory_space<vmem_shared>> -> memref<10240x128xf32, #tpu.memory_space<vmem_shared>>
        tpu.enqueue_indirect_dma source(%arg9 : memref<128x128xf32, #tpu.memory_space<vmem>>) target(%dma_start3A_63 : memref<10240x128xf32, #tpu.memory_space<vmem_shared>>) offsets(%dma_start3A_60 : memref<128xi32, #tpu.memory_space<vmem>>) semaphore(%run_scoped3A : memref<!tpu.dma_semaphore, #tpu.memory_space<semaphore_mem>>) {add = true}
        %dma_wait3A_64 = arith.constant 0 : i32
        %dma_wait3A_65 = tpu.memref_slice %arg7[%add3A_57, %dma_wait3A_64] : memref<40x128xi32, #tpu.memory_space<vmem>> -> memref<1x128xi32, #tpu.memory_space<vmem>>
        %dma_wait3A_66 = tpu.memref_squeeze %dma_wait3A_65 : memref<1x128xi32, #tpu.memory_space<vmem>> -> memref<128xi32, #tpu.memory_space<vmem>>
        %dma_wait3A_67 = arith.constant 0 : i32
        %dma_wait3A_68 = arith.constant 0 : i32
        %dma_wait3A_69 = tpu.memref_slice %arg10[%dma_wait3A_67, %dma_wait3A_68] : memref<10240x128xf32, #tpu.memory_space<vmem_shared>> -> memref<10240x128xf32, #tpu.memory_space<vmem_shared>>
        tpu.wait_indirect_dma semaphore(%run_scoped3A : memref<!tpu.dma_semaphore, #tpu.memory_space<semaphore_mem>>) src(%arg9 : memref<128x128xf32, #tpu.memory_space<vmem>>) dst(%dma_wait3A_69 : memref<10240x128xf32, #tpu.memory_space<vmem_shared>>)
        tpu.yield
      }) : () -> ()
    }
    %scan3A_13 = arith.constant 20 : i32
    "tpu.region"() ({
      %run_scoped3A = tpu.sem_alloc : memref<!tpu.dma_semaphore, #tpu.memory_space<semaphore_mem>>
      %dma_start3A_28 = arith.constant 40 : i32
      %dma_start3A_29 = arith.constant 0 : i32
      %dma_start3A_30 = tpu.memref_slice %arg3[%add3A, %dma_start3A_28, %dma_start3A_29] : memref<32x80x128xi32, #tpu.memory_space<hbm>> -> memref<1x40x128xi32, #tpu.memory_space<hbm>>
      %dma_start3A_31 = tpu.memref_squeeze %dma_start3A_30 : memref<1x40x128xi32, #tpu.memory_space<hbm>> -> memref<40x128xi32, #tpu.memory_space<hbm>>
      %dma_start3A_32 = arith.constant 40 : i32
      %dma_start3A_33 = arith.constant 0 : i32
      %dma_start3A_34 = tpu.memref_slice %arg3[%add3A, %dma_start3A_32, %dma_start3A_33] : memref<32x80x128xi32, #tpu.memory_space<hbm>> -> memref<1x40x128xi32, #tpu.memory_space<hbm>>
      %dma_start3A_35 = tpu.memref_squeeze %dma_start3A_34 : memref<1x40x128xi32, #tpu.memory_space<hbm>> -> memref<40x128xi32, #tpu.memory_space<hbm>>
      tpu.enqueue_dma source(%dma_start3A_35 : memref<40x128xi32, #tpu.memory_space<hbm>>) target(%arg6 : memref<40x128xi32, #tpu.memory_space<vmem>>) target_semaphore(%run_scoped3A : memref<!tpu.dma_semaphore, #tpu.memory_space<semaphore_mem>>)
      %dma_wait3A = arith.constant 40 : i32
      %dma_wait3A_36 = arith.constant 0 : i32
      %dma_wait3A_37 = tpu.memref_slice %arg3[%add3A, %dma_wait3A, %dma_wait3A_36] : memref<32x80x128xi32, #tpu.memory_space<hbm>> -> memref<1x40x128xi32, #tpu.memory_space<hbm>>
      %dma_wait3A_38 = tpu.memref_squeeze %dma_wait3A_37 : memref<1x40x128xi32, #tpu.memory_space<hbm>> -> memref<40x128xi32, #tpu.memory_space<hbm>>
      %dma_wait3A_39 = arith.constant 40 : i32
      %dma_wait3A_40 = arith.constant 0 : i32
      %dma_wait3A_41 = tpu.memref_slice %arg3[%add3A, %dma_wait3A_39, %dma_wait3A_40] : memref<32x80x128xi32, #tpu.memory_space<hbm>> -> memref<1x40x128xi32, #tpu.memory_space<hbm>>
      %dma_wait3A_42 = tpu.memref_squeeze %dma_wait3A_41 : memref<1x40x128xi32, #tpu.memory_space<hbm>> -> memref<40x128xi32, #tpu.memory_space<hbm>>
      tpu.wait_dma2 semaphore(%run_scoped3A : memref<!tpu.dma_semaphore, #tpu.memory_space<semaphore_mem>>) src(%dma_wait3A_42 : memref<40x128xi32, #tpu.memory_space<hbm>>) dst(%arg6 : memref<40x128xi32, #tpu.memory_space<vmem>>)
      tpu.yield
    }) : () -> ()
    "tpu.region"() ({
      %run_scoped3A = tpu.sem_alloc : memref<!tpu.dma_semaphore, #tpu.memory_space<semaphore_mem>>
      %dma_start3A_28 = arith.constant 40 : i32
      %dma_start3A_29 = arith.constant 0 : i32
      %dma_start3A_30 = tpu.memref_slice %arg4[%add3A, %dma_start3A_28, %dma_start3A_29] : memref<32x80x128xi32, #tpu.memory_space<hbm>> -> memref<1x40x128xi32, #tpu.memory_space<hbm>>
      %dma_start3A_31 = tpu.memref_squeeze %dma_start3A_30 : memref<1x40x128xi32, #tpu.memory_space<hbm>> -> memref<40x128xi32, #tpu.memory_space<hbm>>
      %dma_start3A_32 = arith.constant 40 : i32
      %dma_start3A_33 = arith.constant 0 : i32
      %dma_start3A_34 = tpu.memref_slice %arg4[%add3A, %dma_start3A_32, %dma_start3A_33] : memref<32x80x128xi32, #tpu.memory_space<hbm>> -> memref<1x40x128xi32, #tpu.memory_space<hbm>>
      %dma_start3A_35 = tpu.memref_squeeze %dma_start3A_34 : memref<1x40x128xi32, #tpu.memory_space<hbm>> -> memref<40x128xi32, #tpu.memory_space<hbm>>
      tpu.enqueue_dma source(%dma_start3A_35 : memref<40x128xi32, #tpu.memory_space<hbm>>) target(%arg7 : memref<40x128xi32, #tpu.memory_space<vmem>>) target_semaphore(%run_scoped3A : memref<!tpu.dma_semaphore, #tpu.memory_space<semaphore_mem>>)
      %dma_wait3A = arith.constant 40 : i32
      %dma_wait3A_36 = arith.constant 0 : i32
      %dma_wait3A_37 = tpu.memref_slice %arg4[%add3A, %dma_wait3A, %dma_wait3A_36] : memref<32x80x128xi32, #tpu.memory_space<hbm>> -> memref<1x40x128xi32, #tpu.memory_space<hbm>>
      %dma_wait3A_38 = tpu.memref_squeeze %dma_wait3A_37 : memref<1x40x128xi32, #tpu.memory_space<hbm>> -> memref<40x128xi32, #tpu.memory_space<hbm>>
      %dma_wait3A_39 = arith.constant 40 : i32
      %dma_wait3A_40 = arith.constant 0 : i32
      %dma_wait3A_41 = tpu.memref_slice %arg4[%add3A, %dma_wait3A_39, %dma_wait3A_40] : memref<32x80x128xi32, #tpu.memory_space<hbm>> -> memref<1x40x128xi32, #tpu.memory_space<hbm>>
      %dma_wait3A_42 = tpu.memref_squeeze %dma_wait3A_41 : memref<1x40x128xi32, #tpu.memory_space<hbm>> -> memref<40x128xi32, #tpu.memory_space<hbm>>
      tpu.wait_dma2 semaphore(%run_scoped3A : memref<!tpu.dma_semaphore, #tpu.memory_space<semaphore_mem>>) src(%dma_wait3A_42 : memref<40x128xi32, #tpu.memory_space<hbm>>) dst(%arg7 : memref<40x128xi32, #tpu.memory_space<vmem>>)
      tpu.yield
    }) : () -> ()
    %dma_start3A_14 = arith.constant 0 : i32
    %dma_start3A_15 = arith.constant 0 : i32
    %dma_start3A_16 = tpu.memref_slice %arg6[%dma_start3A_14, %dma_start3A_15] : memref<40x128xi32, #tpu.memory_space<vmem>> -> memref<1x128xi32, #tpu.memory_space<vmem>>
    %dma_start3A_17 = tpu.memref_squeeze %dma_start3A_16 : memref<1x128xi32, #tpu.memory_space<vmem>> -> memref<128xi32, #tpu.memory_space<vmem>>
    %dma_start3A_18 = arith.constant 0 : i32
    %dma_start3A_19 = arith.constant 0 : i32
    %dma_start3A_20 = tpu.memref_slice %arg2[%dma_start3A_18, %dma_start3A_19] : memref<10240x128xf32, #tpu.memory_space<hbm>> -> memref<10240x128xf32, #tpu.memory_space<hbm>>
    tpu.enqueue_indirect_dma source(%dma_start3A_20 : memref<10240x128xf32, #tpu.memory_space<hbm>>) target(%arg8 : memref<128x128xf32, #tpu.memory_space<vmem>>) offsets(%dma_start3A_17 : memref<128xi32, #tpu.memory_space<vmem>>) semaphore(%arg11 : memref<!tpu.dma_semaphore, #tpu.memory_space<semaphore_mem>>)
    %scan3A_21 = arith.constant 0 : i32
    %scan3A_22 = arith.constant 0 : i32
    %scan3A_23 = arith.constant 20 : i32
    %scan3A_24 = arith.addi %scan3A_22, %scan3A_23 : i32
    %scan3A_25 = arith.constant 1 : i32
    scf.for %scan3A_28 = %scan3A_22 to %scan3A_24 step %scan3A_25  : i32 {
      %mul3A_29 = arith.constant 2 : i32
      %mul3A_30 = arith.muli %scan3A_28, %mul3A_29 : i32
      %add3A_31 = arith.constant 1 : i32
      %add3A_32 = arith.addi %mul3A_30, %add3A_31 : i32
      %dma_start3A_33 = arith.constant 0 : i32
      %dma_start3A_34 = tpu.memref_slice %arg6[%add3A_32, %dma_start3A_33] : memref<40x128xi32, #tpu.memory_space<vmem>> -> memref<1x128xi32, #tpu.memory_space<vmem>>
      %dma_start3A_35 = tpu.memref_squeeze %dma_start3A_34 : memref<1x128xi32, #tpu.memory_space<vmem>> -> memref<128xi32, #tpu.memory_space<vmem>>
      %dma_start3A_36 = arith.constant 0 : i32
      %dma_start3A_37 = arith.constant 0 : i32
      %dma_start3A_38 = tpu.memref_slice %arg2[%dma_start3A_36, %dma_start3A_37] : memref<10240x128xf32, #tpu.memory_space<hbm>> -> memref<10240x128xf32, #tpu.memory_space<hbm>>
      tpu.enqueue_indirect_dma source(%dma_start3A_38 : memref<10240x128xf32, #tpu.memory_space<hbm>>) target(%arg9 : memref<128x128xf32, #tpu.memory_space<vmem>>) offsets(%dma_start3A_35 : memref<128xi32, #tpu.memory_space<vmem>>) semaphore(%arg12 : memref<!tpu.dma_semaphore, #tpu.memory_space<semaphore_mem>>)
      %dma_wait3A = arith.constant 0 : i32
      %dma_wait3A_39 = tpu.memref_slice %arg6[%mul3A_30, %dma_wait3A] : memref<40x128xi32, #tpu.memory_space<vmem>> -> memref<1x128xi32, #tpu.memory_space<vmem>>
      %dma_wait3A_40 = tpu.memref_squeeze %dma_wait3A_39 : memref<1x128xi32, #tpu.memory_space<vmem>> -> memref<128xi32, #tpu.memory_space<vmem>>
      %dma_wait3A_41 = arith.constant 0 : i32
      %dma_wait3A_42 = arith.constant 0 : i32
      %dma_wait3A_43 = tpu.memref_slice %arg2[%dma_wait3A_41, %dma_wait3A_42] : memref<10240x128xf32, #tpu.memory_space<hbm>> -> memref<10240x128xf32, #tpu.memory_space<hbm>>
      tpu.wait_indirect_dma semaphore(%arg11 : memref<!tpu.dma_semaphore, #tpu.memory_space<semaphore_mem>>) src(%dma_wait3A_43 : memref<10240x128xf32, #tpu.memory_space<hbm>>) dst(%arg8 : memref<128x128xf32, #tpu.memory_space<vmem>>)
      "tpu.region"() ({
        %run_scoped3A = tpu.sem_alloc : memref<!tpu.dma_semaphore, #tpu.memory_space<semaphore_mem>>
        %dma_start3A_58 = arith.constant 0 : i32
        %dma_start3A_59 = tpu.memref_slice %arg7[%mul3A_30, %dma_start3A_58] : memref<40x128xi32, #tpu.memory_space<vmem>> -> memref<1x128xi32, #tpu.memory_space<vmem>>
        %dma_start3A_60 = tpu.memref_squeeze %dma_start3A_59 : memref<1x128xi32, #tpu.memory_space<vmem>> -> memref<128xi32, #tpu.memory_space<vmem>>
        %dma_start3A_61 = arith.constant 0 : i32
        %dma_start3A_62 = arith.constant 0 : i32
        %dma_start3A_63 = tpu.memref_slice %arg10[%dma_start3A_61, %dma_start3A_62] : memref<10240x128xf32, #tpu.memory_space<vmem_shared>> -> memref<10240x128xf32, #tpu.memory_space<vmem_shared>>
        tpu.enqueue_indirect_dma source(%arg8 : memref<128x128xf32, #tpu.memory_space<vmem>>) target(%dma_start3A_63 : memref<10240x128xf32, #tpu.memory_space<vmem_shared>>) offsets(%dma_start3A_60 : memref<128xi32, #tpu.memory_space<vmem>>) semaphore(%run_scoped3A : memref<!tpu.dma_semaphore, #tpu.memory_space<semaphore_mem>>) {add = true}
        %dma_wait3A_64 = arith.constant 0 : i32
        %dma_wait3A_65 = tpu.memref_slice %arg7[%mul3A_30, %dma_wait3A_64] : memref<40x128xi32, #tpu.memory_space<vmem>> -> memref<1x128xi32, #tpu.memory_space<vmem>>
        %dma_wait3A_66 = tpu.memref_squeeze %dma_wait3A_65 : memref<1x128xi32, #tpu.memory_space<vmem>> -> memref<128xi32, #tpu.memory_space<vmem>>
        %dma_wait3A_67 = arith.constant 0 : i32
        %dma_wait3A_68 = arith.constant 0 : i32
        %dma_wait3A_69 = tpu.memref_slice %arg10[%dma_wait3A_67, %dma_wait3A_68] : memref<10240x128xf32, #tpu.memory_space<vmem_shared>> -> memref<10240x128xf32, #tpu.memory_space<vmem_shared>>
        tpu.wait_indirect_dma semaphore(%run_scoped3A : memref<!tpu.dma_semaphore, #tpu.memory_space<semaphore_mem>>) src(%arg8 : memref<128x128xf32, #tpu.memory_space<vmem>>) dst(%dma_wait3A_69 : memref<10240x128xf32, #tpu.memory_space<vmem_shared>>)
        tpu.yield
      }) : () -> ()
      %add3A_44 = arith.constant 2 : i32
      %add3A_45 = arith.addi %mul3A_30, %add3A_44 : i32
      %lt3A = arith.constant 40 : i32
      %lt3A_46 = arith.cmpi slt, %add3A_45, %lt3A : i32
      %convert_element_type3A = arith.extui %lt3A_46 : i1 to i32
      %cond3A = arith.constant 0 : i32
      %cond3A_47 = arith.cmpi ne, %convert_element_type3A, %cond3A : i32
      scf.if %cond3A_47 {
        %add3A_58 = arith.constant 2 : i32
        %add3A_59 = arith.addi %mul3A_30, %add3A_58 : i32
        %dma_start3A_60 = arith.constant 0 : i32
        %dma_start3A_61 = tpu.memref_slice %arg6[%add3A_59, %dma_start3A_60] : memref<40x128xi32, #tpu.memory_space<vmem>> -> memref<1x128xi32, #tpu.memory_space<vmem>>
        %dma_start3A_62 = tpu.memref_squeeze %dma_start3A_61 : memref<1x128xi32, #tpu.memory_space<vmem>> -> memref<128xi32, #tpu.memory_space<vmem>>
        %dma_start3A_63 = arith.constant 0 : i32
        %dma_start3A_64 = arith.constant 0 : i32
        %dma_start3A_65 = tpu.memref_slice %arg2[%dma_start3A_63, %dma_start3A_64] : memref<10240x128xf32, #tpu.memory_space<hbm>> -> memref<10240x128xf32, #tpu.memory_space<hbm>>
        tpu.enqueue_indirect_dma source(%dma_start3A_65 : memref<10240x128xf32, #tpu.memory_space<hbm>>) target(%arg8 : memref<128x128xf32, #tpu.memory_space<vmem>>) offsets(%dma_start3A_62 : memref<128xi32, #tpu.memory_space<vmem>>) semaphore(%arg11 : memref<!tpu.dma_semaphore, #tpu.memory_space<semaphore_mem>>)
      } else {
      }
      %add3A_48 = arith.constant 1 : i32
      %add3A_49 = arith.addi %mul3A_30, %add3A_48 : i32
      %dma_wait3A_50 = arith.constant 0 : i32
      %dma_wait3A_51 = tpu.memref_slice %arg6[%add3A_49, %dma_wait3A_50] : memref<40x128xi32, #tpu.memory_space<vmem>> -> memref<1x128xi32, #tpu.memory_space<vmem>>
      %dma_wait3A_52 = tpu.memref_squeeze %dma_wait3A_51 : memref<1x128xi32, #tpu.memory_space<vmem>> -> memref<128xi32, #tpu.memory_space<vmem>>
      %dma_wait3A_53 = arith.constant 0 : i32
      %dma_wait3A_54 = arith.constant 0 : i32
      %dma_wait3A_55 = tpu.memref_slice %arg2[%dma_wait3A_53, %dma_wait3A_54] : memref<10240x128xf32, #tpu.memory_space<hbm>> -> memref<10240x128xf32, #tpu.memory_space<hbm>>
      tpu.wait_indirect_dma semaphore(%arg12 : memref<!tpu.dma_semaphore, #tpu.memory_space<semaphore_mem>>) src(%dma_wait3A_55 : memref<10240x128xf32, #tpu.memory_space<hbm>>) dst(%arg9 : memref<128x128xf32, #tpu.memory_space<vmem>>)
      %add3A_56 = arith.constant 1 : i32
      %add3A_57 = arith.addi %mul3A_30, %add3A_56 : i32
      "tpu.region"() ({
        %run_scoped3A = tpu.sem_alloc : memref<!tpu.dma_semaphore, #tpu.memory_space<semaphore_mem>>
        %dma_start3A_58 = arith.constant 0 : i32
        %dma_start3A_59 = tpu.memref_slice %arg7[%add3A_57, %dma_start3A_58] : memref<40x128xi32, #tpu.memory_space<vmem>> -> memref<1x128xi32, #tpu.memory_space<vmem>>
        %dma_start3A_60 = tpu.memref_squeeze %dma_start3A_59 : memref<1x128xi32, #tpu.memory_space<vmem>> -> memref<128xi32, #tpu.memory_space<vmem>>
        %dma_start3A_61 = arith.constant 0 : i32
        %dma_start3A_62 = arith.constant 0 : i32
        %dma_start3A_63 = tpu.memref_slice %arg10[%dma_start3A_61, %dma_start3A_62] : memref<10240x128xf32, #tpu.memory_space<vmem_shared>> -> memref<10240x128xf32, #tpu.memory_space<vmem_shared>>
        tpu.enqueue_indirect_dma source(%arg9 : memref<128x128xf32, #tpu.memory_space<vmem>>) target(%dma_start3A_63 : memref<10240x128xf32, #tpu.memory_space<vmem_shared>>) offsets(%dma_start3A_60 : memref<128xi32, #tpu.memory_space<vmem>>) semaphore(%run_scoped3A : memref<!tpu.dma_semaphore, #tpu.memory_space<semaphore_mem>>) {add = true}
        %dma_wait3A_64 = arith.constant 0 : i32
        %dma_wait3A_65 = tpu.memref_slice %arg7[%add3A_57, %dma_wait3A_64] : memref<40x128xi32, #tpu.memory_space<vmem>> -> memref<1x128xi32, #tpu.memory_space<vmem>>
        %dma_wait3A_66 = tpu.memref_squeeze %dma_wait3A_65 : memref<1x128xi32, #tpu.memory_space<vmem>> -> memref<128xi32, #tpu.memory_space<vmem>>
        %dma_wait3A_67 = arith.constant 0 : i32
        %dma_wait3A_68 = arith.constant 0 : i32
        %dma_wait3A_69 = tpu.memref_slice %arg10[%dma_wait3A_67, %dma_wait3A_68] : memref<10240x128xf32, #tpu.memory_space<vmem_shared>> -> memref<10240x128xf32, #tpu.memory_space<vmem_shared>>
        tpu.wait_indirect_dma semaphore(%run_scoped3A : memref<!tpu.dma_semaphore, #tpu.memory_space<semaphore_mem>>) src(%arg9 : memref<128x128xf32, #tpu.memory_space<vmem>>) dst(%dma_wait3A_69 : memref<10240x128xf32, #tpu.memory_space<vmem_shared>>)
        tpu.yield
      }) : () -> ()
    }
    %scan3A_26 = arith.constant 20 : i32
    %barrier3A_27 = arith.constant 0 : index
    tpu.barrier barrier_id(%barrier3A_27)
    "tpu.region"() ({
      %run_scoped3A = tpu.sem_alloc : memref<!tpu.dma_semaphore, #tpu.memory_space<semaphore_mem>>
      %dma_start3A_28 = arith.constant 0 : i32
      %dma_start3A_29 = tpu.memref_slice %arg5[%arg0, %mul3A_2, %dma_start3A_28] : memref<2x10240x128xf32, #tpu.memory_space<hbm>> -> memref<1x640x128xf32, #tpu.memory_space<hbm>>
      %dma_start3A_30 = tpu.memref_squeeze %dma_start3A_29 : memref<1x640x128xf32, #tpu.memory_space<hbm>> -> memref<640x128xf32, #tpu.memory_space<hbm>>
      %dma_start3A_31 = arith.constant 0 : i32
      %dma_start3A_32 = tpu.memref_slice %arg10[%mul3A_2, %dma_start3A_31] : memref<10240x128xf32, #tpu.memory_space<vmem_shared>> -> memref<640x128xf32, #tpu.memory_space<vmem_shared>>
      tpu.enqueue_dma source(%dma_start3A_32 : memref<640x128xf32, #tpu.memory_space<vmem_shared>>) target(%dma_start3A_30 : memref<640x128xf32, #tpu.memory_space<hbm>>) target_semaphore(%run_scoped3A : memref<!tpu.dma_semaphore, #tpu.memory_space<semaphore_mem>>)
      %dma_wait3A = arith.constant 0 : i32
      %dma_wait3A_33 = tpu.memref_slice %arg5[%arg0, %mul3A_2, %dma_wait3A] : memref<2x10240x128xf32, #tpu.memory_space<hbm>> -> memref<1x640x128xf32, #tpu.memory_space<hbm>>
      %dma_wait3A_34 = tpu.memref_squeeze %dma_wait3A_33 : memref<1x640x128xf32, #tpu.memory_space<hbm>> -> memref<640x128xf32, #tpu.memory_space<hbm>>
      %dma_wait3A_35 = arith.constant 0 : i32
      %dma_wait3A_36 = tpu.memref_slice %arg10[%mul3A_2, %dma_wait3A_35] : memref<10240x128xf32, #tpu.memory_space<vmem_shared>> -> memref<640x128xf32, #tpu.memory_space<vmem_shared>>
      tpu.wait_dma2 semaphore(%run_scoped3A : memref<!tpu.dma_semaphore, #tpu.memory_space<semaphore_mem>>) src(%dma_wait3A_36 : memref<640x128xf32, #tpu.memory_space<vmem_shared>>) dst(%dma_wait3A_34 : memref<640x128xf32, #tpu.memory_space<hbm>>)
      tpu.yield
    }) : () -> ()
    return
  }
}

#map = affine_map<(d0, d1) -> (0, 0)>
#map1 = affine_map<(d0, d1) -> (0, 0, 0)>
module attributes {stable_mosaic.version = 14 : i64} {
  func.func @segsum(%arg0: i32, %arg1: i32, %arg2: memref<10240x128xf32, #tpu.memory_space<hbm>>, %arg3: memref<32x80x128xi32, #tpu.memory_space<hbm>>, %arg4: memref<32x80x128xi32, #tpu.memory_space<hbm>>, %arg5: memref<2x10240x128xf32, #tpu.memory_space<hbm>>, %arg6: memref<40x128xi32, #tpu.memory_space<vmem>>, %arg7: memref<40x128xi32, #tpu.memory_space<vmem>>, %arg8: memref<128x128xf32, #tpu.memory_space<vmem>>, %arg9: memref<128x128xf32, #tpu.memory_space<vmem>>, %arg10: memref<10240x128xf32, #tpu.memory_space<vmem_shared>>, %arg11: memref<!tpu.dma_semaphore, #tpu.memory_space<semaphore_mem>>, %arg12: memref<!tpu.dma_semaphore, #tpu.memory_space<semaphore_mem>>) attributes {dimension_semantics = [#tpu.dimension_semantics<core_parallel>, #tpu.dimension_semantics<subcore_parallel>], iteration_bounds = array<i64: 2, 16>, scalar_prefetch = 0 : i64, scratch_operands = 7 : i64, tpu.core_type = #tpu.core_type<sc_vector_subcore>, window_params = [{transform_indices = #map}, {transform_indices = #map1}, {transform_indices = #map1}, {transform_indices = #map1}]} {
    %mul3A = arith.constant 16 : i32
    %mul3A_0 = arith.muli %arg0, %mul3A : i32
    %add3A = arith.addi %mul3A_0, %arg1 : i32
    %mul3A_1 = arith.constant 640 : i32
    %mul3A_2 = arith.muli %arg1, %mul3A_1 : i32
    "tpu.region"() ({
      %run_scoped3A = tpu.sem_alloc : memref<!tpu.dma_semaphore, #tpu.memory_space<semaphore_mem>>
      %dma_start3A_28 = arith.constant 0 : i32
      %dma_start3A_29 = tpu.memref_slice %arg10[%mul3A_2, %dma_start3A_28] : memref<10240x128xf32, #tpu.memory_space<vmem_shared>> -> memref<640x128xf32, #tpu.memory_space<vmem_shared>>
      %dma_start3A_30 = arith.constant 0 : i32
      %dma_start3A_31 = tpu.memref_slice %arg2[%mul3A_2, %dma_start3A_30] : memref<10240x128xf32, #tpu.memory_space<hbm>> -> memref<640x128xf32, #tpu.memory_space<hbm>>
      tpu.enqueue_dma source(%dma_start3A_31 : memref<640x128xf32, #tpu.memory_space<hbm>>) target(%dma_start3A_29 : memref<640x128xf32, #tpu.memory_space<vmem_shared>>) target_semaphore(%run_scoped3A : memref<!tpu.dma_semaphore, #tpu.memory_space<semaphore_mem>>)
      %dma_wait3A = arith.constant 0 : i32
      %dma_wait3A_32 = tpu.memref_slice %arg10[%mul3A_2, %dma_wait3A] : memref<10240x128xf32, #tpu.memory_space<vmem_shared>> -> memref<640x128xf32, #tpu.memory_space<vmem_shared>>
      %dma_wait3A_33 = arith.constant 0 : i32
      %dma_wait3A_34 = tpu.memref_slice %arg2[%mul3A_2, %dma_wait3A_33] : memref<10240x128xf32, #tpu.memory_space<hbm>> -> memref<640x128xf32, #tpu.memory_space<hbm>>
      tpu.wait_dma2 semaphore(%run_scoped3A : memref<!tpu.dma_semaphore, #tpu.memory_space<semaphore_mem>>) src(%dma_wait3A_34 : memref<640x128xf32, #tpu.memory_space<hbm>>) dst(%dma_wait3A_32 : memref<640x128xf32, #tpu.memory_space<vmem_shared>>)
      tpu.yield
    }) : () -> ()
    %barrier3A = arith.constant 0 : index
    tpu.barrier barrier_id(%barrier3A)
    "tpu.region"() ({
      %run_scoped3A = tpu.sem_alloc : memref<!tpu.dma_semaphore, #tpu.memory_space<semaphore_mem>>
      %dma_start3A_28 = arith.constant 0 : i32
      %dma_start3A_29 = arith.constant 0 : i32
      %dma_start3A_30 = tpu.memref_slice %arg3[%add3A, %dma_start3A_28, %dma_start3A_29] : memref<32x80x128xi32, #tpu.memory_space<hbm>> -> memref<1x40x128xi32, #tpu.memory_space<hbm>>
      %dma_start3A_31 = tpu.memref_squeeze %dma_start3A_30 : memref<1x40x128xi32, #tpu.memory_space<hbm>> -> memref<40x128xi32, #tpu.memory_space<hbm>>
      %dma_start3A_32 = arith.constant 0 : i32
      %dma_start3A_33 = arith.constant 0 : i32
      %dma_start3A_34 = tpu.memref_slice %arg3[%add3A, %dma_start3A_32, %dma_start3A_33] : memref<32x80x128xi32, #tpu.memory_space<hbm>> -> memref<1x40x128xi32, #tpu.memory_space<hbm>>
      %dma_start3A_35 = tpu.memref_squeeze %dma_start3A_34 : memref<1x40x128xi32, #tpu.memory_space<hbm>> -> memref<40x128xi32, #tpu.memory_space<hbm>>
      tpu.enqueue_dma source(%dma_start3A_35 : memref<40x128xi32, #tpu.memory_space<hbm>>) target(%arg6 : memref<40x128xi32, #tpu.memory_space<vmem>>) target_semaphore(%run_scoped3A : memref<!tpu.dma_semaphore, #tpu.memory_space<semaphore_mem>>)
      %dma_wait3A = arith.constant 0 : i32
      %dma_wait3A_36 = arith.constant 0 : i32
      %dma_wait3A_37 = tpu.memref_slice %arg3[%add3A, %dma_wait3A, %dma_wait3A_36] : memref<32x80x128xi32, #tpu.memory_space<hbm>> -> memref<1x40x128xi32, #tpu.memory_space<hbm>>
      %dma_wait3A_38 = tpu.memref_squeeze %dma_wait3A_37 : memref<1x40x128xi32, #tpu.memory_space<hbm>> -> memref<40x128xi32, #tpu.memory_space<hbm>>
      %dma_wait3A_39 = arith.constant 0 : i32
      %dma_wait3A_40 = arith.constant 0 : i32
      %dma_wait3A_41 = tpu.memref_slice %arg3[%add3A, %dma_wait3A_39, %dma_wait3A_40] : memref<32x80x128xi32, #tpu.memory_space<hbm>> -> memref<1x40x128xi32, #tpu.memory_space<hbm>>
      %dma_wait3A_42 = tpu.memref_squeeze %dma_wait3A_41 : memref<1x40x128xi32, #tpu.memory_space<hbm>> -> memref<40x128xi32, #tpu.memory_space<hbm>>
      tpu.wait_dma2 semaphore(%run_scoped3A : memref<!tpu.dma_semaphore, #tpu.memory_space<semaphore_mem>>) src(%dma_wait3A_42 : memref<40x128xi32, #tpu.memory_space<hbm>>) dst(%arg6 : memref<40x128xi32, #tpu.memory_space<vmem>>)
      tpu.yield
    }) : () -> ()
    "tpu.region"() ({
      %run_scoped3A = tpu.sem_alloc : memref<!tpu.dma_semaphore, #tpu.memory_space<semaphore_mem>>
      %dma_start3A_28 = arith.constant 0 : i32
      %dma_start3A_29 = arith.constant 0 : i32
      %dma_start3A_30 = tpu.memref_slice %arg4[%add3A, %dma_start3A_28, %dma_start3A_29] : memref<32x80x128xi32, #tpu.memory_space<hbm>> -> memref<1x40x128xi32, #tpu.memory_space<hbm>>
      %dma_start3A_31 = tpu.memref_squeeze %dma_start3A_30 : memref<1x40x128xi32, #tpu.memory_space<hbm>> -> memref<40x128xi32, #tpu.memory_space<hbm>>
      %dma_start3A_32 = arith.constant 0 : i32
      %dma_start3A_33 = arith.constant 0 : i32
      %dma_start3A_34 = tpu.memref_slice %arg4[%add3A, %dma_start3A_32, %dma_start3A_33] : memref<32x80x128xi32, #tpu.memory_space<hbm>> -> memref<1x40x128xi32, #tpu.memory_space<hbm>>
      %dma_start3A_35 = tpu.memref_squeeze %dma_start3A_34 : memref<1x40x128xi32, #tpu.memory_space<hbm>> -> memref<40x128xi32, #tpu.memory_space<hbm>>
      tpu.enqueue_dma source(%dma_start3A_35 : memref<40x128xi32, #tpu.memory_space<hbm>>) target(%arg7 : memref<40x128xi32, #tpu.memory_space<vmem>>) target_semaphore(%run_scoped3A : memref<!tpu.dma_semaphore, #tpu.memory_space<semaphore_mem>>)
      %dma_wait3A = arith.constant 0 : i32
      %dma_wait3A_36 = arith.constant 0 : i32
      %dma_wait3A_37 = tpu.memref_slice %arg4[%add3A, %dma_wait3A, %dma_wait3A_36] : memref<32x80x128xi32, #tpu.memory_space<hbm>> -> memref<1x40x128xi32, #tpu.memory_space<hbm>>
      %dma_wait3A_38 = tpu.memref_squeeze %dma_wait3A_37 : memref<1x40x128xi32, #tpu.memory_space<hbm>> -> memref<40x128xi32, #tpu.memory_space<hbm>>
      %dma_wait3A_39 = arith.constant 0 : i32
      %dma_wait3A_40 = arith.constant 0 : i32
      %dma_wait3A_41 = tpu.memref_slice %arg4[%add3A, %dma_wait3A_39, %dma_wait3A_40] : memref<32x80x128xi32, #tpu.memory_space<hbm>> -> memref<1x40x128xi32, #tpu.memory_space<hbm>>
      %dma_wait3A_42 = tpu.memref_squeeze %dma_wait3A_41 : memref<1x40x128xi32, #tpu.memory_space<hbm>> -> memref<40x128xi32, #tpu.memory_space<hbm>>
      tpu.wait_dma2 semaphore(%run_scoped3A : memref<!tpu.dma_semaphore, #tpu.memory_space<semaphore_mem>>) src(%dma_wait3A_42 : memref<40x128xi32, #tpu.memory_space<hbm>>) dst(%arg7 : memref<40x128xi32, #tpu.memory_space<vmem>>)
      tpu.yield
    }) : () -> ()
    %dma_start3A = arith.constant 0 : i32
    %dma_start3A_3 = arith.constant 0 : i32
    %dma_start3A_4 = tpu.memref_slice %arg6[%dma_start3A, %dma_start3A_3] : memref<40x128xi32, #tpu.memory_space<vmem>> -> memref<1x128xi32, #tpu.memory_space<vmem>>
    %dma_start3A_5 = tpu.memref_squeeze %dma_start3A_4 : memref<1x128xi32, #tpu.memory_space<vmem>> -> memref<128xi32, #tpu.memory_space<vmem>>
    %dma_start3A_6 = arith.constant 0 : i32
    %dma_start3A_7 = arith.constant 0 : i32
    %dma_start3A_8 = tpu.memref_slice %arg2[%dma_start3A_6, %dma_start3A_7] : memref<10240x128xf32, #tpu.memory_space<hbm>> -> memref<10240x128xf32, #tpu.memory_space<hbm>>
    tpu.enqueue_indirect_dma source(%dma_start3A_8 : memref<10240x128xf32, #tpu.memory_space<hbm>>) target(%arg8 : memref<128x128xf32, #tpu.memory_space<vmem>>) offsets(%dma_start3A_5 : memref<128xi32, #tpu.memory_space<vmem>>) semaphore(%arg11 : memref<!tpu.dma_semaphore, #tpu.memory_space<semaphore_mem>>)
    %scan3A = arith.constant 0 : i32
    %scan3A_9 = arith.constant 0 : i32
    %scan3A_10 = arith.constant 20 : i32
    %scan3A_11 = arith.addi %scan3A_9, %scan3A_10 : i32
    %scan3A_12 = arith.constant 1 : i32
    scf.for %scan3A_28 = %scan3A_9 to %scan3A_11 step %scan3A_12  : i32 {
      %mul3A_29 = arith.constant 2 : i32
      %mul3A_30 = arith.muli %scan3A_28, %mul3A_29 : i32
      %add3A_31 = arith.constant 1 : i32
      %add3A_32 = arith.addi %mul3A_30, %add3A_31 : i32
      %dma_start3A_33 = arith.constant 0 : i32
      %dma_start3A_34 = tpu.memref_slice %arg6[%add3A_32, %dma_start3A_33] : memref<40x128xi32, #tpu.memory_space<vmem>> -> memref<1x128xi32, #tpu.memory_space<vmem>>
      %dma_start3A_35 = tpu.memref_squeeze %dma_start3A_34 : memref<1x128xi32, #tpu.memory_space<vmem>> -> memref<128xi32, #tpu.memory_space<vmem>>
      %dma_start3A_36 = arith.constant 0 : i32
      %dma_start3A_37 = arith.constant 0 : i32
      %dma_start3A_38 = tpu.memref_slice %arg2[%dma_start3A_36, %dma_start3A_37] : memref<10240x128xf32, #tpu.memory_space<hbm>> -> memref<10240x128xf32, #tpu.memory_space<hbm>>
      tpu.enqueue_indirect_dma source(%dma_start3A_38 : memref<10240x128xf32, #tpu.memory_space<hbm>>) target(%arg9 : memref<128x128xf32, #tpu.memory_space<vmem>>) offsets(%dma_start3A_35 : memref<128xi32, #tpu.memory_space<vmem>>) semaphore(%arg12 : memref<!tpu.dma_semaphore, #tpu.memory_space<semaphore_mem>>)
      %dma_wait3A = arith.constant 0 : i32
      %dma_wait3A_39 = tpu.memref_slice %arg6[%mul3A_30, %dma_wait3A] : memref<40x128xi32, #tpu.memory_space<vmem>> -> memref<1x128xi32, #tpu.memory_space<vmem>>
      %dma_wait3A_40 = tpu.memref_squeeze %dma_wait3A_39 : memref<1x128xi32, #tpu.memory_space<vmem>> -> memref<128xi32, #tpu.memory_space<vmem>>
      %dma_wait3A_41 = arith.constant 0 : i32
      %dma_wait3A_42 = arith.constant 0 : i32
      %dma_wait3A_43 = tpu.memref_slice %arg2[%dma_wait3A_41, %dma_wait3A_42] : memref<10240x128xf32, #tpu.memory_space<hbm>> -> memref<10240x128xf32, #tpu.memory_space<hbm>>
      tpu.wait_indirect_dma semaphore(%arg11 : memref<!tpu.dma_semaphore, #tpu.memory_space<semaphore_mem>>) src(%dma_wait3A_43 : memref<10240x128xf32, #tpu.memory_space<hbm>>) dst(%arg8 : memref<128x128xf32, #tpu.memory_space<vmem>>)
      "tpu.region"() ({
        %run_scoped3A = tpu.sem_alloc : memref<!tpu.dma_semaphore, #tpu.memory_space<semaphore_mem>>
        %dma_start3A_58 = arith.constant 0 : i32
        %dma_start3A_59 = tpu.memref_slice %arg7[%mul3A_30, %dma_start3A_58] : memref<40x128xi32, #tpu.memory_space<vmem>> -> memref<1x128xi32, #tpu.memory_space<vmem>>
        %dma_start3A_60 = tpu.memref_squeeze %dma_start3A_59 : memref<1x128xi32, #tpu.memory_space<vmem>> -> memref<128xi32, #tpu.memory_space<vmem>>
        %dma_start3A_61 = arith.constant 0 : i32
        %dma_start3A_62 = arith.constant 0 : i32
        %dma_start3A_63 = tpu.memref_slice %arg10[%dma_start3A_61, %dma_start3A_62] : memref<10240x128xf32, #tpu.memory_space<vmem_shared>> -> memref<10240x128xf32, #tpu.memory_space<vmem_shared>>
        tpu.enqueue_indirect_dma source(%arg8 : memref<128x128xf32, #tpu.memory_space<vmem>>) target(%dma_start3A_63 : memref<10240x128xf32, #tpu.memory_space<vmem_shared>>) offsets(%dma_start3A_60 : memref<128xi32, #tpu.memory_space<vmem>>) semaphore(%run_scoped3A : memref<!tpu.dma_semaphore, #tpu.memory_space<semaphore_mem>>) {add = true}
        %dma_wait3A_64 = arith.constant 0 : i32
        %dma_wait3A_65 = tpu.memref_slice %arg7[%mul3A_30, %dma_wait3A_64] : memref<40x128xi32, #tpu.memory_space<vmem>> -> memref<1x128xi32, #tpu.memory_space<vmem>>
        %dma_wait3A_66 = tpu.memref_squeeze %dma_wait3A_65 : memref<1x128xi32, #tpu.memory_space<vmem>> -> memref<128xi32, #tpu.memory_space<vmem>>
        %dma_wait3A_67 = arith.constant 0 : i32
        %dma_wait3A_68 = arith.constant 0 : i32
        %dma_wait3A_69 = tpu.memref_slice %arg10[%dma_wait3A_67, %dma_wait3A_68] : memref<10240x128xf32, #tpu.memory_space<vmem_shared>> -> memref<10240x128xf32, #tpu.memory_space<vmem_shared>>
        tpu.wait_indirect_dma semaphore(%run_scoped3A : memref<!tpu.dma_semaphore, #tpu.memory_space<semaphore_mem>>) src(%arg8 : memref<128x128xf32, #tpu.memory_space<vmem>>) dst(%dma_wait3A_69 : memref<10240x128xf32, #tpu.memory_space<vmem_shared>>)
        tpu.yield
      }) : () -> ()
      %add3A_44 = arith.constant 2 : i32
      %add3A_45 = arith.addi %mul3A_30, %add3A_44 : i32
      %lt3A = arith.constant 40 : i32
      %lt3A_46 = arith.cmpi slt, %add3A_45, %lt3A : i32
      %convert_element_type3A = arith.extui %lt3A_46 : i1 to i32
      %cond3A = arith.constant 0 : i32
      %cond3A_47 = arith.cmpi ne, %convert_element_type3A, %cond3A : i32
      scf.if %cond3A_47 {
        %add3A_58 = arith.constant 2 : i32
        %add3A_59 = arith.addi %mul3A_30, %add3A_58 : i32
        %dma_start3A_60 = arith.constant 0 : i32
        %dma_start3A_61 = tpu.memref_slice %arg6[%add3A_59, %dma_start3A_60] : memref<40x128xi32, #tpu.memory_space<vmem>> -> memref<1x128xi32, #tpu.memory_space<vmem>>
        %dma_start3A_62 = tpu.memref_squeeze %dma_start3A_61 : memref<1x128xi32, #tpu.memory_space<vmem>> -> memref<128xi32, #tpu.memory_space<vmem>>
        %dma_start3A_63 = arith.constant 0 : i32
        %dma_start3A_64 = arith.constant 0 : i32
        %dma_start3A_65 = tpu.memref_slice %arg2[%dma_start3A_63, %dma_start3A_64] : memref<10240x128xf32, #tpu.memory_space<hbm>> -> memref<10240x128xf32, #tpu.memory_space<hbm>>
        tpu.enqueue_indirect_dma source(%dma_start3A_65 : memref<10240x128xf32, #tpu.memory_space<hbm>>) target(%arg8 : memref<128x128xf32, #tpu.memory_space<vmem>>) offsets(%dma_start3A_62 : memref<128xi32, #tpu.memory_space<vmem>>) semaphore(%arg11 : memref<!tpu.dma_semaphore, #tpu.memory_space<semaphore_mem>>)
      } else {
      }
      %add3A_48 = arith.constant 1 : i32
      %add3A_49 = arith.addi %mul3A_30, %add3A_48 : i32
      %dma_wait3A_50 = arith.constant 0 : i32
      %dma_wait3A_51 = tpu.memref_slice %arg6[%add3A_49, %dma_wait3A_50] : memref<40x128xi32, #tpu.memory_space<vmem>> -> memref<1x128xi32, #tpu.memory_space<vmem>>
      %dma_wait3A_52 = tpu.memref_squeeze %dma_wait3A_51 : memref<1x128xi32, #tpu.memory_space<vmem>> -> memref<128xi32, #tpu.memory_space<vmem>>
      %dma_wait3A_53 = arith.constant 0 : i32
      %dma_wait3A_54 = arith.constant 0 : i32
      %dma_wait3A_55 = tpu.memref_slice %arg2[%dma_wait3A_53, %dma_wait3A_54] : memref<10240x128xf32, #tpu.memory_space<hbm>> -> memref<10240x128xf32, #tpu.memory_space<hbm>>
      tpu.wait_indirect_dma semaphore(%arg12 : memref<!tpu.dma_semaphore, #tpu.memory_space<semaphore_mem>>) src(%dma_wait3A_55 : memref<10240x128xf32, #tpu.memory_space<hbm>>) dst(%arg9 : memref<128x128xf32, #tpu.memory_space<vmem>>)
      %add3A_56 = arith.constant 1 : i32
      %add3A_57 = arith.addi %mul3A_30, %add3A_56 : i32
      "tpu.region"() ({
        %run_scoped3A = tpu.sem_alloc : memref<!tpu.dma_semaphore, #tpu.memory_space<semaphore_mem>>
        %dma_start3A_58 = arith.constant 0 : i32
        %dma_start3A_59 = tpu.memref_slice %arg7[%add3A_57, %dma_start3A_58] : memref<40x128xi32, #tpu.memory_space<vmem>> -> memref<1x128xi32, #tpu.memory_space<vmem>>
        %dma_start3A_60 = tpu.memref_squeeze %dma_start3A_59 : memref<1x128xi32, #tpu.memory_space<vmem>> -> memref<128xi32, #tpu.memory_space<vmem>>
        %dma_start3A_61 = arith.constant 0 : i32
        %dma_start3A_62 = arith.constant 0 : i32
        %dma_start3A_63 = tpu.memref_slice %arg10[%dma_start3A_61, %dma_start3A_62] : memref<10240x128xf32, #tpu.memory_space<vmem_shared>> -> memref<10240x128xf32, #tpu.memory_space<vmem_shared>>
        tpu.enqueue_indirect_dma source(%arg9 : memref<128x128xf32, #tpu.memory_space<vmem>>) target(%dma_start3A_63 : memref<10240x128xf32, #tpu.memory_space<vmem_shared>>) offsets(%dma_start3A_60 : memref<128xi32, #tpu.memory_space<vmem>>) semaphore(%run_scoped3A : memref<!tpu.dma_semaphore, #tpu.memory_space<semaphore_mem>>) {add = true}
        %dma_wait3A_64 = arith.constant 0 : i32
        %dma_wait3A_65 = tpu.memref_slice %arg7[%add3A_57, %dma_wait3A_64] : memref<40x128xi32, #tpu.memory_space<vmem>> -> memref<1x128xi32, #tpu.memory_space<vmem>>
        %dma_wait3A_66 = tpu.memref_squeeze %dma_wait3A_65 : memref<1x128xi32, #tpu.memory_space<vmem>> -> memref<128xi32, #tpu.memory_space<vmem>>
        %dma_wait3A_67 = arith.constant 0 : i32
        %dma_wait3A_68 = arith.constant 0 : i32
        %dma_wait3A_69 = tpu.memref_slice %arg10[%dma_wait3A_67, %dma_wait3A_68] : memref<10240x128xf32, #tpu.memory_space<vmem_shared>> -> memref<10240x128xf32, #tpu.memory_space<vmem_shared>>
        tpu.wait_indirect_dma semaphore(%run_scoped3A : memref<!tpu.dma_semaphore, #tpu.memory_space<semaphore_mem>>) src(%arg9 : memref<128x128xf32, #tpu.memory_space<vmem>>) dst(%dma_wait3A_69 : memref<10240x128xf32, #tpu.memory_space<vmem_shared>>)
        tpu.yield
      }) : () -> ()
    }
    %scan3A_13 = arith.constant 20 : i32
    "tpu.region"() ({
      %run_scoped3A = tpu.sem_alloc : memref<!tpu.dma_semaphore, #tpu.memory_space<semaphore_mem>>
      %dma_start3A_28 = arith.constant 40 : i32
      %dma_start3A_29 = arith.constant 0 : i32
      %dma_start3A_30 = tpu.memref_slice %arg3[%add3A, %dma_start3A_28, %dma_start3A_29] : memref<32x80x128xi32, #tpu.memory_space<hbm>> -> memref<1x40x128xi32, #tpu.memory_space<hbm>>
      %dma_start3A_31 = tpu.memref_squeeze %dma_start3A_30 : memref<1x40x128xi32, #tpu.memory_space<hbm>> -> memref<40x128xi32, #tpu.memory_space<hbm>>
      %dma_start3A_32 = arith.constant 40 : i32
      %dma_start3A_33 = arith.constant 0 : i32
      %dma_start3A_34 = tpu.memref_slice %arg3[%add3A, %dma_start3A_32, %dma_start3A_33] : memref<32x80x128xi32, #tpu.memory_space<hbm>> -> memref<1x40x128xi32, #tpu.memory_space<hbm>>
      %dma_start3A_35 = tpu.memref_squeeze %dma_start3A_34 : memref<1x40x128xi32, #tpu.memory_space<hbm>> -> memref<40x128xi32, #tpu.memory_space<hbm>>
      tpu.enqueue_dma source(%dma_start3A_35 : memref<40x128xi32, #tpu.memory_space<hbm>>) target(%arg6 : memref<40x128xi32, #tpu.memory_space<vmem>>) target_semaphore(%run_scoped3A : memref<!tpu.dma_semaphore, #tpu.memory_space<semaphore_mem>>)
      %dma_wait3A = arith.constant 40 : i32
      %dma_wait3A_36 = arith.constant 0 : i32
      %dma_wait3A_37 = tpu.memref_slice %arg3[%add3A, %dma_wait3A, %dma_wait3A_36] : memref<32x80x128xi32, #tpu.memory_space<hbm>> -> memref<1x40x128xi32, #tpu.memory_space<hbm>>
      %dma_wait3A_38 = tpu.memref_squeeze %dma_wait3A_37 : memref<1x40x128xi32, #tpu.memory_space<hbm>> -> memref<40x128xi32, #tpu.memory_space<hbm>>
      %dma_wait3A_39 = arith.constant 40 : i32
      %dma_wait3A_40 = arith.constant 0 : i32
      %dma_wait3A_41 = tpu.memref_slice %arg3[%add3A, %dma_wait3A_39, %dma_wait3A_40] : memref<32x80x128xi32, #tpu.memory_space<hbm>> -> memref<1x40x128xi32, #tpu.memory_space<hbm>>
      %dma_wait3A_42 = tpu.memref_squeeze %dma_wait3A_41 : memref<1x40x128xi32, #tpu.memory_space<hbm>> -> memref<40x128xi32, #tpu.memory_space<hbm>>
      tpu.wait_dma2 semaphore(%run_scoped3A : memref<!tpu.dma_semaphore, #tpu.memory_space<semaphore_mem>>) src(%dma_wait3A_42 : memref<40x128xi32, #tpu.memory_space<hbm>>) dst(%arg6 : memref<40x128xi32, #tpu.memory_space<vmem>>)
      tpu.yield
    }) : () -> ()
    "tpu.region"() ({
      %run_scoped3A = tpu.sem_alloc : memref<!tpu.dma_semaphore, #tpu.memory_space<semaphore_mem>>
      %dma_start3A_28 = arith.constant 40 : i32
      %dma_start3A_29 = arith.constant 0 : i32
      %dma_start3A_30 = tpu.memref_slice %arg4[%add3A, %dma_start3A_28, %dma_start3A_29] : memref<32x80x128xi32, #tpu.memory_space<hbm>> -> memref<1x40x128xi32, #tpu.memory_space<hbm>>
      %dma_start3A_31 = tpu.memref_squeeze %dma_start3A_30 : memref<1x40x128xi32, #tpu.memory_space<hbm>> -> memref<40x128xi32, #tpu.memory_space<hbm>>
      %dma_start3A_32 = arith.constant 40 : i32
      %dma_start3A_33 = arith.constant 0 : i32
      %dma_start3A_34 = tpu.memref_slice %arg4[%add3A, %dma_start3A_32, %dma_start3A_33] : memref<32x80x128xi32, #tpu.memory_space<hbm>> -> memref<1x40x128xi32, #tpu.memory_space<hbm>>
      %dma_start3A_35 = tpu.memref_squeeze %dma_start3A_34 : memref<1x40x128xi32, #tpu.memory_space<hbm>> -> memref<40x128xi32, #tpu.memory_space<hbm>>
      tpu.enqueue_dma source(%dma_start3A_35 : memref<40x128xi32, #tpu.memory_space<hbm>>) target(%arg7 : memref<40x128xi32, #tpu.memory_space<vmem>>) target_semaphore(%run_scoped3A : memref<!tpu.dma_semaphore, #tpu.memory_space<semaphore_mem>>)
      %dma_wait3A = arith.constant 40 : i32
      %dma_wait3A_36 = arith.constant 0 : i32
      %dma_wait3A_37 = tpu.memref_slice %arg4[%add3A, %dma_wait3A, %dma_wait3A_36] : memref<32x80x128xi32, #tpu.memory_space<hbm>> -> memref<1x40x128xi32, #tpu.memory_space<hbm>>
      %dma_wait3A_38 = tpu.memref_squeeze %dma_wait3A_37 : memref<1x40x128xi32, #tpu.memory_space<hbm>> -> memref<40x128xi32, #tpu.memory_space<hbm>>
      %dma_wait3A_39 = arith.constant 40 : i32
      %dma_wait3A_40 = arith.constant 0 : i32
      %dma_wait3A_41 = tpu.memref_slice %arg4[%add3A, %dma_wait3A_39, %dma_wait3A_40] : memref<32x80x128xi32, #tpu.memory_space<hbm>> -> memref<1x40x128xi32, #tpu.memory_space<hbm>>
      %dma_wait3A_42 = tpu.memref_squeeze %dma_wait3A_41 : memref<1x40x128xi32, #tpu.memory_space<hbm>> -> memref<40x128xi32, #tpu.memory_space<hbm>>
      tpu.wait_dma2 semaphore(%run_scoped3A : memref<!tpu.dma_semaphore, #tpu.memory_space<semaphore_mem>>) src(%dma_wait3A_42 : memref<40x128xi32, #tpu.memory_space<hbm>>) dst(%arg7 : memref<40x128xi32, #tpu.memory_space<vmem>>)
      tpu.yield
    }) : () -> ()
    %dma_start3A_14 = arith.constant 0 : i32
    %dma_start3A_15 = arith.constant 0 : i32
    %dma_start3A_16 = tpu.memref_slice %arg6[%dma_start3A_14, %dma_start3A_15] : memref<40x128xi32, #tpu.memory_space<vmem>> -> memref<1x128xi32, #tpu.memory_space<vmem>>
    %dma_start3A_17 = tpu.memref_squeeze %dma_start3A_16 : memref<1x128xi32, #tpu.memory_space<vmem>> -> memref<128xi32, #tpu.memory_space<vmem>>
    %dma_start3A_18 = arith.constant 0 : i32
    %dma_start3A_19 = arith.constant 0 : i32
    %dma_start3A_20 = tpu.memref_slice %arg2[%dma_start3A_18, %dma_start3A_19] : memref<10240x128xf32, #tpu.memory_space<hbm>> -> memref<10240x128xf32, #tpu.memory_space<hbm>>
    tpu.enqueue_indirect_dma source(%dma_start3A_20 : memref<10240x128xf32, #tpu.memory_space<hbm>>) target(%arg8 : memref<128x128xf32, #tpu.memory_space<vmem>>) offsets(%dma_start3A_17 : memref<128xi32, #tpu.memory_space<vmem>>) semaphore(%arg11 : memref<!tpu.dma_semaphore, #tpu.memory_space<semaphore_mem>>)
    %scan3A_21 = arith.constant 0 : i32
    %scan3A_22 = arith.constant 0 : i32
    %scan3A_23 = arith.constant 20 : i32
    %scan3A_24 = arith.addi %scan3A_22, %scan3A_23 : i32
    %scan3A_25 = arith.constant 1 : i32
    scf.for %scan3A_28 = %scan3A_22 to %scan3A_24 step %scan3A_25  : i32 {
      %mul3A_29 = arith.constant 2 : i32
      %mul3A_30 = arith.muli %scan3A_28, %mul3A_29 : i32
      %add3A_31 = arith.constant 1 : i32
      %add3A_32 = arith.addi %mul3A_30, %add3A_31 : i32
      %dma_start3A_33 = arith.constant 0 : i32
      %dma_start3A_34 = tpu.memref_slice %arg6[%add3A_32, %dma_start3A_33] : memref<40x128xi32, #tpu.memory_space<vmem>> -> memref<1x128xi32, #tpu.memory_space<vmem>>
      %dma_start3A_35 = tpu.memref_squeeze %dma_start3A_34 : memref<1x128xi32, #tpu.memory_space<vmem>> -> memref<128xi32, #tpu.memory_space<vmem>>
      %dma_start3A_36 = arith.constant 0 : i32
      %dma_start3A_37 = arith.constant 0 : i32
      %dma_start3A_38 = tpu.memref_slice %arg2[%dma_start3A_36, %dma_start3A_37] : memref<10240x128xf32, #tpu.memory_space<hbm>> -> memref<10240x128xf32, #tpu.memory_space<hbm>>
      tpu.enqueue_indirect_dma source(%dma_start3A_38 : memref<10240x128xf32, #tpu.memory_space<hbm>>) target(%arg9 : memref<128x128xf32, #tpu.memory_space<vmem>>) offsets(%dma_start3A_35 : memref<128xi32, #tpu.memory_space<vmem>>) semaphore(%arg12 : memref<!tpu.dma_semaphore, #tpu.memory_space<semaphore_mem>>)
      %dma_wait3A = arith.constant 0 : i32
      %dma_wait3A_39 = tpu.memref_slice %arg6[%mul3A_30, %dma_wait3A] : memref<40x128xi32, #tpu.memory_space<vmem>> -> memref<1x128xi32, #tpu.memory_space<vmem>>
      %dma_wait3A_40 = tpu.memref_squeeze %dma_wait3A_39 : memref<1x128xi32, #tpu.memory_space<vmem>> -> memref<128xi32, #tpu.memory_space<vmem>>
      %dma_wait3A_41 = arith.constant 0 : i32
      %dma_wait3A_42 = arith.constant 0 : i32
      %dma_wait3A_43 = tpu.memref_slice %arg2[%dma_wait3A_41, %dma_wait3A_42] : memref<10240x128xf32, #tpu.memory_space<hbm>> -> memref<10240x128xf32, #tpu.memory_space<hbm>>
      tpu.wait_indirect_dma semaphore(%arg11 : memref<!tpu.dma_semaphore, #tpu.memory_space<semaphore_mem>>) src(%dma_wait3A_43 : memref<10240x128xf32, #tpu.memory_space<hbm>>) dst(%arg8 : memref<128x128xf32, #tpu.memory_space<vmem>>)
      "tpu.region"() ({
        %run_scoped3A = tpu.sem_alloc : memref<!tpu.dma_semaphore, #tpu.memory_space<semaphore_mem>>
        %dma_start3A_58 = arith.constant 0 : i32
        %dma_start3A_59 = tpu.memref_slice %arg7[%mul3A_30, %dma_start3A_58] : memref<40x128xi32, #tpu.memory_space<vmem>> -> memref<1x128xi32, #tpu.memory_space<vmem>>
        %dma_start3A_60 = tpu.memref_squeeze %dma_start3A_59 : memref<1x128xi32, #tpu.memory_space<vmem>> -> memref<128xi32, #tpu.memory_space<vmem>>
        %dma_start3A_61 = arith.constant 0 : i32
        %dma_start3A_62 = arith.constant 0 : i32
        %dma_start3A_63 = tpu.memref_slice %arg10[%dma_start3A_61, %dma_start3A_62] : memref<10240x128xf32, #tpu.memory_space<vmem_shared>> -> memref<10240x128xf32, #tpu.memory_space<vmem_shared>>
        tpu.enqueue_indirect_dma source(%arg8 : memref<128x128xf32, #tpu.memory_space<vmem>>) target(%dma_start3A_63 : memref<10240x128xf32, #tpu.memory_space<vmem_shared>>) offsets(%dma_start3A_60 : memref<128xi32, #tpu.memory_space<vmem>>) semaphore(%run_scoped3A : memref<!tpu.dma_semaphore, #tpu.memory_space<semaphore_mem>>) {add = true}
        %dma_wait3A_64 = arith.constant 0 : i32
        %dma_wait3A_65 = tpu.memref_slice %arg7[%mul3A_30, %dma_wait3A_64] : memref<40x128xi32, #tpu.memory_space<vmem>> -> memref<1x128xi32, #tpu.memory_space<vmem>>
        %dma_wait3A_66 = tpu.memref_squeeze %dma_wait3A_65 : memref<1x128xi32, #tpu.memory_space<vmem>> -> memref<128xi32, #tpu.memory_space<vmem>>
        %dma_wait3A_67 = arith.constant 0 : i32
        %dma_wait3A_68 = arith.constant 0 : i32
        %dma_wait3A_69 = tpu.memref_slice %arg10[%dma_wait3A_67, %dma_wait3A_68] : memref<10240x128xf32, #tpu.memory_space<vmem_shared>> -> memref<10240x128xf32, #tpu.memory_space<vmem_shared>>
        tpu.wait_indirect_dma semaphore(%run_scoped3A : memref<!tpu.dma_semaphore, #tpu.memory_space<semaphore_mem>>) src(%arg8 : memref<128x128xf32, #tpu.memory_space<vmem>>) dst(%dma_wait3A_69 : memref<10240x128xf32, #tpu.memory_space<vmem_shared>>)
        tpu.yield
      }) : () -> ()
      %add3A_44 = arith.constant 2 : i32
      %add3A_45 = arith.addi %mul3A_30, %add3A_44 : i32
      %lt3A = arith.constant 40 : i32
      %lt3A_46 = arith.cmpi slt, %add3A_45, %lt3A : i32
      %convert_element_type3A = arith.extui %lt3A_46 : i1 to i32
      %cond3A = arith.constant 0 : i32
      %cond3A_47 = arith.cmpi ne, %convert_element_type3A, %cond3A : i32
      scf.if %cond3A_47 {
        %add3A_58 = arith.constant 2 : i32
        %add3A_59 = arith.addi %mul3A_30, %add3A_58 : i32
        %dma_start3A_60 = arith.constant 0 : i32
        %dma_start3A_61 = tpu.memref_slice %arg6[%add3A_59, %dma_start3A_60] : memref<40x128xi32, #tpu.memory_space<vmem>> -> memref<1x128xi32, #tpu.memory_space<vmem>>
        %dma_start3A_62 = tpu.memref_squeeze %dma_start3A_61 : memref<1x128xi32, #tpu.memory_space<vmem>> -> memref<128xi32, #tpu.memory_space<vmem>>
        %dma_start3A_63 = arith.constant 0 : i32
        %dma_start3A_64 = arith.constant 0 : i32
        %dma_start3A_65 = tpu.memref_slice %arg2[%dma_start3A_63, %dma_start3A_64] : memref<10240x128xf32, #tpu.memory_space<hbm>> -> memref<10240x128xf32, #tpu.memory_space<hbm>>
        tpu.enqueue_indirect_dma source(%dma_start3A_65 : memref<10240x128xf32, #tpu.memory_space<hbm>>) target(%arg8 : memref<128x128xf32, #tpu.memory_space<vmem>>) offsets(%dma_start3A_62 : memref<128xi32, #tpu.memory_space<vmem>>) semaphore(%arg11 : memref<!tpu.dma_semaphore, #tpu.memory_space<semaphore_mem>>)
      } else {
      }
      %add3A_48 = arith.constant 1 : i32
      %add3A_49 = arith.addi %mul3A_30, %add3A_48 : i32
      %dma_wait3A_50 = arith.constant 0 : i32
      %dma_wait3A_51 = tpu.memref_slice %arg6[%add3A_49, %dma_wait3A_50] : memref<40x128xi32, #tpu.memory_space<vmem>> -> memref<1x128xi32, #tpu.memory_space<vmem>>
      %dma_wait3A_52 = tpu.memref_squeeze %dma_wait3A_51 : memref<1x128xi32, #tpu.memory_space<vmem>> -> memref<128xi32, #tpu.memory_space<vmem>>
      %dma_wait3A_53 = arith.constant 0 : i32
      %dma_wait3A_54 = arith.constant 0 : i32
      %dma_wait3A_55 = tpu.memref_slice %arg2[%dma_wait3A_53, %dma_wait3A_54] : memref<10240x128xf32, #tpu.memory_space<hbm>> -> memref<10240x128xf32, #tpu.memory_space<hbm>>
      tpu.wait_indirect_dma semaphore(%arg12 : memref<!tpu.dma_semaphore, #tpu.memory_space<semaphore_mem>>) src(%dma_wait3A_55 : memref<10240x128xf32, #tpu.memory_space<hbm>>) dst(%arg9 : memref<128x128xf32, #tpu.memory_space<vmem>>)
      %add3A_56 = arith.constant 1 : i32
      %add3A_57 = arith.addi %mul3A_30, %add3A_56 : i32
      "tpu.region"() ({
        %run_scoped3A = tpu.sem_alloc : memref<!tpu.dma_semaphore, #tpu.memory_space<semaphore_mem>>
        %dma_start3A_58 = arith.constant 0 : i32
        %dma_start3A_59 = tpu.memref_slice %arg7[%add3A_57, %dma_start3A_58] : memref<40x128xi32, #tpu.memory_space<vmem>> -> memref<1x128xi32, #tpu.memory_space<vmem>>
        %dma_start3A_60 = tpu.memref_squeeze %dma_start3A_59 : memref<1x128xi32, #tpu.memory_space<vmem>> -> memref<128xi32, #tpu.memory_space<vmem>>
        %dma_start3A_61 = arith.constant 0 : i32
        %dma_start3A_62 = arith.constant 0 : i32
        %dma_start3A_63 = tpu.memref_slice %arg10[%dma_start3A_61, %dma_start3A_62] : memref<10240x128xf32, #tpu.memory_space<vmem_shared>> -> memref<10240x128xf32, #tpu.memory_space<vmem_shared>>
        tpu.enqueue_indirect_dma source(%arg9 : memref<128x128xf32, #tpu.memory_space<vmem>>) target(%dma_start3A_63 : memref<10240x128xf32, #tpu.memory_space<vmem_shared>>) offsets(%dma_start3A_60 : memref<128xi32, #tpu.memory_space<vmem>>) semaphore(%run_scoped3A : memref<!tpu.dma_semaphore, #tpu.memory_space<semaphore_mem>>) {add = true}
        %dma_wait3A_64 = arith.constant 0 : i32
        %dma_wait3A_65 = tpu.memref_slice %arg7[%add3A_57, %dma_wait3A_64] : memref<40x128xi32, #tpu.memory_space<vmem>> -> memref<1x128xi32, #tpu.memory_space<vmem>>
        %dma_wait3A_66 = tpu.memref_squeeze %dma_wait3A_65 : memref<1x128xi32, #tpu.memory_space<vmem>> -> memref<128xi32, #tpu.memory_space<vmem>>
        %dma_wait3A_67 = arith.constant 0 : i32
        %dma_wait3A_68 = arith.constant 0 : i32
        %dma_wait3A_69 = tpu.memref_slice %arg10[%dma_wait3A_67, %dma_wait3A_68] : memref<10240x128xf32, #tpu.memory_space<vmem_shared>> -> memref<10240x128xf32, #tpu.memory_space<vmem_shared>>
        tpu.wait_indirect_dma semaphore(%run_scoped3A : memref<!tpu.dma_semaphore, #tpu.memory_space<semaphore_mem>>) src(%arg9 : memref<128x128xf32, #tpu.memory_space<vmem>>) dst(%dma_wait3A_69 : memref<10240x128xf32, #tpu.memory_space<vmem_shared>>)
        tpu.yield
      }) : () -> ()
    }
    %scan3A_26 = arith.constant 20 : i32
    %barrier3A_27 = arith.constant 0 : index
    tpu.barrier barrier_id(%barrier3A_27)
    "tpu.region"() ({
      %run_scoped3A = tpu.sem_alloc : memref<!tpu.dma_semaphore, #tpu.memory_space<semaphore_mem>>
      %dma_start3A_28 = arith.constant 0 : i32
      %dma_start3A_29 = tpu.memref_slice %arg5[%arg0, %mul3A_2, %dma_start3A_28] : memref<2x10240x128xf32, #tpu.memory_space<hbm>> -> memref<1x640x128xf32, #tpu.memory_space<hbm>>
      %dma_start3A_30 = tpu.memref_squeeze %dma_start3A_29 : memref<1x640x128xf32, #tpu.memory_space<hbm>> -> memref<640x128xf32, #tpu.memory_space<hbm>>
      %dma_start3A_31 = arith.constant 0 : i32
      %dma_start3A_32 = tpu.memref_slice %arg10[%mul3A_2, %dma_start3A_31] : memref<10240x128xf32, #tpu.memory_space<vmem_shared>> -> memref<640x128xf32, #tpu.memory_space<vmem_shared>>
      tpu.enqueue_dma source(%dma_start3A_32 : memref<640x128xf32, #tpu.memory_space<vmem_shared>>) target(%dma_start3A_30 : memref<640x128xf32, #tpu.memory_space<hbm>>) target_semaphore(%run_scoped3A : memref<!tpu.dma_semaphore, #tpu.memory_space<semaphore_mem>>)
      %dma_wait3A = arith.constant 0 : i32
      %dma_wait3A_33 = tpu.memref_slice %arg5[%arg0, %mul3A_2, %dma_wait3A] : memref<2x10240x128xf32, #tpu.memory_space<hbm>> -> memref<1x640x128xf32, #tpu.memory_space<hbm>>
      %dma_wait3A_34 = tpu.memref_squeeze %dma_wait3A_33 : memref<1x640x128xf32, #tpu.memory_space<hbm>> -> memref<640x128xf32, #tpu.memory_space<hbm>>
      %dma_wait3A_35 = arith.constant 0 : i32
      %dma_wait3A_36 = tpu.memref_slice %arg10[%mul3A_2, %dma_wait3A_35] : memref<10240x128xf32, #tpu.memory_space<vmem_shared>> -> memref<640x128xf32, #tpu.memory_space<vmem_shared>>
      tpu.wait_dma2 semaphore(%run_scoped3A : memref<!tpu.dma_semaphore, #tpu.memory_space<semaphore_mem>>) src(%dma_wait3A_36 : memref<640x128xf32, #tpu.memory_space<vmem_shared>>) dst(%dma_wait3A_34 : memref<640x128xf32, #tpu.memory_space<hbm>>)
      tpu.yield
    }) : () -> ()
    return
  }
}

module attributes {stable_mosaic.version = 14 : i64} {
  func.func @_in_proj_body(%arg0: i32, %arg1: memref<512x128xf32, #tpu.memory_space<vmem>>, %arg2: memref<128x512xf32, #tpu.memory_space<vmem>>, %arg3: memref<1x512xf32, #tpu.memory_space<vmem>>, %arg4: memref<512x128xf32, #tpu.memory_space<vmem>>, %arg5: memref<1x128xf32, #tpu.memory_space<vmem>>, %arg6: memref<1x128xf32, #tpu.memory_space<vmem>>, %arg7: memref<1x128xf32, #tpu.memory_space<vmem>>, %arg8: memref<512x128xf32, #tpu.memory_space<vmem>>) attributes {dimension_semantics = [#tpu.dimension_semantics<arbitrary>], iteration_bounds = array<i64: 20>, scalar_prefetch = 0 : i64, scratch_operands = 0 : i64, tpu.core_type = #tpu.core_type<tc>, window_params = [{transform_indices = @transform_0, window_bounds = array<i64: 512, 128>}, {pipeline_mode = #tpu.pipeline_mode<synchronous>, transform_indices = @transform_1, window_bounds = array<i64: 128, 512>}, {pipeline_mode = #tpu.pipeline_mode<synchronous>, transform_indices = @transform_2, window_bounds = array<i64: 1, 512>}, {pipeline_mode = #tpu.pipeline_mode<synchronous>, transform_indices = @transform_3, window_bounds = array<i64: 512, 128>}, {pipeline_mode = #tpu.pipeline_mode<synchronous>, transform_indices = @transform_4, window_bounds = array<i64: 1, 128>}, {pipeline_mode = #tpu.pipeline_mode<synchronous>, transform_indices = @transform_5, window_bounds = array<i64: 1, 128>}, {pipeline_mode = #tpu.pipeline_mode<synchronous>, transform_indices = @transform_6, window_bounds = array<i64: 1, 128>}, {transform_indices = @transform_7, window_bounds = array<i64: 512, 128>}]} {
    %get3A = arith.constant 0 : index
    %get3A_0 = arith.constant 0 : index
    %get3A_1 = vector.load %arg1[%get3A, %get3A_0] : memref<512x128xf32, #tpu.memory_space<vmem>>, vector<512x128xf32>
    %get3A_2 = arith.constant 0 : index
    %get3A_3 = arith.constant 0 : index
    %get3A_4 = vector.load %arg6[%get3A_2, %get3A_3] : memref<1x128xf32, #tpu.memory_space<vmem>>, vector<1x128xf32>
    %get3A_5 = arith.constant 0 : index
    %get3A_6 = arith.constant 0 : index
    %get3A_7 = vector.load %arg7[%get3A_5, %get3A_6] : memref<1x128xf32, #tpu.memory_space<vmem>>, vector<1x128xf32>
    %reduce_sum3A = arith.constant dense<0.000000e+00> : vector<512xf32>
    %reduce_sum3A_8 = vector.multi_reduction <add>, %get3A_1, %reduce_sum3A [1] : vector<512x128xf32> to vector<512xf32>
    %broadcast_in_dim3A = vector.shape_cast %reduce_sum3A_8 : vector<512xf32> to vector<512x1xf32>
    %div3A = arith.constant 1.280000e+02 : f32
    %div3A_9 = vector.broadcast %div3A : f32 to vector<512x1xf32>
    %div3A_10 = arith.divf %broadcast_in_dim3A, %div3A_9 : vector<512x1xf32>
    %sub3A = vector.broadcast %div3A_10 : vector<512x1xf32> to vector<512x128xf32>
    %sub3A_11 = arith.subf %get3A_1, %sub3A : vector<512x128xf32>
    %integer_pow3A = arith.mulf %sub3A_11, %sub3A_11 : vector<512x128xf32>
    %reduce_sum3A_12 = arith.constant dense<0.000000e+00> : vector<512xf32>
    %reduce_sum3A_13 = vector.multi_reduction <add>, %integer_pow3A, %reduce_sum3A_12 [1] : vector<512x128xf32> to vector<512xf32>
    %broadcast_in_dim3A_14 = vector.shape_cast %reduce_sum3A_13 : vector<512xf32> to vector<512x1xf32>
    %div3A_15 = arith.constant 1.280000e+02 : f32
    %div3A_16 = vector.broadcast %div3A_15 : f32 to vector<512x1xf32>
    %div3A_17 = arith.divf %broadcast_in_dim3A_14, %div3A_16 : vector<512x1xf32>
    %sub3A_18 = vector.broadcast %div3A_10 : vector<512x1xf32> to vector<512x128xf32>
    %sub3A_19 = arith.subf %get3A_1, %sub3A_18 : vector<512x128xf32>
    %add3A = arith.constant 9.99999974E-6 : f32
    %add3A_20 = vector.broadcast %add3A : f32 to vector<512x1xf32>
    %add3A_21 = arith.addf %div3A_17, %add3A_20 : vector<512x1xf32>
    %sqrt3A = math.sqrt %add3A_21 : vector<512x1xf32>
    %div3A_22 = vector.broadcast %sqrt3A : vector<512x1xf32> to vector<512x128xf32>
    %div3A_23 = arith.divf %sub3A_19, %div3A_22 : vector<512x128xf32>
    %mul3A = vector.broadcast %get3A_4 : vector<1x128xf32> to vector<512x128xf32>
    %mul3A_24 = arith.mulf %div3A_23, %mul3A : vector<512x128xf32>
    %add3A_25 = vector.broadcast %get3A_7 : vector<1x128xf32> to vector<512x128xf32>
    %add3A_26 = arith.addf %mul3A_24, %add3A_25 : vector<512x128xf32>
    %get3A_27 = arith.constant 0 : index
    %get3A_28 = arith.constant 0 : index
    %get3A_29 = vector.load %arg2[%get3A_27, %get3A_28] : memref<128x512xf32, #tpu.memory_space<vmem>>, vector<128x512xf32>
    %dot_general3A = arith.constant dense<0.000000e+00> : vector<512x512xf32>
    %dot_general3A_30 = tpu.matmul %add3A_26, %get3A_29, %dot_general3A {dimension_numbers = #tpu.dot_dimension_numbers<[1], [0], [0], [1], [0, 0, 1, 1], [], []>, precision = #tpu.contract_precision<fp32>, transpose_lhs_hint = false} : vector<512x128xf32>, vector<128x512xf32>, vector<512x512xf32> -> vector<512x512xf32>
    %get3A_31 = arith.constant 0 : index
    %get3A_32 = arith.constant 0 : index
    %get3A_33 = vector.load %arg3[%get3A_31, %get3A_32] : memref<1x512xf32, #tpu.memory_space<vmem>>, vector<1x512xf32>
    %add3A_34 = vector.broadcast %get3A_33 : vector<1x512xf32> to vector<512x512xf32>
    %add3A_35 = arith.addf %dot_general3A_30, %add3A_34 : vector<512x512xf32>
    %max3A = arith.constant 0.000000e+00 : f32
    %max3A_36 = vector.broadcast %max3A : f32 to vector<512x512xf32>
    %max3A_37 = arith.maximumf %add3A_35, %max3A_36 : vector<512x512xf32>
    %get3A_38 = arith.constant 0 : index
    %get3A_39 = arith.constant 0 : index
    %get3A_40 = vector.load %arg4[%get3A_38, %get3A_39] : memref<512x128xf32, #tpu.memory_space<vmem>>, vector<512x128xf32>
    %dot_general3A_41 = arith.constant dense<0.000000e+00> : vector<512x128xf32>
    %dot_general3A_42 = tpu.matmul %max3A_37, %get3A_40, %dot_general3A_41 {dimension_numbers = #tpu.dot_dimension_numbers<[1], [0], [0], [1], [0, 0, 1, 1], [], []>, precision = #tpu.contract_precision<fp32>, transpose_lhs_hint = false} : vector<512x512xf32>, vector<512x128xf32>, vector<512x128xf32> -> vector<512x128xf32>
    %get3A_43 = arith.constant 0 : index
    %get3A_44 = arith.constant 0 : index
    %get3A_45 = vector.load %arg5[%get3A_43, %get3A_44] : memref<1x128xf32, #tpu.memory_space<vmem>>, vector<1x128xf32>
    %add3A_46 = vector.broadcast %get3A_45 : vector<1x128xf32> to vector<512x128xf32>
    %add3A_47 = arith.addf %dot_general3A_42, %add3A_46 : vector<512x128xf32>
    %swap3A = arith.constant 0 : index
    %swap3A_48 = arith.constant 0 : index
    %swap3A_49 = vector.load %arg8[%swap3A, %swap3A_48] : memref<512x128xf32, #tpu.memory_space<vmem>>, vector<512x128xf32>
    tpu.vector_store %arg8[%swap3A, %swap3A_48], %add3A_47 {strides = array<i32>} : memref<512x128xf32, #tpu.memory_space<vmem>>, vector<512x128xf32>,
    return
  }
  func.func @transform_0(%arg0: i32) -> (i32, i32) {
    %c0_i32 = arith.constant 0 : i32
    %c0_i32_0 = arith.constant 0 : i32
    return %arg0, %c0_i32 : i32, i32
  }
  func.func @transform_1(%arg0: i32) -> (i32, i32) {
    %c0_i32 = arith.constant 0 : i32
    %c0_i32_0 = arith.constant 0 : i32
    %c0_i32_1 = arith.constant 0 : i32
    return %c0_i32, %c0_i32_0 : i32, i32
  }
  func.func @transform_2(%arg0: i32) -> (i32, i32) {
    %c0_i32 = arith.constant 0 : i32
    %c0_i32_0 = arith.constant 0 : i32
    %c0_i32_1 = arith.constant 0 : i32
    return %c0_i32, %c0_i32_0 : i32, i32
  }
  func.func @transform_3(%arg0: i32) -> (i32, i32) {
    %c0_i32 = arith.constant 0 : i32
    %c0_i32_0 = arith.constant 0 : i32
    %c0_i32_1 = arith.constant 0 : i32
    return %c0_i32, %c0_i32_0 : i32, i32
  }
  func.func @transform_4(%arg0: i32) -> (i32, i32) {
    %c0_i32 = arith.constant 0 : i32
    %c0_i32_0 = arith.constant 0 : i32
    %c0_i32_1 = arith.constant 0 : i32
    return %c0_i32, %c0_i32_0 : i32, i32
  }
  func.func @transform_5(%arg0: i32) -> (i32, i32) {
    %c0_i32 = arith.constant 0 : i32
    %c0_i32_0 = arith.constant 0 : i32
    %c0_i32_1 = arith.constant 0 : i32
    return %c0_i32, %c0_i32_0 : i32, i32
  }
  func.func @transform_6(%arg0: i32) -> (i32, i32) {
    %c0_i32 = arith.constant 0 : i32
    %c0_i32_0 = arith.constant 0 : i32
    %c0_i32_1 = arith.constant 0 : i32
    return %c0_i32, %c0_i32_0 : i32, i32
  }
  func.func @transform_7(%arg0: i32) -> (i32, i32) {
    %c0_i32 = arith.constant 0 : i32
    %c0_i32_0 = arith.constant 0 : i32
    return %arg0, %c0_i32 : i32, i32
  }
}

module attributes {stable_mosaic.version = 14 : i64} {
  func.func @_layer_body(%arg0: i32, %arg1: memref<512x128xf32, #tpu.memory_space<vmem>>, %arg2: memref<2x512x128xf32, #tpu.memory_space<vmem>>, %arg3: memref<128x128xf32, #tpu.memory_space<vmem>>, %arg4: memref<1x128xf32, #tpu.memory_space<vmem>>, %arg5: memref<128x128xf32, #tpu.memory_space<vmem>>, %arg6: memref<1x128xf32, #tpu.memory_space<vmem>>, %arg7: memref<1x128xf32, #tpu.memory_space<vmem>>, %arg8: memref<1x128xf32, #tpu.memory_space<vmem>>, %arg9: memref<512x128xf32, #tpu.memory_space<vmem>>) attributes {dimension_semantics = [#tpu.dimension_semantics<arbitrary>], iteration_bounds = array<i64: 20>, scalar_prefetch = 0 : i64, scratch_operands = 0 : i64, tpu.core_type = #tpu.core_type<tc>, window_params = [{transform_indices = @transform_0, window_bounds = array<i64: 512, 128>}, {transform_indices = @transform_1, window_bounds = array<i64: 2, 512, 128>}, {pipeline_mode = #tpu.pipeline_mode<synchronous>, transform_indices = @transform_2, window_bounds = array<i64: 128, 128>}, {pipeline_mode = #tpu.pipeline_mode<synchronous>, transform_indices = @transform_3, window_bounds = array<i64: 1, 128>}, {pipeline_mode = #tpu.pipeline_mode<synchronous>, transform_indices = @transform_4, window_bounds = array<i64: 128, 128>}, {pipeline_mode = #tpu.pipeline_mode<synchronous>, transform_indices = @transform_5, window_bounds = array<i64: 1, 128>}, {pipeline_mode = #tpu.pipeline_mode<synchronous>, transform_indices = @transform_6, window_bounds = array<i64: 1, 128>}, {pipeline_mode = #tpu.pipeline_mode<synchronous>, transform_indices = @transform_7, window_bounds = array<i64: 1, 128>}, {transform_indices = @transform_8, window_bounds = array<i64: 512, 128>}]} {
    %get3A = arith.constant 0 : index
    %get3A_0 = arith.constant 0 : index
    %get3A_1 = vector.load %arg1[%get3A, %get3A_0] : memref<512x128xf32, #tpu.memory_space<vmem>>, vector<512x128xf32>
    %get3A_2 = arith.constant 0 : index
    %get3A_3 = arith.constant 0 : index
    %get3A_4 = arith.constant 0 : index
    %get3A_5 = vector.load %arg2[%get3A_2, %get3A_3, %get3A_4] : memref<2x512x128xf32, #tpu.memory_space<vmem>>, vector<1x512x128xf32>
    %get3A_6 = vector.shape_cast %get3A_5 : vector<1x512x128xf32> to vector<512x128xf32>
    %get3A_7 = arith.constant 1 : index
    %get3A_8 = arith.constant 0 : index
    %get3A_9 = arith.constant 0 : index
    %get3A_10 = vector.load %arg2[%get3A_7, %get3A_8, %get3A_9] : memref<2x512x128xf32, #tpu.memory_space<vmem>>, vector<1x512x128xf32>
    %get3A_11 = vector.shape_cast %get3A_10 : vector<1x512x128xf32> to vector<512x128xf32>
    %add3A = arith.addf %get3A_6, %get3A_11 : vector<512x128xf32>
    %sub3A = arith.subf %add3A, %get3A_1 : vector<512x128xf32>
    %get3A_12 = arith.constant 0 : index
    %get3A_13 = arith.constant 0 : index
    %get3A_14 = vector.load %arg3[%get3A_12, %get3A_13] : memref<128x128xf32, #tpu.memory_space<vmem>>, vector<128x128xf32>
    %dot_general3A = arith.constant dense<0.000000e+00> : vector<512x128xf32>
    %dot_general3A_15 = tpu.matmul %sub3A, %get3A_14, %dot_general3A {dimension_numbers = #tpu.dot_dimension_numbers<[1], [0], [0], [1], [0, 0, 1, 1], [], []>, precision = #tpu.contract_precision<fp32>, transpose_lhs_hint = false} : vector<512x128xf32>, vector<128x128xf32>, vector<512x128xf32> -> vector<512x128xf32>
    %get3A_16 = arith.constant 0 : index
    %get3A_17 = arith.constant 0 : index
    %get3A_18 = vector.load %arg4[%get3A_16, %get3A_17] : memref<1x128xf32, #tpu.memory_space<vmem>>, vector<1x128xf32>
    %add3A_19 = vector.broadcast %get3A_18 : vector<1x128xf32> to vector<512x128xf32>
    %add3A_20 = arith.addf %dot_general3A_15, %add3A_19 : vector<512x128xf32>
    %max3A = arith.constant 0.000000e+00 : f32
    %max3A_21 = vector.broadcast %max3A : f32 to vector<512x128xf32>
    %max3A_22 = arith.maximumf %add3A_20, %max3A_21 : vector<512x128xf32>
    %get3A_23 = arith.constant 0 : index
    %get3A_24 = arith.constant 0 : index
    %get3A_25 = vector.load %arg5[%get3A_23, %get3A_24] : memref<128x128xf32, #tpu.memory_space<vmem>>, vector<128x128xf32>
    %dot_general3A_26 = arith.constant dense<0.000000e+00> : vector<512x128xf32>
    %dot_general3A_27 = tpu.matmul %max3A_22, %get3A_25, %dot_general3A_26 {dimension_numbers = #tpu.dot_dimension_numbers<[1], [0], [0], [1], [0, 0, 1, 1], [], []>, precision = #tpu.contract_precision<fp32>, transpose_lhs_hint = false} : vector<512x128xf32>, vector<128x128xf32>, vector<512x128xf32> -> vector<512x128xf32>
    %get3A_28 = arith.constant 0 : index
    %get3A_29 = arith.constant 0 : index
    %get3A_30 = vector.load %arg6[%get3A_28, %get3A_29] : memref<1x128xf32, #tpu.memory_space<vmem>>, vector<1x128xf32>
    %add3A_31 = vector.broadcast %get3A_30 : vector<1x128xf32> to vector<512x128xf32>
    %add3A_32 = arith.addf %dot_general3A_27, %add3A_31 : vector<512x128xf32>
    %get3A_33 = arith.constant 0 : index
    %get3A_34 = arith.constant 0 : index
    %get3A_35 = vector.load %arg7[%get3A_33, %get3A_34] : memref<1x128xf32, #tpu.memory_space<vmem>>, vector<1x128xf32>
    %get3A_36 = arith.constant 0 : index
    %get3A_37 = arith.constant 0 : index
    %get3A_38 = vector.load %arg8[%get3A_36, %get3A_37] : memref<1x128xf32, #tpu.memory_space<vmem>>, vector<1x128xf32>
    %reduce_sum3A = arith.constant dense<0.000000e+00> : vector<512xf32>
    %reduce_sum3A_39 = vector.multi_reduction <add>, %add3A_32, %reduce_sum3A [1] : vector<512x128xf32> to vector<512xf32>
    %broadcast_in_dim3A = vector.shape_cast %reduce_sum3A_39 : vector<512xf32> to vector<512x1xf32>
    %div3A = arith.constant 1.280000e+02 : f32
    %div3A_40 = vector.broadcast %div3A : f32 to vector<512x1xf32>
    %div3A_41 = arith.divf %broadcast_in_dim3A, %div3A_40 : vector<512x1xf32>
    %sub3A_42 = vector.broadcast %div3A_41 : vector<512x1xf32> to vector<512x128xf32>
    %sub3A_43 = arith.subf %add3A_32, %sub3A_42 : vector<512x128xf32>
    %integer_pow3A = arith.mulf %sub3A_43, %sub3A_43 : vector<512x128xf32>
    %reduce_sum3A_44 = arith.constant dense<0.000000e+00> : vector<512xf32>
    %reduce_sum3A_45 = vector.multi_reduction <add>, %integer_pow3A, %reduce_sum3A_44 [1] : vector<512x128xf32> to vector<512xf32>
    %broadcast_in_dim3A_46 = vector.shape_cast %reduce_sum3A_45 : vector<512xf32> to vector<512x1xf32>
    %div3A_47 = arith.constant 1.280000e+02 : f32
    %div3A_48 = vector.broadcast %div3A_47 : f32 to vector<512x1xf32>
    %div3A_49 = arith.divf %broadcast_in_dim3A_46, %div3A_48 : vector<512x1xf32>
    %sub3A_50 = vector.broadcast %div3A_41 : vector<512x1xf32> to vector<512x128xf32>
    %sub3A_51 = arith.subf %add3A_32, %sub3A_50 : vector<512x128xf32>
    %add3A_52 = arith.constant 9.99999974E-6 : f32
    %add3A_53 = vector.broadcast %add3A_52 : f32 to vector<512x1xf32>
    %add3A_54 = arith.addf %div3A_49, %add3A_53 : vector<512x1xf32>
    %sqrt3A = math.sqrt %add3A_54 : vector<512x1xf32>
    %div3A_55 = vector.broadcast %sqrt3A : vector<512x1xf32> to vector<512x128xf32>
    %div3A_56 = arith.divf %sub3A_51, %div3A_55 : vector<512x128xf32>
    %mul3A = vector.broadcast %get3A_35 : vector<1x128xf32> to vector<512x128xf32>
    %mul3A_57 = arith.mulf %div3A_56, %mul3A : vector<512x128xf32>
    %add3A_58 = vector.broadcast %get3A_38 : vector<1x128xf32> to vector<512x128xf32>
    %add3A_59 = arith.addf %mul3A_57, %add3A_58 : vector<512x128xf32>
    %max3A_60 = arith.constant 0.000000e+00 : f32
    %max3A_61 = vector.broadcast %max3A_60 : f32 to vector<512x128xf32>
    %max3A_62 = arith.maximumf %add3A_59, %max3A_61 : vector<512x128xf32>
    %add3A_63 = arith.addf %get3A_1, %max3A_62 : vector<512x128xf32>
    %swap3A = arith.constant 0 : index
    %swap3A_64 = arith.constant 0 : index
    %swap3A_65 = vector.load %arg9[%swap3A, %swap3A_64] : memref<512x128xf32, #tpu.memory_space<vmem>>, vector<512x128xf32>
    tpu.vector_store %arg9[%swap3A, %swap3A_64], %add3A_63 {strides = array<i32>} : memref<512x128xf32, #tpu.memory_space<vmem>>, vector<512x128xf32>,
    return
  }
  func.func @transform_0(%arg0: i32) -> (i32, i32) {
    %c0_i32 = arith.constant 0 : i32
    %c0_i32_0 = arith.constant 0 : i32
    return %arg0, %c0_i32 : i32, i32
  }
  func.func @transform_1(%arg0: i32) -> (i32, i32, i32) {
    %c0_i32 = arith.constant 0 : i32
    %c0_i32_0 = arith.constant 0 : i32
    %c0_i32_1 = arith.constant 0 : i32
    return %c0_i32, %arg0, %c0_i32_0 : i32, i32, i32
  }
  func.func @transform_2(%arg0: i32) -> (i32, i32) {
    %c0_i32 = arith.constant 0 : i32
    %c0_i32_0 = arith.constant 0 : i32
    %c0_i32_1 = arith.constant 0 : i32
    return %c0_i32, %c0_i32_0 : i32, i32
  }
  func.func @transform_3(%arg0: i32) -> (i32, i32) {
    %c0_i32 = arith.constant 0 : i32
    %c0_i32_0 = arith.constant 0 : i32
    %c0_i32_1 = arith.constant 0 : i32
    return %c0_i32, %c0_i32_0 : i32, i32
  }
  func.func @transform_4(%arg0: i32) -> (i32, i32) {
    %c0_i32 = arith.constant 0 : i32
    %c0_i32_0 = arith.constant 0 : i32
    %c0_i32_1 = arith.constant 0 : i32
    return %c0_i32, %c0_i32_0 : i32, i32
  }
  func.func @transform_5(%arg0: i32) -> (i32, i32) {
    %c0_i32 = arith.constant 0 : i32
    %c0_i32_0 = arith.constant 0 : i32
    %c0_i32_1 = arith.constant 0 : i32
    return %c0_i32, %c0_i32_0 : i32, i32
  }
  func.func @transform_6(%arg0: i32) -> (i32, i32) {
    %c0_i32 = arith.constant 0 : i32
    %c0_i32_0 = arith.constant 0 : i32
    %c0_i32_1 = arith.constant 0 : i32
    return %c0_i32, %c0_i32_0 : i32, i32
  }
  func.func @transform_7(%arg0: i32) -> (i32, i32) {
    %c0_i32 = arith.constant 0 : i32
    %c0_i32_0 = arith.constant 0 : i32
    %c0_i32_1 = arith.constant 0 : i32
    return %c0_i32, %c0_i32_0 : i32, i32
  }
  func.func @transform_8(%arg0: i32) -> (i32, i32) {
    %c0_i32 = arith.constant 0 : i32
    %c0_i32_0 = arith.constant 0 : i32
    return %arg0, %c0_i32 : i32, i32
  }
}

module attributes {stable_mosaic.version = 14 : i64} {
  func.func @_out_proj_body(%arg0: i32, %arg1: memref<512x128xf32, #tpu.memory_space<vmem>>, %arg2: memref<512x128xf32, #tpu.memory_space<vmem>>, %arg3: memref<128x512xf32, #tpu.memory_space<vmem>>, %arg4: memref<1x512xf32, #tpu.memory_space<vmem>>, %arg5: memref<512x128xf32, #tpu.memory_space<vmem>>, %arg6: memref<1x128xf32, #tpu.memory_space<vmem>>, %arg7: memref<1x128xf32, #tpu.memory_space<vmem>>, %arg8: memref<1x128xf32, #tpu.memory_space<vmem>>, %arg9: memref<512x128xf32, #tpu.memory_space<vmem>>) attributes {dimension_semantics = [#tpu.dimension_semantics<arbitrary>], iteration_bounds = array<i64: 20>, scalar_prefetch = 0 : i64, scratch_operands = 0 : i64, tpu.core_type = #tpu.core_type<tc>, window_params = [{transform_indices = @transform_0, window_bounds = array<i64: 512, 128>}, {transform_indices = @transform_1, window_bounds = array<i64: 512, 128>}, {pipeline_mode = #tpu.pipeline_mode<synchronous>, transform_indices = @transform_2, window_bounds = array<i64: 128, 512>}, {pipeline_mode = #tpu.pipeline_mode<synchronous>, transform_indices = @transform_3, window_bounds = array<i64: 1, 512>}, {pipeline_mode = #tpu.pipeline_mode<synchronous>, transform_indices = @transform_4, window_bounds = array<i64: 512, 128>}, {pipeline_mode = #tpu.pipeline_mode<synchronous>, transform_indices = @transform_5, window_bounds = array<i64: 1, 128>}, {pipeline_mode = #tpu.pipeline_mode<synchronous>, transform_indices = @transform_6, window_bounds = array<i64: 1, 128>}, {pipeline_mode = #tpu.pipeline_mode<synchronous>, transform_indices = @transform_7, window_bounds = array<i64: 1, 128>}, {transform_indices = @transform_8, window_bounds = array<i64: 512, 128>}]} {
    %get3A = arith.constant 0 : index
    %get3A_0 = arith.constant 0 : index
    %get3A_1 = vector.load %arg1[%get3A, %get3A_0] : memref<512x128xf32, #tpu.memory_space<vmem>>, vector<512x128xf32>
    %get3A_2 = arith.constant 0 : index
    %get3A_3 = arith.constant 0 : index
    %get3A_4 = vector.load %arg3[%get3A_2, %get3A_3] : memref<128x512xf32, #tpu.memory_space<vmem>>, vector<128x512xf32>
    %dot_general3A = arith.constant dense<0.000000e+00> : vector<512x512xf32>
    %dot_general3A_5 = tpu.matmul %get3A_1, %get3A_4, %dot_general3A {dimension_numbers = #tpu.dot_dimension_numbers<[1], [0], [0], [1], [0, 0, 1, 1], [], []>, precision = #tpu.contract_precision<fp32>, transpose_lhs_hint = false} : vector<512x128xf32>, vector<128x512xf32>, vector<512x512xf32> -> vector<512x512xf32>
    %get3A_6 = arith.constant 0 : index
    %get3A_7 = arith.constant 0 : index
    %get3A_8 = vector.load %arg4[%get3A_6, %get3A_7] : memref<1x512xf32, #tpu.memory_space<vmem>>, vector<1x512xf32>
    %add3A = vector.broadcast %get3A_8 : vector<1x512xf32> to vector<512x512xf32>
    %add3A_9 = arith.addf %dot_general3A_5, %add3A : vector<512x512xf32>
    %max3A = arith.constant 0.000000e+00 : f32
    %max3A_10 = vector.broadcast %max3A : f32 to vector<512x512xf32>
    %max3A_11 = arith.maximumf %add3A_9, %max3A_10 : vector<512x512xf32>
    %get3A_12 = arith.constant 0 : index
    %get3A_13 = arith.constant 0 : index
    %get3A_14 = vector.load %arg5[%get3A_12, %get3A_13] : memref<512x128xf32, #tpu.memory_space<vmem>>, vector<512x128xf32>
    %dot_general3A_15 = arith.constant dense<0.000000e+00> : vector<512x128xf32>
    %dot_general3A_16 = tpu.matmul %max3A_11, %get3A_14, %dot_general3A_15 {dimension_numbers = #tpu.dot_dimension_numbers<[1], [0], [0], [1], [0, 0, 1, 1], [], []>, precision = #tpu.contract_precision<fp32>, transpose_lhs_hint = false} : vector<512x512xf32>, vector<512x128xf32>, vector<512x128xf32> -> vector<512x128xf32>
    %get3A_17 = arith.constant 0 : index
    %get3A_18 = arith.constant 0 : index
    %get3A_19 = vector.load %arg6[%get3A_17, %get3A_18] : memref<1x128xf32, #tpu.memory_space<vmem>>, vector<1x128xf32>
    %add3A_20 = vector.broadcast %get3A_19 : vector<1x128xf32> to vector<512x128xf32>
    %add3A_21 = arith.addf %dot_general3A_16, %add3A_20 : vector<512x128xf32>
    %get3A_22 = arith.constant 0 : index
    %get3A_23 = arith.constant 0 : index
    %get3A_24 = vector.load %arg2[%get3A_22, %get3A_23] : memref<512x128xf32, #tpu.memory_space<vmem>>, vector<512x128xf32>
    %add3A_25 = arith.addf %get3A_24, %add3A_21 : vector<512x128xf32>
    %get3A_26 = arith.constant 0 : index
    %get3A_27 = arith.constant 0 : index
    %get3A_28 = vector.load %arg7[%get3A_26, %get3A_27] : memref<1x128xf32, #tpu.memory_space<vmem>>, vector<1x128xf32>
    %get3A_29 = arith.constant 0 : index
    %get3A_30 = arith.constant 0 : index
    %get3A_31 = vector.load %arg8[%get3A_29, %get3A_30] : memref<1x128xf32, #tpu.memory_space<vmem>>, vector<1x128xf32>
    %reduce_sum3A = arith.constant dense<0.000000e+00> : vector<512xf32>
    %reduce_sum3A_32 = vector.multi_reduction <add>, %add3A_25, %reduce_sum3A [1] : vector<512x128xf32> to vector<512xf32>
    %broadcast_in_dim3A = vector.shape_cast %reduce_sum3A_32 : vector<512xf32> to vector<512x1xf32>
    %div3A = arith.constant 1.280000e+02 : f32
    %div3A_33 = vector.broadcast %div3A : f32 to vector<512x1xf32>
    %div3A_34 = arith.divf %broadcast_in_dim3A, %div3A_33 : vector<512x1xf32>
    %sub3A = vector.broadcast %div3A_34 : vector<512x1xf32> to vector<512x128xf32>
    %sub3A_35 = arith.subf %add3A_25, %sub3A : vector<512x128xf32>
    %integer_pow3A = arith.mulf %sub3A_35, %sub3A_35 : vector<512x128xf32>
    %reduce_sum3A_36 = arith.constant dense<0.000000e+00> : vector<512xf32>
    %reduce_sum3A_37 = vector.multi_reduction <add>, %integer_pow3A, %reduce_sum3A_36 [1] : vector<512x128xf32> to vector<512xf32>
    %broadcast_in_dim3A_38 = vector.shape_cast %reduce_sum3A_37 : vector<512xf32> to vector<512x1xf32>
    %div3A_39 = arith.constant 1.280000e+02 : f32
    %div3A_40 = vector.broadcast %div3A_39 : f32 to vector<512x1xf32>
    %div3A_41 = arith.divf %broadcast_in_dim3A_38, %div3A_40 : vector<512x1xf32>
    %sub3A_42 = vector.broadcast %div3A_34 : vector<512x1xf32> to vector<512x128xf32>
    %sub3A_43 = arith.subf %add3A_25, %sub3A_42 : vector<512x128xf32>
    %add3A_44 = arith.constant 9.99999974E-6 : f32
    %add3A_45 = vector.broadcast %add3A_44 : f32 to vector<512x1xf32>
    %add3A_46 = arith.addf %div3A_41, %add3A_45 : vector<512x1xf32>
    %sqrt3A = math.sqrt %add3A_46 : vector<512x1xf32>
    %div3A_47 = vector.broadcast %sqrt3A : vector<512x1xf32> to vector<512x128xf32>
    %div3A_48 = arith.divf %sub3A_43, %div3A_47 : vector<512x128xf32>
    %mul3A = vector.broadcast %get3A_28 : vector<1x128xf32> to vector<512x128xf32>
    %mul3A_49 = arith.mulf %div3A_48, %mul3A : vector<512x128xf32>
    %add3A_50 = vector.broadcast %get3A_31 : vector<1x128xf32> to vector<512x128xf32>
    %add3A_51 = arith.addf %mul3A_49, %add3A_50 : vector<512x128xf32>
    %swap3A = arith.constant 0 : index
    %swap3A_52 = arith.constant 0 : index
    %swap3A_53 = vector.load %arg9[%swap3A, %swap3A_52] : memref<512x128xf32, #tpu.memory_space<vmem>>, vector<512x128xf32>
    tpu.vector_store %arg9[%swap3A, %swap3A_52], %add3A_51 {strides = array<i32>} : memref<512x128xf32, #tpu.memory_space<vmem>>, vector<512x128xf32>,
    return
  }
  func.func @transform_0(%arg0: i32) -> (i32, i32) {
    %c0_i32 = arith.constant 0 : i32
    %c0_i32_0 = arith.constant 0 : i32
    return %arg0, %c0_i32 : i32, i32
  }
  func.func @transform_1(%arg0: i32) -> (i32, i32) {
    %c0_i32 = arith.constant 0 : i32
    %c0_i32_0 = arith.constant 0 : i32
    return %arg0, %c0_i32 : i32, i32
  }
  func.func @transform_2(%arg0: i32) -> (i32, i32) {
    %c0_i32 = arith.constant 0 : i32
    %c0_i32_0 = arith.constant 0 : i32
    %c0_i32_1 = arith.constant 0 : i32
    return %c0_i32, %c0_i32_0 : i32, i32
  }
  func.func @transform_3(%arg0: i32) -> (i32, i32) {
    %c0_i32 = arith.constant 0 : i32
    %c0_i32_0 = arith.constant 0 : i32
    %c0_i32_1 = arith.constant 0 : i32
    return %c0_i32, %c0_i32_0 : i32, i32
  }
  func.func @transform_4(%arg0: i32) -> (i32, i32) {
    %c0_i32 = arith.constant 0 : i32
    %c0_i32_0 = arith.constant 0 : i32
    %c0_i32_1 = arith.constant 0 : i32
    return %c0_i32, %c0_i32_0 : i32, i32
  }
  func.func @transform_5(%arg0: i32) -> (i32, i32) {
    %c0_i32 = arith.constant 0 : i32
    %c0_i32_0 = arith.constant 0 : i32
    %c0_i32_1 = arith.constant 0 : i32
    return %c0_i32, %c0_i32_0 : i32, i32
  }
  func.func @transform_6(%arg0: i32) -> (i32, i32) {
    %c0_i32 = arith.constant 0 : i32
    %c0_i32_0 = arith.constant 0 : i32
    %c0_i32_1 = arith.constant 0 : i32
    return %c0_i32, %c0_i32_0 : i32, i32
  }
  func.func @transform_7(%arg0: i32) -> (i32, i32) {
    %c0_i32 = arith.constant 0 : i32
    %c0_i32_0 = arith.constant 0 : i32
    %c0_i32_1 = arith.constant 0 : i32
    return %c0_i32, %c0_i32_0 : i32, i32
  }
  func.func @transform_8(%arg0: i32) -> (i32, i32) {
    %c0_i32 = arith.constant 0 : i32
    %c0_i32_0 = arith.constant 0 : i32
    return %arg0, %c0_i32 : i32, i32
  }
}

</mosaic_0001>

<sc_bundles>
// kernel: kernel.10.cloned.1.call-start
scs
__scs_entry_jumppad:
0x0: {  	(pc) =	sbr.rel $0x88, $3  }
0x1: {  	(tag) =	ssettag $0x0;
	lr =	simm.s32 $0x1  }
0x2: {  	[smem:$0x3F81] =	sst lr;
	_ =	strace $0xD0000000  }
0x3: {  	_ = 	snop  }
0x4: {  	_ = 	snop  }
0x5: {  	_ = 	snop  }
0x6: {  	_ = 	snop  }
0x7: {  	_ = 	snop  }
__scs_overlays_trampoline_lowered:
0x8: {  	[smem:$0x3F90] =	sst s0  }
0x9: {  	[smem:$0x3F91] =	sst s1  }
0xa: {  	[smem:$0x3F92] =	sst s2  }
0xb: {  	[smem:$0x3F93] =	sst s3  }
0xc: {  	[smem:$0x3F94] =	sst s4  }
0xd: {  	[smem:$0x3F95] =	sst s5  }
0xe: {  	[smem:$0x3F96] =	sst s6  }
0xf: {  	[smem:$0x3F97] =	sst s7  }
0x10: {  	[smem:$0x3F98] =	sst s8  }
0x11: {  	[smem:$0x3F99] =	sst s9;
	s0 =	simm.s32 @!p0 $0x0  }
0x12: {  	s1 =	sld [smem:$0x3F7F];
	s0 =	simm.s32 @p0 $0x1  }
0x13: {  	[smem:$0x3F9A] =	sst s0;
	s0 =	simm.s32 @!p1 $0x0  }
0x14: {  	s2 =	sld [smem:$0x3F7E];
	s0 =	simm.s32 @p1 $0x1  }
0x15: {  	[smem:$0x3F9B] =	sst s0;
	s0 =	simm.s32 @!p2 $0x0  }
0x16: {  	s3 =	sld [smem:$0x3FDB];
	s0 =	simm.s32 @p2 $0x1  }
0x17: {  	s4 =	simm.s32 $0x1BF5;
	[smem:$0x3F9D] =	sst s0  }
0x18: {  	s0 =	sld [smem:$0x3F80];
	_ =	swait.ge [sflag:s4], $0x0  }
0x19: {  	s7 =	sld [smem:$0x3F81]  }
0x1a: {  	s8 =	sadd.s32 $0xFFFFE003, lr  }
0x1b: {  	s9 =	sadd.s32 $0xFFFFFEF7, lr;
	s5 =	simm.s32 $0xFFFFFFFF;
	p2 =	slt.u32 s8, $0xFFFFF086  }
0x1c: {  	p1 =	slt.u32 s9, $0xF7A;
	s5 =	simm.s32 @!p2 $0x0  }
0x1d: {  	s5 =	simm.s32 @p1 $0x1;
	p0 =	seq.s32 s7, s2  }
0x1e: {  	s7 =	smul.u32 @!p0 $0xF7A, s2;
	p2 =	seq.s32 @!p0 s5, $0x0  }
0x1f: {  	s9 =	smul.u32 $0xF7A, s1;
	s8 =	simm.s32 @!p0 $0x1BF5;
	p2 =	por !p2, p0  }
0x20: {  	[sflag:s8] =	ssyncset.s32 @!p0 $0xFFFFF086;
	s6 =	sadd.s32 @!p0 s3, s7;
	s7 =	simm.s32 @!p0 $0x108  }
0x21: {  	s3 =	sadd.s32 s3, s9;
	s6 =	sadd.s32 @!p0 $0x88, s6;
	s7 =	simm.s32 @p2 $0x1082  }
0x22: {  	[simem:s7], [sflag:s8] =	dma.local @!p0 [hbm:s6], $0xF7A  }
0x23: {  	s9 =	sor.u32 $0xD0000000, s2;
	s6 =	simm.s32 $0x108;
	_ =	swait.ge @!p0 [sflag:s8], $0x0  }
0x24: {  	s3 =	sadd.s32 $0x88, s3;
	s6 =	simm.s32 @!p1 $0x1082;
	[sflag:s4] =	ssyncset.s32 $0xFFFFF086  }
0x25: {  	[simem:s6], [sflag:s4] =	dma.local [hbm:s3], $0xF7A  }
0x26: {  	[smem:$0x3F81] =	sst s1;
	(tag) =	ssettag s2;
	_ =	strace s9  }
0x27: {  	s1 =	sld [smem:$0x3F91]  }
0x28: {  	s2 =	sld [smem:$0x3F92]  }
0x29: {  	s4 =	sld [smem:$0x3F94]  }
0x2a: {  	p0 =	seq.s32 s5, $0x0;
	s5 =	sld [smem:$0x3F95]  }
0x2b: {  	s6 =	sld [smem:$0x3F96]  }
0x2c: {  	s7 =	sld [smem:$0x3F97]  }
0x2d: {  	s3 =	simm.s32 $0x108;
	s8 =	sld [smem:$0x3F98]  }
0x2e: {  	s3 =	simm.s32 @!p0 $0x1082;
	s9 =	sld [smem:$0x3F99]  }
0x2f: {  	lr =	sadd.s32 s0, s3;
	s0 =	sld [smem:$0x3F90]  }
0x30: {  	s3 =	sld [smem:$0x3F93]  }
0x31: {  	[smem:$0x3F9C] =	sst s10  }
0x32: {  	s10 =	sld [smem:$0x3F9A];
	_ =	sdelay $0x3  }
0x33: {  	p0 =	seq.s32 s10, $0x1;
	s10 =	sld [smem:$0x3F9C];
	_ =	sdelay $0x3  }
0x34: {  	[smem:$0x3F9C] =	sst s10  }
0x35: {  	s10 =	sld [smem:$0x3F9B];
	_ =	sdelay $0x3  }
0x36: {  	p1 =	seq.s32 s10, $0x1;
	s10 =	sld [smem:$0x3F9C];
	_ =	sdelay $0x3  }
0x37: {  	[smem:$0x3F9C] =	sst s10  }
0x38: {  	s10 =	sld [smem:$0x3F9D]  }
0x39: {  	_ = 	snop;
	(pc) =	sbr.ind lr, $3  }
0x3a: {  	_ = 	snop  }
0x3b: {  	_ = 	snop  }
0x3c: {  	p2 =	seq.s32 s10, $0x1;
	s10 =	sld [smem:$0x3F9C]  }
0x3d: {  	_ =	shalt  }
0x3e: {  	_ =	shalt  }
0x3f: {  	_ =	shalt  }
0x40: {  	_ =	shalt  }
0x41: {  	_ =	shalt  }
0x42: {  	_ =	shalt  }
0x43: {  	_ =	shalt  }
0x44: {  	_ =	shalt  }
0x45: {  	_ =	shalt  }
0x46: {  	_ =	shalt  }
0x47: {  	_ =	shalt  }
0x48: {  	_ =	shalt  }
0x49: {  	_ =	shalt  }
0x4a: {  	_ =	shalt  }
0x4b: {  	_ =	shalt  }
0x4c: {  	_ =	shalt  }
0x4d: {  	_ =	shalt  }
0x4e: {  	_ =	shalt  }
0x4f: {  	_ =	shalt  }
0x50: {  	_ =	shalt  }
0x51: {  	_ =	shalt  }
0x52: {  	_ =	shalt  }
0x53: {  	_ =	shalt  }
0x54: {  	_ =	shalt  }
0x55: {  	_ =	shalt  }
0x56: {  	_ =	shalt  }
0x57: {  	_ =	shalt  }
0x58: {  	_ =	shalt  }
0x59: {  	_ =	shalt  }
0x5a: {  	_ =	shalt  }
0x5b: {  	_ =	shalt  }
0x5c: {  	_ =	shalt  }
0x5d: {  	_ =	shalt  }
0x5e: {  	_ =	shalt  }
0x5f: {  	_ =	shalt  }
0x60: {  	_ =	shalt  }
0x61: {  	_ =	shalt  }
0x62: {  	_ =	shalt  }
0x63: {  	_ =	shalt  }
0x64: {  	_ =	shalt  }
0x65: {  	_ =	shalt  }
0x66: {  	_ =	shalt  }
0x67: {  	_ =	shalt  }
0x68: {  	_ =	shalt  }
0x69: {  	_ =	shalt  }
0x6a: {  	_ =	shalt  }
0x6b: {  	_ =	shalt  }
0x6c: {  	_ =	shalt  }
0x6d: {  	_ =	shalt  }
0x6e: {  	_ =	shalt  }
0x6f: {  	_ =	shalt  }
0x70: {  	_ =	shalt  }
0x71: {  	_ =	shalt  }
0x72: {  	_ =	shalt  }
0x73: {  	_ =	shalt  }
0x74: {  	_ =	shalt  }
0x75: {  	_ =	shalt  }
0x76: {  	_ =	shalt  }
0x77: {  	_ =	shalt  }
0x78: {  	_ =	shalt  }
0x79: {  	_ =	shalt  }
0x7a: {  	_ =	shalt  }
0x7b: {  	_ =	shalt  }
0x7c: {  	_ =	shalt  }
0x7d: {  	_ =	shalt  }
0x7e: {  	_ =	shalt  }
0x7f: {  	_ =	shalt  }
0x80: {  	_ =	shalt  }
0x81: {  	_ =	shalt  }
0x82: {  	_ =	shalt  }
0x83: {  	_ =	shalt  }
0x84: {  	_ =	shalt  }
0x85: {  	_ =	shalt  }
0x86: {  	_ =	shalt  }
0x87: {  	_ =	shalt  }
.Lfunc_end0:
.L_simem_size_0:
called_computation_lowered:
.L_overlay_start_0:
0x88: {  	s2 =	sld [smem:$0x3FD9]  }
0x89: {  	s3 =	sld [smem:$0x3FFE];
	_ =	sdelay $0x1  }
0x8a: {  	s1 =	srdreg.scid  }
0x8b: {  	s0 =	sand.u32 $0x1, s1  }
0x8c: {  	s17 =	sshll.u32 s0, $0xA;
	s2 =	sadd.s32 s3, s2  }
0x8d: {  	s2 =	sadd.s32 s2, s17  }
0x8e: {  	[smem:$0x3FA8] =	sst s2  }
0x8f: {  	_ = 	snop  }
0x90: {  	s2 =	sld [smem:$0x3FD0];
	(tm) =	ssettm $0x1  }
0x91: {  	s18 =	sld [smem:$0x3FFB];
	_ =	sdelay $0x3  }
0x92: {  	_ =	strace s18  }
0x93: {  	s3 =	sld [smem:$0x3FFC];
	_ =	sdelay $0x3  }
0x94: {  	_ =	strace s3  }
0x95: {  	s3 =	sld [smem:$0x3FFD];
	_ =	sdelay $0x3  }
0x96: {  	_ =	strace s3  }
0x97: {  	_ =	strace $0x8FFFFFFF  }
0x98: {  	s19 =	sld [smem:$0x3FDB];
	_ =	sdelay $0x1  }
0x99: {  	s4 =	simm.s32 $_scs_section_size  }
0x9a: {  	s5 =	simm.s32 $_size__tile_overlayer_lowered;
	s6 =	simm.s32 $_tile_overlayer_lowered  }
0x9b: {  	s22 =	simm.s32 $0x1BFF;
	s21 =	sshll.u32 s6, $0x1;
	s3 =	sadd.s32 s4, s19  }
0x9c: {  	s7 =	simm.s32 $0x0;
	s20 =	sshll.u32 s5, $0x1;
	s5 =	sadd.s32 s21, s3  }
0x9d: {  	[timem:s7], [sflag:s22] =	dma.local [hbm:s5], s20  }
0x9e: {  	_ =	swait.ge [sflag:s22], s20  }
0x9f: {  	s4 =	ssub.s32 $0x0, s20;
	[sflag:s22] =	ssyncset.done $0x0  }
0xa0: {  	[sflag:s22] =	ssyncadd.s32 s4;
	_ =	sdelay $0x1  }
0xa1: {  	s23 =	simm.s32 $0x1B8B  }
0xa2: {  	_ =	swait.ge [sflag:s23], $0x1  }
0xa3: {  	[sflag:s23] =	ssyncset.done $0x0  }
0xa4: {  	s25 =	simm.s32 $0x1B8E;
	s24 =	sld [smem:$0x3FFE];
	[sflag:s23] =	ssyncadd.s32 $0xFFFFFFFF  }
0xa5: {  	s26 =	simm.s32 $execute0_lowered;
	[smem:$0x3FD2] =	sst s25  }
0xa6: {  	s5 =	sshll.u32 s26, $0x1;
	_ =	strace $0x80000046;
	[dreg:$0x1] =	wrdreg $0xFFFFFFFF  }
0xa7: {  	s28 =	simm.s32 $_size_execute0_lowered;
	s3 =	sadd.s32 s3, s5;
	[dreg:$0x0] =	wrdreg $0x0  }
0xa8: {  	s5 =	sshll.u32 s28, $0x1;
	[dreg:$0x2] =	wrdreg s3  }
0xa9: {  	[dreg:$0x3] =	wrdreg s5  }
0xaa: {  	[dreg:$0x4] =	wrdreg $0xC0  }
0xab: {  	_ =	task [dreg:s7], $0x5FFFF  }
0xac: {  	[dreg:$0x1] =	wrdreg $0xFFFFFFFF  }
0xad: {  	[dreg:$0x0] =	wrdreg $0x60  }
0xae: {  	[dreg:$0x2] =	wrdreg s24  }
0xaf: {  	[dreg:$0x3] =	wrdreg s2  }
0xb0: {  	[dreg:$0x4] =	wrdreg $0xA8000  }
0xb1: {  	[dreg:$0x5] =	wrdreg $0x9  }
0xb2: {  	_ =	task.clear_ibuf [dreg:s7], $0x6FFFF;
	_ =	strace $0x90000046  }
0xb3: {  	s29 =	simm.s32 $0x9;
	_ =	strace $0x80000048  }
0xb4: {  	_ =	swait.ge [sflag:s29], $0x1  }
0xb5: {  	[sflag:s29] =	ssyncadd.s32 $0xFFFFFFFF  }
0xb6: {  	_ =	strace $0x90000048  }
0xb7: {  	_ =	sfence  }
0xb8: {  	s30 =	sld [smem:$0x0];
	_ =	sdelay $0x2  }
0xb9: {  	s31 =	sshll.u32 s1, $0xD;
	s1 =	sshrl.u32 s1, $0x2  }
0xba: {  	s3 =	sand.u32 $0x4000, s31;
	s1 =	sadd.s32 s1, s30  }
0xbb: {  	s0 =	sor.u32 s3, s0;
	s1 =	sshll.u32 s1, $0x11  }
0xbc: {  	s0 =	sor.u32 s1, s0  }
0xbd: {  	s0 =	sadd.s32 $0x8F2B, s0  }
0xbe: {  	[sflag:s0] =	ssyncadd.remote.s32 $0x1  }
0xbf: {  	_ =	sfence.sel $0xFFFF  }
0xc0: {  	[dreg:$0x0] =	wrdreg $0xFFFFFFFF;
	(pc) =	sbr.abs _section_cstart, $3  }
0xc1: {  	[dreg:$0x1] =	wrdreg $0xFFFFFFFF  }
0xc2: {  	_ =	task.clear_ibuf [dreg:s7], $0x2FFFF;
	_ =	strace $0x9FFFFFFF  }
0xc3: {  	(tm) =	ssettm $0x7FFFFFFF  }
tec
execute0_lowered:
.L_overlay_start_1:
0x0: {  	(tag) =	ssettag $0x1  }
0x1: {  	s5 =	rddreg [dreg:$0x0]  }
0x2: {  	s10 =	rddreg [dreg:$0x1]  }
0x3: {  	s2 =	rddreg [dreg:$0x2]  }
0x4: {  	s0 =	rddreg [dreg:$0x3];
	s4 =	srdreg.scid  }
0x5: {  	s1 =	stileid.u32;
	s3 =	simm.s32 $0x0;
	s16 =	simm.s32 $0x80  }
0x6: {  	s17 =	simm.s32 $0x2800;
	s18 =	simm.s32 $0x6800;
	s19 =	simm.s32 $0x1  }
0x7: {  	s20 =	simm.s32 $0x2;
	s21 =	simm.s32 $0x1380;
	s22 =	simm.s32 $0x2700  }
0x8: {  	s23 =	simm.s32 $0x2780;
	s24 =	simm.s32 $0x0;
	s6 =	sand.u32 $0x1, s4  }
0x9: {  	s7 =	smul.u32 $0x14000, s1;
	[smem:$0x7FF] =	sst s3;
	s4 =	sadd.s32 $0xFA00, s5  }
0xa: {  	s9 =	sadd.s32 $0x5A00, s5;
	s11 =	smul.u32 $0x50000, s1;
	s29 =	sshll.u32 s1, $0x6  }
0xb: {  	s8 =	smul.u32 $0x140000, s6;
	s12 =	sshll.u32 s6, $0x4;
	s6 =	ssub.s32 $0x2, s6  }
0xc: {  	_ =	strace $0x80000047;
	s12 =	sor.u32 s1, s12;
	s13 =	sshrl.u32 s6, $0x1  }
0xd: {  	s11 =	sshrl.u32 s11, $0x2;
	s28 =	sshrl.u32 s7, $0x3;
	s8 =	sadd.s32 s7, s8  }
0xe: {  	s12 =	smul.u32 $0x2800, s12;
	s13 =	ssub.s32 s6, s13;
	s8 =	sshrl.u32 s8, $0x3  }
0xf: {  	s15 =	sadd.s32 s11, s2;
	s6 =	sor.u32 $0x1C03, s29;
	s14 =	sadd.s32 s8, s5  }
0x10: {  	s30 =	sshrl.u32 s12, $0x3;
	s5 =	sadd.s32 s4, s28;
	s12 =	smax.u32 s13, $0x1  }
0x11: {  	s13 =	sshrl.u32 s15, $0x3;
	s15 =	simm.s32 $0x1400;
	s31 =	sadd.s32 $0x280, s30  }
0x12: {  	s7 =	sadd.s32 s9, s30;
	s8 =	sadd.s32 s10, s30;
	s11 =	sadd.s32 $0x37A00, s14  }
0x13: {  	s14 =	simm.s32 $0x3;
	s9 =	sadd.s32 s9, s31;
	s10 =	sadd.s32 s10, s31  }
.LBB2_1:
0x14: {  	[spmem:s13], [sflag:s6] =	dma.local [hbm:s5], $0x2800  }
0x15: {  	_ =	swait.ge [sflag:s14], $0x2800  }
0x16: {  	[sflag:s14] =	ssyncset.done $0x0  }
0x17: {  	[sflag:s14] =	ssyncadd.s32 $0xFFFFD800  }
0x18: {  	[bflag:$0x0] =	sbarrier.arrive $0xFFFF  }
0x19: {  	[tilespmem:s3], [sflag:$0x3] =	stream.linear.gather [hbm4b:s7+s3], $0x1400, $0x38;
	[tilespmem:$0x1E800] =	vst v63  }
0x1a: {  	_ =	swait.ge [sflag:s14], $0x1400  }
0x1b: {  	[sflag:s14] =	ssyncset.done $0x0  }
0x1c: {  	[sflag:s14] =	ssyncadd.s32 $0xFFFFEC00  }
0x1d: {  	[tilespmem:s15], [sflag:$0x3] =	stream.linear.gather [hbm4b:s8+s3], $0x1400, $0x38;
	[tilespmem:$0x1E800] =	vst v63  }
0x1e: {  	_ =	swait.ge [sflag:s14], $0x1400  }
0x1f: {  	[sflag:s14] =	ssyncset.done $0x0  }
0x20: {  	[sflag:s14] =	ssyncadd.s32 $0xFFFFEC00  }
0x21: {  	[tilespmem:s17], [sflag:$0x1] =	stream.indirect.gather [hbm4b:s4+s16], $0x80, s3, s16, $0xb8;
	[tilespmem:$0x1E800] =	vst v63  }
0x22: {  	s25 =	simm.s32 $0x80  }
0x23: {  	[tilespmem:s18], [sflag:$0x2] =	stream.indirect.gather [hbm4b:s4+s16], $0x80, s25, s16, $0xb8;
	[tilespmem:$0x1E800] =	vst v63  }
0x24: {  	_ =	swait.ge [sflag:s19], $0x4000  }
0x25: {  	[sflag:s19] =	ssyncset.done $0x0  }
0x26: {  	s29 =	simm.s32 $0x1400;
	[sflag:s19] =	ssyncadd.s32 $0xFFFFC000  }
0x27: {  	[spmem:s2] =	stream.indirect.scatter.add.f32 [tilespmem:s17], [sflag:$0x3], $0x80, s29, s16, $0xb8;
	[tilespmem:$0x1E800] =	vst v63  }
0x28: {  	_ =	swait.ge [sflag:s14], $0x4000  }
0x29: {  	[sflag:s14] =	ssyncset.done $0x0  }
0x2a: {  	s30 =	simm.s32 $0x100;
	[sflag:s14] =	ssyncadd.s32 $0xFFFFC000  }
0x2b: {  	[tilespmem:s17], [sflag:$0x1] =	stream.indirect.gather [hbm4b:s4+s16], $0x80, s30, s16, $0xb8;
	[tilespmem:$0x1E800] =	vst v63  }
0x2c: {  	_ =	swait.ge [sflag:s20], $0x4000  }
0x2d: {  	[sflag:s20] =	ssyncset.done $0x0  }
0x2e: {  	s31 =	simm.s32 $0x1480;
	[sflag:s20] =	ssyncadd.s32 $0xFFFFC000  }
0x2f: {  	[spmem:s2] =	stream.indirect.scatter.add.f32 [tilespmem:s18], [sflag:$0x3], $0x80, s31, s16, $0xb8;
	[tilespmem:$0x1E800] =	vst v63  }
0x30: {  	_ =	swait.ge [sflag:s14], $0x4000  }
0x31: {  	s26 =	simm.s32 $0x800;
	s25 =	simm.s32 $0x100;
	[sflag:s14] =	ssyncset.done $0x0  }
.LBB2_2:
0x32: {  	s28 =	sadd.s32 $0x80, s25  }
0x33: {  	[sflag:s14] =	ssyncadd.s32 $0xFFFFC000;
	s29 =	smov.u32 s26;
	s30 =	sadd.s32 $0x400, s26  }
0x34: {  	[tilespmem:s18], [sflag:$0x2] =	stream.indirect.gather [hbm4b:s4+s16], $0x80, s28, s16, $0xb8;
	[tilespmem:$0x1E800] =	vst v63  }
0x35: {  	p0 =	sne.s32 s26, $0x4800;
	_ =	swait.ge [sflag:s19], $0x4000  }
0x36: {  	[sflag:s19] =	ssyncset.done $0x0  }
0x37: {  	s26 =	sadd.s32 $0x1400, s25;
	[sflag:s19] =	ssyncadd.s32 $0xFFFFC000  }
0x38: {  	[spmem:s2] =	stream.indirect.scatter.add.f32 [tilespmem:s17], [sflag:$0x3], $0x80, s26, s16, $0xb8;
	[tilespmem:$0x1E800] =	vst v63  }
0x39: {  	_ =	swait.ge [sflag:s14], $0x4000  }
0x3a: {  	[sflag:s14] =	ssyncset.done $0x0  }
0x3b: {  	s26 =	sadd.s32 $0x100, s25;
	[sflag:s14] =	ssyncadd.s32 $0xFFFFC000  }
0x3c: {  	[tilespmem:s17], [sflag:$0x1] =	stream.indirect.gather [hbm4b:s4+s16], $0x80, s26, s16, $0xb8;
	[tilespmem:$0x1E800] =	vst v63  }
0x3d: {  	_ =	swait.ge [sflag:s20], $0x4000  }
.Ltmp0:
0x3e: {  	[sflag:s20] =	ssyncset.done $0x0;
	(pc) =	sbr.rel @p0 .LBB2_2-.Ltmp0, $4  }
0x3f: {  	s25 =	sadd.s32 $0x1480, s25;
	[sflag:s20] =	ssyncadd.s32 $0xFFFFC000  }
0x40: {  	[spmem:s2] =	stream.indirect.scatter.add.f32 [tilespmem:s18], [sflag:$0x3], $0x80, s25, s16, $0xb8;
	[tilespmem:$0x1E800] =	vst v63  }
0x41: {  	_ =	swait.ge [sflag:s14], $0x4000  }
0x42: {  	s26 =	smov.u32 s30;
	s25 =	sshra.s32 s29, $0x2;
	[sflag:s14] =	ssyncset.done $0x0  }
0x43: {  	s26 =	sadd.s32 $0x80, s25;
	[sflag:s14] =	ssyncadd.s32 $0xFFFFC000  }
0x44: {  	[tilespmem:s18], [sflag:$0x2] =	stream.indirect.gather [hbm4b:s4+s16], $0x80, s26, s16, $0xb8;
	[tilespmem:$0x1E800] =	vst v63  }
0x45: {  	_ =	swait.ge [sflag:s19], $0x4000  }
0x46: {  	[sflag:s19] =	ssyncset.done $0x0  }
0x47: {  	s29 =	sadd.s32 $0x1400, s25;
	[sflag:s19] =	ssyncadd.s32 $0xFFFFC000  }
0x48: {  	[spmem:s2] =	stream.indirect.scatter.add.f32 [tilespmem:s17], [sflag:$0x3], $0x80, s29, s16, $0xb8;
	[tilespmem:$0x1E800] =	vst v63  }
0x49: {  	_ =	swait.ge [sflag:s14], $0x4000  }
0x4a: {  	[sflag:s14] =	ssyncset.done $0x0  }
0x4b: {  	s30 =	sadd.s32 $0x100, s25;
	[sflag:s14] =	ssyncadd.s32 $0xFFFFC000  }
0x4c: {  	[tilespmem:s17], [sflag:$0x1] =	stream.indirect.gather [hbm4b:s4+s16], $0x80, s30, s16, $0xb8;
	[tilespmem:$0x1E800] =	vst v63  }
0x4d: {  	_ =	swait.ge [sflag:s20], $0x4000  }
0x4e: {  	[sflag:s20] =	ssyncset.done $0x0  }
0x4f: {  	s31 =	sadd.s32 $0x1480, s25;
	[sflag:s20] =	ssyncadd.s32 $0xFFFFC000  }
0x50: {  	[spmem:s2] =	stream.indirect.scatter.add.f32 [tilespmem:s18], [sflag:$0x3], $0x80, s31, s16, $0xb8;
	[tilespmem:$0x1E800] =	vst v63  }
0x51: {  	_ =	swait.ge [sflag:s14], $0x4000  }
0x52: {  	[sflag:s14] =	ssyncset.done $0x0  }
0x53: {  	[sflag:s14] =	ssyncadd.s32 $0xFFFFC000  }
0x54: {  	[tilespmem:s18], [sflag:$0x2] =	stream.indirect.gather [hbm4b:s4+s16], $0x80, s21, s16, $0xb8;
	[tilespmem:$0x1E800] =	vst v63  }
0x55: {  	_ =	swait.ge [sflag:s19], $0x4000  }
0x56: {  	[sflag:s19] =	ssyncset.done $0x0  }
0x57: {  	[sflag:s19] =	ssyncadd.s32 $0xFFFFC000  }
0x58: {  	[spmem:s2] =	stream.indirect.scatter.add.f32 [tilespmem:s17], [sflag:$0x3], $0x80, s22, s16, $0xb8;
	[tilespmem:$0x1E800] =	vst v63  }
0x59: {  	_ =	swait.ge [sflag:s14], $0x4000  }
0x5a: {  	[sflag:s14] =	ssyncset.done $0x0  }
0x5b: {  	[sflag:s14] =	ssyncadd.s32 $0xFFFFC000  }
0x5c: {  	_ =	swait.ge [sflag:s20], $0x4000  }
0x5d: {  	[sflag:s20] =	ssyncset.done $0x0  }
0x5e: {  	[sflag:s20] =	ssyncadd.s32 $0xFFFFC000  }
0x5f: {  	[spmem:s2] =	stream.indirect.scatter.add.f32 [tilespmem:s18], [sflag:$0x3], $0x80, s23, s16, $0xb8;
	[tilespmem:$0x1E800] =	vst v63  }
0x60: {  	_ =	swait.ge [sflag:s14], $0x4000  }
0x61: {  	[sflag:s14] =	ssyncset.done $0x0  }
0x62: {  	s26 =	simm.s32 $0x0;
	[sflag:s14] =	ssyncadd.s32 $0xFFFFC000  }
0x63: {  	[tilespmem:s26], [sflag:$0x3] =	stream.linear.gather [hbm4b:s9+s26], $0x1400, $0x38;
	[tilespmem:$0x1E800] =	vst v63  }
0x64: {  	_ =	swait.ge [sflag:s14], $0x1400  }
0x65: {  	[sflag:s14] =	ssyncset.done $0x0  }
0x66: {  	[sflag:s14] =	ssyncadd.s32 $0xFFFFEC00  }
0x67: {  	[tilespmem:s15], [sflag:$0x3] =	stream.linear.gather [hbm4b:s10+s26], $0x1400, $0x38;
	[tilespmem:$0x1E800] =	vst v63  }
0x68: {  	_ =	swait.ge [sflag:s14], $0x1400  }
0x69: {  	[sflag:s14] =	ssyncset.done $0x0  }
0x6a: {  	[sflag:s14] =	ssyncadd.s32 $0xFFFFEC00  }
0x6b: {  	[tilespmem:s17], [sflag:$0x1] =	stream.indirect.gather [hbm4b:s4+s16], $0x80, s26, s16, $0xb8;
	[tilespmem:$0x1E800] =	vst v63  }
0x6c: {  	s28 =	simm.s32 $0x80  }
0x6d: {  	[tilespmem:s18], [sflag:$0x2] =	stream.indirect.gather [hbm4b:s4+s16], $0x80, s28, s16, $0xb8;
	[tilespmem:$0x1E800] =	vst v63  }
0x6e: {  	_ =	swait.ge [sflag:s19], $0x4000  }
0x6f: {  	[sflag:s19] =	ssyncset.done $0x0  }
0x70: {  	s29 =	simm.s32 $0x1400;
	[sflag:s19] =	ssyncadd.s32 $0xFFFFC000  }
0x71: {  	[spmem:s2] =	stream.indirect.scatter.add.f32 [tilespmem:s17], [sflag:$0x3], $0x80, s29, s16, $0xb8;
	[tilespmem:$0x1E800] =	vst v63  }
0x72: {  	_ =	swait.ge [sflag:s14], $0x4000  }
0x73: {  	[sflag:s14] =	ssyncset.done $0x0  }
0x74: {  	s30 =	simm.s32 $0x100;
	[sflag:s14] =	ssyncadd.s32 $0xFFFFC000  }
0x75: {  	[tilespmem:s17], [sflag:$0x1] =	stream.indirect.gather [hbm4b:s4+s16], $0x80, s30, s16, $0xb8;
	[tilespmem:$0x1E800] =	vst v63  }
0x76: {  	_ =	swait.ge [sflag:s20], $0x4000  }
0x77: {  	[sflag:s20] =	ssyncset.done $0x0  }
0x78: {  	s31 =	simm.s32 $0x1480;
	[sflag:s20] =	ssyncadd.s32 $0xFFFFC000  }
0x79: {  	[spmem:s2] =	stream.indirect.scatter.add.f32 [tilespmem:s18], [sflag:$0x3], $0x80, s31, s16, $0xb8;
	[tilespmem:$0x1E800] =	vst v63  }
0x7a: {  	_ =	swait.ge [sflag:s14], $0x4000  }
0x7b: {  	s25 =	simm.s32 $0x100;
	s26 =	simm.s32 $0x800;
	[sflag:s14] =	ssyncset.done $0x0  }
.LBB2_4:
0x7c: {  	s28 =	sadd.s32 $0x80, s25  }
0x7d: {  	[sflag:s14] =	ssyncadd.s32 $0xFFFFC000;
	s29 =	smov.u32 s26;
	s30 =	sadd.s32 $0x400, s26  }
0x7e: {  	[tilespmem:s18], [sflag:$0x2] =	stream.indirect.gather [hbm4b:s4+s16], $0x80, s28, s16, $0xb8;
	[tilespmem:$0x1E800] =	vst v63  }
0x7f: {  	p0 =	sne.s32 s26, $0x4800;
	_ =	swait.ge [sflag:s19], $0x4000  }
0x80: {  	[sflag:s19] =	ssyncset.done $0x0  }
0x81: {  	s26 =	sadd.s32 $0x1400, s25;
	[sflag:s19] =	ssyncadd.s32 $0xFFFFC000  }
0x82: {  	[spmem:s2] =	stream.indirect.scatter.add.f32 [tilespmem:s17], [sflag:$0x3], $0x80, s26, s16, $0xb8;
	[tilespmem:$0x1E800] =	vst v63  }
0x83: {  	_ =	swait.ge [sflag:s14], $0x4000  }
0x84: {  	[sflag:s14] =	ssyncset.done $0x0  }
0x85: {  	s26 =	sadd.s32 $0x100, s25;
	[sflag:s14] =	ssyncadd.s32 $0xFFFFC000  }
0x86: {  	[tilespmem:s17], [sflag:$0x1] =	stream.indirect.gather [hbm4b:s4+s16], $0x80, s26, s16, $0xb8;
	[tilespmem:$0x1E800] =	vst v63  }
0x87: {  	_ =	swait.ge [sflag:s20], $0x4000  }
.Ltmp1:
0x88: {  	[sflag:s20] =	ssyncset.done $0x0;
	(pc) =	sbr.rel @p0 .LBB2_4-.Ltmp1, $4  }
0x89: {  	s25 =	sadd.s32 $0x1480, s25;
	[sflag:s20] =	ssyncadd.s32 $0xFFFFC000  }
0x8a: {  	[spmem:s2] =	stream.indirect.scatter.add.f32 [tilespmem:s18], [sflag:$0x3], $0x80, s25, s16, $0xb8;
	[tilespmem:$0x1E800] =	vst v63  }
0x8b: {  	_ =	swait.ge [sflag:s14], $0x4000  }
0x8c: {  	s26 =	smov.u32 s30;
	s25 =	sshra.s32 s29, $0x2;
	[sflag:s14] =	ssyncset.done $0x0  }
0x8d: {  	s26 =	sadd.s32 $0x80, s25;
	[sflag:s14] =	ssyncadd.s32 $0xFFFFC000  }
0x8e: {  	[tilespmem:s18], [sflag:$0x2] =	stream.indirect.gather [hbm4b:s4+s16], $0x80, s26, s16, $0xb8;
	[tilespmem:$0x1E800] =	vst v63  }
0x8f: {  	_ =	swait.ge [sflag:s19], $0x4000  }
0x90: {  	[sflag:s19] =	ssyncset.done $0x0  }
0x91: {  	s29 =	sadd.s32 $0x1400, s25;
	[sflag:s19] =	ssyncadd.s32 $0xFFFFC000  }
0x92: {  	[spmem:s2] =	stream.indirect.scatter.add.f32 [tilespmem:s17], [sflag:$0x3], $0x80, s29, s16, $0xb8;
	[tilespmem:$0x1E800] =	vst v63  }
0x93: {  	_ =	swait.ge [sflag:s14], $0x4000  }
0x94: {  	[sflag:s14] =	ssyncset.done $0x0  }
0x95: {  	s30 =	sadd.s32 $0x100, s25;
	[sflag:s14] =	ssyncadd.s32 $0xFFFFC000  }
0x96: {  	[tilespmem:s17], [sflag:$0x1] =	stream.indirect.gather [hbm4b:s4+s16], $0x80, s30, s16, $0xb8;
	[tilespmem:$0x1E800] =	vst v63  }
0x97: {  	_ =	swait.ge [sflag:s20], $0x4000  }
0x98: {  	[sflag:s20] =	ssyncset.done $0x0  }
0x99: {  	s31 =	sadd.s32 $0x1480, s25;
	[sflag:s20] =	ssyncadd.s32 $0xFFFFC000  }
0x9a: {  	[spmem:s2] =	stream.indirect.scatter.add.f32 [tilespmem:s18], [sflag:$0x3], $0x80, s31, s16, $0xb8;
	[tilespmem:$0x1E800] =	vst v63  }
0x9b: {  	_ =	swait.ge [sflag:s14], $0x4000  }
0x9c: {  	[sflag:s14] =	ssyncset.done $0x0  }
0x9d: {  	[sflag:s14] =	ssyncadd.s32 $0xFFFFC000  }
0x9e: {  	[tilespmem:s18], [sflag:$0x2] =	stream.indirect.gather [hbm4b:s4+s16], $0x80, s21, s16, $0xb8;
	[tilespmem:$0x1E800] =	vst v63  }
0x9f: {  	_ =	swait.ge [sflag:s19], $0x4000  }
0xa0: {  	[sflag:s19] =	ssyncset.done $0x0  }
0xa1: {  	[sflag:s19] =	ssyncadd.s32 $0xFFFFC000  }
0xa2: {  	[spmem:s2] =	stream.indirect.scatter.add.f32 [tilespmem:s17], [sflag:$0x3], $0x80, s22, s16, $0xb8;
	[tilespmem:$0x1E800] =	vst v63  }
0xa3: {  	_ =	swait.ge [sflag:s14], $0x4000  }
0xa4: {  	[sflag:s14] =	ssyncset.done $0x0  }
0xa5: {  	[sflag:s14] =	ssyncadd.s32 $0xFFFFC000  }
0xa6: {  	_ =	swait.ge [sflag:s20], $0x4000  }
0xa7: {  	[sflag:s20] =	ssyncset.done $0x0  }
0xa8: {  	[sflag:s20] =	ssyncadd.s32 $0xFFFFC000  }
0xa9: {  	[spmem:s2] =	stream.indirect.scatter.add.f32 [tilespmem:s18], [sflag:$0x3], $0x80, s23, s16, $0xb8;
	[tilespmem:$0x1E800] =	vst v63  }
0xaa: {  	_ =	swait.ge [sflag:s14], $0x4000  }
0xab: {  	s24 =	sadd.s32 $0x1, s24;
	[sflag:s14] =	ssyncset.done $0x0  }
0xac: {  	p0 =	sne.s32 s24, s12;
	[sflag:s14] =	ssyncadd.s32 $0xFFFFC000  }
.Ltmp2:
0xad: {  	[bflag:$0x0] =	sbarrier.arrive $0xFFFF;
	(pc) =	sbr.rel @p0 .LBB2_1-.Ltmp2, $4  }
0xae: {  	[hbm:s11], [sflag:s6] =	dma.local [spmem:s13], $0x2800  }
0xaf: {  	_ =	swait.ge [sflag:s14], $0x2800  }
0xb0: {  	[sflag:s14] =	ssyncset.done $0x0  }
0xb1: {  	[sflag:s14] =	ssyncadd.s32 $0xFFFFD800  }
0xb2: {  	_ =	sfence.sel $0x180000  }
0xb3: {  	[bflag:$0x0] =	sbarrier.arrive $0xFFFF  }
0xb4: {  	p0 =	sne.s32 s1, $0x0;
	_ =	strace $0x90000047  }
0xb5: {  	s0 =	sadd.s32 @!p0 $0x100000, s0;
	[bflag:$0x2] =	sbarrier.arrive $0xFFFF  }
0xb6: {  	[sflag:s0] =	ssyncadd.tile.s32 @!p0 $0x1;
	_ =	shalt  }
.Lfunc_end2:
_tile_overlayer_lowered:
.L_overlay_start_2:
0xb7: {  	(tag) =	ssettag $0x2  }
0xb8: {  	s0 =	rddreg [dreg:$0x0];
	s2 =	stileid.u32  }
0xb9: {  	s1 =	rddreg [dreg:$0x1];
	p0 =	sne.s32 s2, $0x0  }
0xba: {  	s3 =	rddreg [dreg:$0x2];
	[bflag:$0x3] =	sbarrier.arrive $0xFFFF;
	s2 =	simm.s32 @!p0 $0x1C03  }
0xbb: {  	[timem:s3], [sflag:s2] =	dma.local @!p0 [hbm:s0], s1  }
0xbc: {  	s0 =	simm.s32 @!p0 $0x3  }
0xbd: {  	_ =	swait.ge @!p0 [sflag:s0], s1  }
0xbe: {  	s1 =	ssub.s32 @!p0 $0x0, s1;
	[sflag:s0] =	ssyncset.done @!p0 $0x0  }
0xbf: {  	[sflag:s0] =	ssyncadd.s32 @!p0 s1  }
0xc0: {  	[bflag:$0x3] =	sbarrier.arrive $0xFFFF  }
0xc1: {  	_ =	shalt  }

// kernel: kernel.13.cloned.1.call-start
scs
__scs_entry_jumppad:
0x0: {  	(pc) =	sbr.rel $0x88, $3  }
0x1: {  	(tag) =	ssettag $0x0;
	lr =	simm.s32 $0x1  }
0x2: {  	[smem:$0x3F81] =	sst lr;
	_ =	strace $0xD0000000  }
0x3: {  	_ = 	snop  }
0x4: {  	_ = 	snop  }
0x5: {  	_ = 	snop  }
0x6: {  	_ = 	snop  }
0x7: {  	_ = 	snop  }
__scs_overlays_trampoline_lowered:
0x8: {  	[smem:$0x3F90] =	sst s0  }
0x9: {  	[smem:$0x3F91] =	sst s1  }
0xa: {  	[smem:$0x3F92] =	sst s2  }
0xb: {  	[smem:$0x3F93] =	sst s3  }
0xc: {  	[smem:$0x3F94] =	sst s4  }
0xd: {  	[smem:$0x3F95] =	sst s5  }
0xe: {  	[smem:$0x3F96] =	sst s6  }
0xf: {  	[smem:$0x3F97] =	sst s7  }
0x10: {  	[smem:$0x3F98] =	sst s8  }
0x11: {  	[smem:$0x3F99] =	sst s9;
	s0 =	simm.s32 @!p0 $0x0  }
0x12: {  	s1 =	sld [smem:$0x3F7F];
	s0 =	simm.s32 @p0 $0x1  }
0x13: {  	[smem:$0x3F9A] =	sst s0;
	s0 =	simm.s32 @!p1 $0x0  }
0x14: {  	s2 =	sld [smem:$0x3F7E];
	s0 =	simm.s32 @p1 $0x1  }
0x15: {  	[smem:$0x3F9B] =	sst s0;
	s0 =	simm.s32 @!p2 $0x0  }
0x16: {  	s3 =	sld [smem:$0x3FDB];
	s0 =	simm.s32 @p2 $0x1  }
0x17: {  	s4 =	simm.s32 $0x1BF5;
	[smem:$0x3F9D] =	sst s0  }
0x18: {  	s0 =	sld [smem:$0x3F80];
	_ =	swait.ge [sflag:s4], $0x0  }
0x19: {  	s7 =	sld [smem:$0x3F81]  }
0x1a: {  	s8 =	sadd.s32 $0xFFFFE003, lr  }
0x1b: {  	s9 =	sadd.s32 $0xFFFFFEF7, lr;
	s5 =	simm.s32 $0xFFFFFFFF;
	p2 =	slt.u32 s8, $0xFFFFF086  }
0x1c: {  	p1 =	slt.u32 s9, $0xF7A;
	s5 =	simm.s32 @!p2 $0x0  }
0x1d: {  	s5 =	simm.s32 @p1 $0x1;
	p0 =	seq.s32 s7, s2  }
0x1e: {  	s7 =	smul.u32 @!p0 $0xF7A, s2;
	p2 =	seq.s32 @!p0 s5, $0x0  }
0x1f: {  	s9 =	smul.u32 $0xF7A, s1;
	s8 =	simm.s32 @!p0 $0x1BF5;
	p2 =	por !p2, p0  }
0x20: {  	[sflag:s8] =	ssyncset.s32 @!p0 $0xFFFFF086;
	s6 =	sadd.s32 @!p0 s3, s7;
	s7 =	simm.s32 @!p0 $0x108  }
0x21: {  	s3 =	sadd.s32 s3, s9;
	s6 =	sadd.s32 @!p0 $0x88, s6;
	s7 =	simm.s32 @p2 $0x1082  }
0x22: {  	[simem:s7], [sflag:s8] =	dma.local @!p0 [hbm:s6], $0xF7A  }
0x23: {  	s9 =	sor.u32 $0xD0000000, s2;
	s6 =	simm.s32 $0x108;
	_ =	swait.ge @!p0 [sflag:s8], $0x0  }
0x24: {  	s3 =	sadd.s32 $0x88, s3;
	s6 =	simm.s32 @!p1 $0x1082;
	[sflag:s4] =	ssyncset.s32 $0xFFFFF086  }
0x25: {  	[simem:s6], [sflag:s4] =	dma.local [hbm:s3], $0xF7A  }
0x26: {  	[smem:$0x3F81] =	sst s1;
	(tag) =	ssettag s2;
	_ =	strace s9  }
0x27: {  	s1 =	sld [smem:$0x3F91]  }
0x28: {  	s2 =	sld [smem:$0x3F92]  }
0x29: {  	s4 =	sld [smem:$0x3F94]  }
0x2a: {  	p0 =	seq.s32 s5, $0x0;
	s5 =	sld [smem:$0x3F95]  }
0x2b: {  	s6 =	sld [smem:$0x3F96]  }
0x2c: {  	s7 =	sld [smem:$0x3F97]  }
0x2d: {  	s3 =	simm.s32 $0x108;
	s8 =	sld [smem:$0x3F98]  }
0x2e: {  	s3 =	simm.s32 @!p0 $0x1082;
	s9 =	sld [smem:$0x3F99]  }
0x2f: {  	lr =	sadd.s32 s0, s3;
	s0 =	sld [smem:$0x3F90]  }
0x30: {  	s3 =	sld [smem:$0x3F93]  }
0x31: {  	[smem:$0x3F9C] =	sst s10  }
0x32: {  	s10 =	sld [smem:$0x3F9A];
	_ =	sdelay $0x3  }
0x33: {  	p0 =	seq.s32 s10, $0x1;
	s10 =	sld [smem:$0x3F9C];
	_ =	sdelay $0x3  }
0x34: {  	[smem:$0x3F9C] =	sst s10  }
0x35: {  	s10 =	sld [smem:$0x3F9B];
	_ =	sdelay $0x3  }
0x36: {  	p1 =	seq.s32 s10, $0x1;
	s10 =	sld [smem:$0x3F9C];
	_ =	sdelay $0x3  }
0x37: {  	[smem:$0x3F9C] =	sst s10  }
0x38: {  	s10 =	sld [smem:$0x3F9D]  }
0x39: {  	_ = 	snop;
	(pc) =	sbr.ind lr, $3  }
0x3a: {  	_ = 	snop  }
0x3b: {  	_ = 	snop  }
0x3c: {  	p2 =	seq.s32 s10, $0x1;
	s10 =	sld [smem:$0x3F9C]  }
0x3d: {  	_ =	shalt  }
0x3e: {  	_ =	shalt  }
0x3f: {  	_ =	shalt  }
0x40: {  	_ =	shalt  }
0x41: {  	_ =	shalt  }
0x42: {  	_ =	shalt  }
0x43: {  	_ =	shalt  }
0x44: {  	_ =	shalt  }
0x45: {  	_ =	shalt  }
0x46: {  	_ =	shalt  }
0x47: {  	_ =	shalt  }
0x48: {  	_ =	shalt  }
0x49: {  	_ =	shalt  }
0x4a: {  	_ =	shalt  }
0x4b: {  	_ =	shalt  }
0x4c: {  	_ =	shalt  }
0x4d: {  	_ =	shalt  }
0x4e: {  	_ =	shalt  }
0x4f: {  	_ =	shalt  }
0x50: {  	_ =	shalt  }
0x51: {  	_ =	shalt  }
0x52: {  	_ =	shalt  }
0x53: {  	_ =	shalt  }
0x54: {  	_ =	shalt  }
0x55: {  	_ =	shalt  }
0x56: {  	_ =	shalt  }
0x57: {  	_ =	shalt  }
0x58: {  	_ =	shalt  }
0x59: {  	_ =	shalt  }
0x5a: {  	_ =	shalt  }
0x5b: {  	_ =	shalt  }
0x5c: {  	_ =	shalt  }
0x5d: {  	_ =	shalt  }
0x5e: {  	_ =	shalt  }
0x5f: {  	_ =	shalt  }
0x60: {  	_ =	shalt  }
0x61: {  	_ =	shalt  }
0x62: {  	_ =	shalt  }
0x63: {  	_ =	shalt  }
0x64: {  	_ =	shalt  }
0x65: {  	_ =	shalt  }
0x66: {  	_ =	shalt  }
0x67: {  	_ =	shalt  }
0x68: {  	_ =	shalt  }
0x69: {  	_ =	shalt  }
0x6a: {  	_ =	shalt  }
0x6b: {  	_ =	shalt  }
0x6c: {  	_ =	shalt  }
0x6d: {  	_ =	shalt  }
0x6e: {  	_ =	shalt  }
0x6f: {  	_ =	shalt  }
0x70: {  	_ =	shalt  }
0x71: {  	_ =	shalt  }
0x72: {  	_ =	shalt  }
0x73: {  	_ =	shalt  }
0x74: {  	_ =	shalt  }
0x75: {  	_ =	shalt  }
0x76: {  	_ =	shalt  }
0x77: {  	_ =	shalt  }
0x78: {  	_ =	shalt  }
0x79: {  	_ =	shalt  }
0x7a: {  	_ =	shalt  }
0x7b: {  	_ =	shalt  }
0x7c: {  	_ =	shalt  }
0x7d: {  	_ =	shalt  }
0x7e: {  	_ =	shalt  }
0x7f: {  	_ =	shalt  }
0x80: {  	_ =	shalt  }
0x81: {  	_ =	shalt  }
0x82: {  	_ =	shalt  }
0x83: {  	_ =	shalt  }
0x84: {  	_ =	shalt  }
0x85: {  	_ =	shalt  }
0x86: {  	_ =	shalt  }
0x87: {  	_ =	shalt  }
.Lfunc_end0:
.L_simem_size_0:
called_computation.1_lowered:
.L_overlay_start_0:
0x88: {  	s2 =	sld [smem:$0x3FD9]  }
0x89: {  	s3 =	sld [smem:$0x3FFE];
	_ =	sdelay $0x1  }
0x8a: {  	s1 =	srdreg.scid  }
0x8b: {  	s0 =	sand.u32 $0x1, s1  }
0x8c: {  	s17 =	sshll.u32 s0, $0xA;
	s2 =	sadd.s32 s3, s2  }
0x8d: {  	s2 =	sadd.s32 s2, s17  }
0x8e: {  	[smem:$0x3FA8] =	sst s2  }
0x8f: {  	_ = 	snop  }
0x90: {  	s2 =	sld [smem:$0x3FD0];
	(tm) =	ssettm $0x1  }
0x91: {  	s18 =	sld [smem:$0x3FFB];
	_ =	sdelay $0x3  }
0x92: {  	_ =	strace s18  }
0x93: {  	s3 =	sld [smem:$0x3FFC];
	_ =	sdelay $0x3  }
0x94: {  	_ =	strace s3  }
0x95: {  	s3 =	sld [smem:$0x3FFD];
	_ =	sdelay $0x3  }
0x96: {  	_ =	strace s3  }
0x97: {  	_ =	strace $0x8FFFFFFF  }
0x98: {  	s19 =	sld [smem:$0x3FDB];
	_ =	sdelay $0x1  }
0x99: {  	s4 =	simm.s32 $_scs_section_size  }
0x9a: {  	s5 =	simm.s32 $_size__tile_overlayer_lowered;
	s6 =	simm.s32 $_tile_overlayer_lowered  }
0x9b: {  	s22 =	simm.s32 $0x1BFF;
	s21 =	sshll.u32 s6, $0x1;
	s3 =	sadd.s32 s4, s19  }
0x9c: {  	s7 =	simm.s32 $0x0;
	s20 =	sshll.u32 s5, $0x1;
	s5 =	sadd.s32 s21, s3  }
0x9d: {  	[timem:s7], [sflag:s22] =	dma.local [hbm:s5], s20  }
0x9e: {  	_ =	swait.ge [sflag:s22], s20  }
0x9f: {  	s4 =	ssub.s32 $0x0, s20;
	[sflag:s22] =	ssyncset.done $0x0  }
0xa0: {  	[sflag:s22] =	ssyncadd.s32 s4;
	_ =	sdelay $0x1  }
0xa1: {  	s23 =	simm.s32 $0x1B8B  }
0xa2: {  	_ =	swait.ge [sflag:s23], $0x1  }
0xa3: {  	[sflag:s23] =	ssyncset.done $0x0  }
0xa4: {  	s25 =	simm.s32 $0x1B8E;
	s24 =	sld [smem:$0x3FFE];
	[sflag:s23] =	ssyncadd.s32 $0xFFFFFFFF  }
0xa5: {  	s26 =	simm.s32 $execute0_lowered;
	[smem:$0x3FD2] =	sst s25  }
0xa6: {  	s5 =	sshll.u32 s26, $0x1;
	_ =	strace $0x80000049;
	[dreg:$0x1] =	wrdreg $0xFFFFFFFF  }
0xa7: {  	s28 =	simm.s32 $_size_execute0_lowered;
	s3 =	sadd.s32 s3, s5;
	[dreg:$0x0] =	wrdreg $0x0  }
0xa8: {  	s5 =	sshll.u32 s28, $0x1;
	[dreg:$0x2] =	wrdreg s3  }
0xa9: {  	[dreg:$0x3] =	wrdreg s5  }
0xaa: {  	[dreg:$0x4] =	wrdreg $0xC0  }
0xab: {  	_ =	task [dreg:s7], $0x5FFFF  }
0xac: {  	[dreg:$0x1] =	wrdreg $0xFFFFFFFF  }
0xad: {  	[dreg:$0x0] =	wrdreg $0x60  }
0xae: {  	[dreg:$0x2] =	wrdreg s24  }
0xaf: {  	[dreg:$0x3] =	wrdreg s2  }
0xb0: {  	[dreg:$0x4] =	wrdreg $0xA8000  }
0xb1: {  	[dreg:$0x5] =	wrdreg $0x9  }
0xb2: {  	_ =	task.clear_ibuf [dreg:s7], $0x6FFFF;
	_ =	strace $0x90000049  }
0xb3: {  	s29 =	simm.s32 $0x9;
	_ =	strace $0x8000004B  }
0xb4: {  	_ =	swait.ge [sflag:s29], $0x1  }
0xb5: {  	[sflag:s29] =	ssyncadd.s32 $0xFFFFFFFF  }
0xb6: {  	_ =	strace $0x9000004B  }
0xb7: {  	_ =	sfence  }
0xb8: {  	s30 =	sld [smem:$0x0];
	_ =	sdelay $0x2  }
0xb9: {  	s31 =	sshll.u32 s1, $0xD;
	s1 =	sshrl.u32 s1, $0x2  }
0xba: {  	s3 =	sand.u32 $0x4000, s31;
	s1 =	sadd.s32 s1, s30  }
0xbb: {  	s0 =	sor.u32 s3, s0;
	s1 =	sshll.u32 s1, $0x11  }
0xbc: {  	s0 =	sor.u32 s1, s0  }
0xbd: {  	s0 =	sadd.s32 $0x8F2B, s0  }
0xbe: {  	[sflag:s0] =	ssyncadd.remote.s32 $0x1  }
0xbf: {  	_ =	sfence.sel $0xFFFF  }
0xc0: {  	[dreg:$0x0] =	wrdreg $0xFFFFFFFF;
	(pc) =	sbr.abs _section_cstart, $3  }
0xc1: {  	[dreg:$0x1] =	wrdreg $0xFFFFFFFF  }
0xc2: {  	_ =	task.clear_ibuf [dreg:s7], $0x2FFFF;
	_ =	strace $0x9FFFFFFF  }
0xc3: {  	(tm) =	ssettm $0x7FFFFFFF  }
tec
execute0_lowered:
.L_overlay_start_1:
0x0: {  	(tag) =	ssettag $0x1  }
0x1: {  	s5 =	rddreg [dreg:$0x0]  }
0x2: {  	s10 =	rddreg [dreg:$0x1]  }
0x3: {  	s2 =	rddreg [dreg:$0x2]  }
0x4: {  	s0 =	rddreg [dreg:$0x3];
	s4 =	srdreg.scid  }
0x5: {  	s1 =	stileid.u32;
	s3 =	simm.s32 $0x0;
	s16 =	simm.s32 $0x80  }
0x6: {  	s17 =	simm.s32 $0x2800;
	s18 =	simm.s32 $0x6800;
	s19 =	simm.s32 $0x1  }
0x7: {  	s20 =	simm.s32 $0x2;
	s21 =	simm.s32 $0x1380;
	s22 =	simm.s32 $0x2700  }
0x8: {  	s23 =	simm.s32 $0x2780;
	s24 =	simm.s32 $0x0;
	s6 =	sand.u32 $0x1, s4  }
0x9: {  	s7 =	smul.u32 $0x14000, s1;
	[smem:$0x7FF] =	sst s3;
	s4 =	sadd.s32 $0xFA00, s5  }
0xa: {  	s9 =	sadd.s32 $0x5A00, s5;
	s11 =	smul.u32 $0x50000, s1;
	s29 =	sshll.u32 s1, $0x6  }
0xb: {  	s8 =	smul.u32 $0x140000, s6;
	s12 =	sshll.u32 s6, $0x4;
	s6 =	ssub.s32 $0x2, s6  }
0xc: {  	_ =	strace $0x8000004A;
	s12 =	sor.u32 s1, s12;
	s13 =	sshrl.u32 s6, $0x1  }
0xd: {  	s11 =	sshrl.u32 s11, $0x2;
	s28 =	sshrl.u32 s7, $0x3;
	s8 =	sadd.s32 s7, s8  }
0xe: {  	s12 =	smul.u32 $0x2800, s12;
	s13 =	ssub.s32 s6, s13;
	s8 =	sshrl.u32 s8, $0x3  }
0xf: {  	s15 =	sadd.s32 s11, s2;
	s6 =	sor.u32 $0x1C03, s29;
	s14 =	sadd.s32 s8, s5  }
0x10: {  	s30 =	sshrl.u32 s12, $0x3;
	s5 =	sadd.s32 s4, s28;
	s12 =	smax.u32 s13, $0x1  }
0x11: {  	s13 =	sshrl.u32 s15, $0x3;
	s15 =	simm.s32 $0x1400;
	s31 =	sadd.s32 $0x280, s30  }
0x12: {  	s7 =	sadd.s32 s9, s30;
	s8 =	sadd.s32 s10, s30;
	s11 =	sadd.s32 $0x37A00, s14  }
0x13: {  	s14 =	simm.s32 $0x3;
	s9 =	sadd.s32 s9, s31;
	s10 =	sadd.s32 s10, s31  }
.LBB2_1:
0x14: {  	[spmem:s13], [sflag:s6] =	dma.local [hbm:s5], $0x2800  }
0x15: {  	_ =	swait.ge [sflag:s14], $0x2800  }
0x16: {  	[sflag:s14] =	ssyncset.done $0x0  }
0x17: {  	[sflag:s14] =	ssyncadd.s32 $0xFFFFD800  }
0x18: {  	[bflag:$0x0] =	sbarrier.arrive $0xFFFF  }
0x19: {  	[tilespmem:s3], [sflag:$0x3] =	stream.linear.gather [hbm4b:s7+s3], $0x1400, $0x38;
	[tilespmem:$0x1E800] =	vst v63  }
0x1a: {  	_ =	swait.ge [sflag:s14], $0x1400  }
0x1b: {  	[sflag:s14] =	ssyncset.done $0x0  }
0x1c: {  	[sflag:s14] =	ssyncadd.s32 $0xFFFFEC00  }
0x1d: {  	[tilespmem:s15], [sflag:$0x3] =	stream.linear.gather [hbm4b:s8+s3], $0x1400, $0x38;
	[tilespmem:$0x1E800] =	vst v63  }
0x1e: {  	_ =	swait.ge [sflag:s14], $0x1400  }
0x1f: {  	[sflag:s14] =	ssyncset.done $0x0  }
0x20: {  	[sflag:s14] =	ssyncadd.s32 $0xFFFFEC00  }
0x21: {  	[tilespmem:s17], [sflag:$0x1] =	stream.indirect.gather [hbm4b:s4+s16], $0x80, s3, s16, $0xb8;
	[tilespmem:$0x1E800] =	vst v63  }
0x22: {  	s25 =	simm.s32 $0x80  }
0x23: {  	[tilespmem:s18], [sflag:$0x2] =	stream.indirect.gather [hbm4b:s4+s16], $0x80, s25, s16, $0xb8;
	[tilespmem:$0x1E800] =	vst v63  }
0x24: {  	_ =	swait.ge [sflag:s19], $0x4000  }
0x25: {  	[sflag:s19] =	ssyncset.done $0x0  }
0x26: {  	s29 =	simm.s32 $0x1400;
	[sflag:s19] =	ssyncadd.s32 $0xFFFFC000  }
0x27: {  	[spmem:s2] =	stream.indirect.scatter.add.f32 [tilespmem:s17], [sflag:$0x3], $0x80, s29, s16, $0xb8;
	[tilespmem:$0x1E800] =	vst v63  }
0x28: {  	_ =	swait.ge [sflag:s14], $0x4000  }
0x29: {  	[sflag:s14] =	ssyncset.done $0x0  }
0x2a: {  	s30 =	simm.s32 $0x100;
	[sflag:s14] =	ssyncadd.s32 $0xFFFFC000  }
0x2b: {  	[tilespmem:s17], [sflag:$0x1] =	stream.indirect.gather [hbm4b:s4+s16], $0x80, s30, s16, $0xb8;
	[tilespmem:$0x1E800] =	vst v63  }
0x2c: {  	_ =	swait.ge [sflag:s20], $0x4000  }
0x2d: {  	[sflag:s20] =	ssyncset.done $0x0  }
0x2e: {  	s31 =	simm.s32 $0x1480;
	[sflag:s20] =	ssyncadd.s32 $0xFFFFC000  }
0x2f: {  	[spmem:s2] =	stream.indirect.scatter.add.f32 [tilespmem:s18], [sflag:$0x3], $0x80, s31, s16, $0xb8;
	[tilespmem:$0x1E800] =	vst v63  }
0x30: {  	_ =	swait.ge [sflag:s14], $0x4000  }
0x31: {  	s26 =	simm.s32 $0x800;
	s25 =	simm.s32 $0x100;
	[sflag:s14] =	ssyncset.done $0x0  }
.LBB2_2:
0x32: {  	s28 =	sadd.s32 $0x80, s25  }
0x33: {  	[sflag:s14] =	ssyncadd.s32 $0xFFFFC000;
	s29 =	smov.u32 s26;
	s30 =	sadd.s32 $0x400, s26  }
0x34: {  	[tilespmem:s18], [sflag:$0x2] =	stream.indirect.gather [hbm4b:s4+s16], $0x80, s28, s16, $0xb8;
	[tilespmem:$0x1E800] =	vst v63  }
0x35: {  	p0 =	sne.s32 s26, $0x4800;
	_ =	swait.ge [sflag:s19], $0x4000  }
0x36: {  	[sflag:s19] =	ssyncset.done $0x0  }
0x37: {  	s26 =	sadd.s32 $0x1400, s25;
	[sflag:s19] =	ssyncadd.s32 $0xFFFFC000  }
0x38: {  	[spmem:s2] =	stream.indirect.scatter.add.f32 [tilespmem:s17], [sflag:$0x3], $0x80, s26, s16, $0xb8;
	[tilespmem:$0x1E800] =	vst v63  }
0x39: {  	_ =	swait.ge [sflag:s14], $0x4000  }
0x3a: {  	[sflag:s14] =	ssyncset.done $0x0  }
0x3b: {  	s26 =	sadd.s32 $0x100, s25;
	[sflag:s14] =	ssyncadd.s32 $0xFFFFC000  }
0x3c: {  	[tilespmem:s17], [sflag:$0x1] =	stream.indirect.gather [hbm4b:s4+s16], $0x80, s26, s16, $0xb8;
	[tilespmem:$0x1E800] =	vst v63  }
0x3d: {  	_ =	swait.ge [sflag:s20], $0x4000  }
.Ltmp0:
0x3e: {  	[sflag:s20] =	ssyncset.done $0x0;
	(pc) =	sbr.rel @p0 .LBB2_2-.Ltmp0, $4  }
0x3f: {  	s25 =	sadd.s32 $0x1480, s25;
	[sflag:s20] =	ssyncadd.s32 $0xFFFFC000  }
0x40: {  	[spmem:s2] =	stream.indirect.scatter.add.f32 [tilespmem:s18], [sflag:$0x3], $0x80, s25, s16, $0xb8;
	[tilespmem:$0x1E800] =	vst v63  }
0x41: {  	_ =	swait.ge [sflag:s14], $0x4000  }
0x42: {  	s26 =	smov.u32 s30;
	s25 =	sshra.s32 s29, $0x2;
	[sflag:s14] =	ssyncset.done $0x0  }
0x43: {  	s26 =	sadd.s32 $0x80, s25;
	[sflag:s14] =	ssyncadd.s32 $0xFFFFC000  }
0x44: {  	[tilespmem:s18], [sflag:$0x2] =	stream.indirect.gather [hbm4b:s4+s16], $0x80, s26, s16, $0xb8;
	[tilespmem:$0x1E800] =	vst v63  }
0x45: {  	_ =	swait.ge [sflag:s19], $0x4000  }
0x46: {  	[sflag:s19] =	ssyncset.done $0x0  }
0x47: {  	s29 =	sadd.s32 $0x1400, s25;
	[sflag:s19] =	ssyncadd.s32 $0xFFFFC000  }
0x48: {  	[spmem:s2] =	stream.indirect.scatter.add.f32 [tilespmem:s17], [sflag:$0x3], $0x80, s29, s16, $0xb8;
	[tilespmem:$0x1E800] =	vst v63  }
0x49: {  	_ =	swait.ge [sflag:s14], $0x4000  }
0x4a: {  	[sflag:s14] =	ssyncset.done $0x0  }
0x4b: {  	s30 =	sadd.s32 $0x100, s25;
	[sflag:s14] =	ssyncadd.s32 $0xFFFFC000  }
0x4c: {  	[tilespmem:s17], [sflag:$0x1] =	stream.indirect.gather [hbm4b:s4+s16], $0x80, s30, s16, $0xb8;
	[tilespmem:$0x1E800] =	vst v63  }
0x4d: {  	_ =	swait.ge [sflag:s20], $0x4000  }
0x4e: {  	[sflag:s20] =	ssyncset.done $0x0  }
0x4f: {  	s31 =	sadd.s32 $0x1480, s25;
	[sflag:s20] =	ssyncadd.s32 $0xFFFFC000  }
0x50: {  	[spmem:s2] =	stream.indirect.scatter.add.f32 [tilespmem:s18], [sflag:$0x3], $0x80, s31, s16, $0xb8;
	[tilespmem:$0x1E800] =	vst v63  }
0x51: {  	_ =	swait.ge [sflag:s14], $0x4000  }
0x52: {  	[sflag:s14] =	ssyncset.done $0x0  }
0x53: {  	[sflag:s14] =	ssyncadd.s32 $0xFFFFC000  }
0x54: {  	[tilespmem:s18], [sflag:$0x2] =	stream.indirect.gather [hbm4b:s4+s16], $0x80, s21, s16, $0xb8;
	[tilespmem:$0x1E800] =	vst v63  }
0x55: {  	_ =	swait.ge [sflag:s19], $0x4000  }
0x56: {  	[sflag:s19] =	ssyncset.done $0x0  }
0x57: {  	[sflag:s19] =	ssyncadd.s32 $0xFFFFC000  }
0x58: {  	[spmem:s2] =	stream.indirect.scatter.add.f32 [tilespmem:s17], [sflag:$0x3], $0x80, s22, s16, $0xb8;
	[tilespmem:$0x1E800] =	vst v63  }
0x59: {  	_ =	swait.ge [sflag:s14], $0x4000  }
0x5a: {  	[sflag:s14] =	ssyncset.done $0x0  }
0x5b: {  	[sflag:s14] =	ssyncadd.s32 $0xFFFFC000  }
0x5c: {  	_ =	swait.ge [sflag:s20], $0x4000  }
0x5d: {  	[sflag:s20] =	ssyncset.done $0x0  }
0x5e: {  	[sflag:s20] =	ssyncadd.s32 $0xFFFFC000  }
0x5f: {  	[spmem:s2] =	stream.indirect.scatter.add.f32 [tilespmem:s18], [sflag:$0x3], $0x80, s23, s16, $0xb8;
	[tilespmem:$0x1E800] =	vst v63  }
0x60: {  	_ =	swait.ge [sflag:s14], $0x4000  }
0x61: {  	[sflag:s14] =	ssyncset.done $0x0  }
0x62: {  	s26 =	simm.s32 $0x0;
	[sflag:s14] =	ssyncadd.s32 $0xFFFFC000  }
0x63: {  	[tilespmem:s26], [sflag:$0x3] =	stream.linear.gather [hbm4b:s9+s26], $0x1400, $0x38;
	[tilespmem:$0x1E800] =	vst v63  }
0x64: {  	_ =	swait.ge [sflag:s14], $0x1400  }
0x65: {  	[sflag:s14] =	ssyncset.done $0x0  }
0x66: {  	[sflag:s14] =	ssyncadd.s32 $0xFFFFEC00  }
0x67: {  	[tilespmem:s15], [sflag:$0x3] =	stream.linear.gather [hbm4b:s10+s26], $0x1400, $0x38;
	[tilespmem:$0x1E800] =	vst v63  }
0x68: {  	_ =	swait.ge [sflag:s14], $0x1400  }
0x69: {  	[sflag:s14] =	ssyncset.done $0x0  }
0x6a: {  	[sflag:s14] =	ssyncadd.s32 $0xFFFFEC00  }
0x6b: {  	[tilespmem:s17], [sflag:$0x1] =	stream.indirect.gather [hbm4b:s4+s16], $0x80, s26, s16, $0xb8;
	[tilespmem:$0x1E800] =	vst v63  }
0x6c: {  	s28 =	simm.s32 $0x80  }
0x6d: {  	[tilespmem:s18], [sflag:$0x2] =	stream.indirect.gather [hbm4b:s4+s16], $0x80, s28, s16, $0xb8;
	[tilespmem:$0x1E800] =	vst v63  }
0x6e: {  	_ =	swait.ge [sflag:s19], $0x4000  }
0x6f: {  	[sflag:s19] =	ssyncset.done $0x0  }
0x70: {  	s29 =	simm.s32 $0x1400;
	[sflag:s19] =	ssyncadd.s32 $0xFFFFC000  }
0x71: {  	[spmem:s2] =	stream.indirect.scatter.add.f32 [tilespmem:s17], [sflag:$0x3], $0x80, s29, s16, $0xb8;
	[tilespmem:$0x1E800] =	vst v63  }
0x72: {  	_ =	swait.ge [sflag:s14], $0x4000  }
0x73: {  	[sflag:s14] =	ssyncset.done $0x0  }
0x74: {  	s30 =	simm.s32 $0x100;
	[sflag:s14] =	ssyncadd.s32 $0xFFFFC000  }
0x75: {  	[tilespmem:s17], [sflag:$0x1] =	stream.indirect.gather [hbm4b:s4+s16], $0x80, s30, s16, $0xb8;
	[tilespmem:$0x1E800] =	vst v63  }
0x76: {  	_ =	swait.ge [sflag:s20], $0x4000  }
0x77: {  	[sflag:s20] =	ssyncset.done $0x0  }
0x78: {  	s31 =	simm.s32 $0x1480;
	[sflag:s20] =	ssyncadd.s32 $0xFFFFC000  }
0x79: {  	[spmem:s2] =	stream.indirect.scatter.add.f32 [tilespmem:s18], [sflag:$0x3], $0x80, s31, s16, $0xb8;
	[tilespmem:$0x1E800] =	vst v63  }
0x7a: {  	_ =	swait.ge [sflag:s14], $0x4000  }
0x7b: {  	s25 =	simm.s32 $0x100;
	s26 =	simm.s32 $0x800;
	[sflag:s14] =	ssyncset.done $0x0  }
.LBB2_4:
0x7c: {  	s28 =	sadd.s32 $0x80, s25  }
0x7d: {  	[sflag:s14] =	ssyncadd.s32 $0xFFFFC000;
	s29 =	smov.u32 s26;
	s30 =	sadd.s32 $0x400, s26  }
0x7e: {  	[tilespmem:s18], [sflag:$0x2] =	stream.indirect.gather [hbm4b:s4+s16], $0x80, s28, s16, $0xb8;
	[tilespmem:$0x1E800] =	vst v63  }
0x7f: {  	p0 =	sne.s32 s26, $0x4800;
	_ =	swait.ge [sflag:s19], $0x4000  }
0x80: {  	[sflag:s19] =	ssyncset.done $0x0  }
0x81: {  	s26 =	sadd.s32 $0x1400, s25;
	[sflag:s19] =	ssyncadd.s32 $0xFFFFC000  }
0x82: {  	[spmem:s2] =	stream.indirect.scatter.add.f32 [tilespmem:s17], [sflag:$0x3], $0x80, s26, s16, $0xb8;
	[tilespmem:$0x1E800] =	vst v63  }
0x83: {  	_ =	swait.ge [sflag:s14], $0x4000  }
0x84: {  	[sflag:s14] =	ssyncset.done $0x0  }
0x85: {  	s26 =	sadd.s32 $0x100, s25;
	[sflag:s14] =	ssyncadd.s32 $0xFFFFC000  }
0x86: {  	[tilespmem:s17], [sflag:$0x1] =	stream.indirect.gather [hbm4b:s4+s16], $0x80, s26, s16, $0xb8;
	[tilespmem:$0x1E800] =	vst v63  }
0x87: {  	_ =	swait.ge [sflag:s20], $0x4000  }
.Ltmp1:
0x88: {  	[sflag:s20] =	ssyncset.done $0x0;
	(pc) =	sbr.rel @p0 .LBB2_4-.Ltmp1, $4  }
0x89: {  	s25 =	sadd.s32 $0x1480, s25;
	[sflag:s20] =	ssyncadd.s32 $0xFFFFC000  }
0x8a: {  	[spmem:s2] =	stream.indirect.scatter.add.f32 [tilespmem:s18], [sflag:$0x3], $0x80, s25, s16, $0xb8;
	[tilespmem:$0x1E800] =	vst v63  }
0x8b: {  	_ =	swait.ge [sflag:s14], $0x4000  }
0x8c: {  	s26 =	smov.u32 s30;
	s25 =	sshra.s32 s29, $0x2;
	[sflag:s14] =	ssyncset.done $0x0  }
0x8d: {  	s26 =	sadd.s32 $0x80, s25;
	[sflag:s14] =	ssyncadd.s32 $0xFFFFC000  }
0x8e: {  	[tilespmem:s18], [sflag:$0x2] =	stream.indirect.gather [hbm4b:s4+s16], $0x80, s26, s16, $0xb8;
	[tilespmem:$0x1E800] =	vst v63  }
0x8f: {  	_ =	swait.ge [sflag:s19], $0x4000  }
0x90: {  	[sflag:s19] =	ssyncset.done $0x0  }
0x91: {  	s29 =	sadd.s32 $0x1400, s25;
	[sflag:s19] =	ssyncadd.s32 $0xFFFFC000  }
0x92: {  	[spmem:s2] =	stream.indirect.scatter.add.f32 [tilespmem:s17], [sflag:$0x3], $0x80, s29, s16, $0xb8;
	[tilespmem:$0x1E800] =	vst v63  }
0x93: {  	_ =	swait.ge [sflag:s14], $0x4000  }
0x94: {  	[sflag:s14] =	ssyncset.done $0x0  }
0x95: {  	s30 =	sadd.s32 $0x100, s25;
	[sflag:s14] =	ssyncadd.s32 $0xFFFFC000  }
0x96: {  	[tilespmem:s17], [sflag:$0x1] =	stream.indirect.gather [hbm4b:s4+s16], $0x80, s30, s16, $0xb8;
	[tilespmem:$0x1E800] =	vst v63  }
0x97: {  	_ =	swait.ge [sflag:s20], $0x4000  }
0x98: {  	[sflag:s20] =	ssyncset.done $0x0  }
0x99: {  	s31 =	sadd.s32 $0x1480, s25;
	[sflag:s20] =	ssyncadd.s32 $0xFFFFC000  }
0x9a: {  	[spmem:s2] =	stream.indirect.scatter.add.f32 [tilespmem:s18], [sflag:$0x3], $0x80, s31, s16, $0xb8;
	[tilespmem:$0x1E800] =	vst v63  }
0x9b: {  	_ =	swait.ge [sflag:s14], $0x4000  }
0x9c: {  	[sflag:s14] =	ssyncset.done $0x0  }
0x9d: {  	[sflag:s14] =	ssyncadd.s32 $0xFFFFC000  }
0x9e: {  	[tilespmem:s18], [sflag:$0x2] =	stream.indirect.gather [hbm4b:s4+s16], $0x80, s21, s16, $0xb8;
	[tilespmem:$0x1E800] =	vst v63  }
0x9f: {  	_ =	swait.ge [sflag:s19], $0x4000  }
0xa0: {  	[sflag:s19] =	ssyncset.done $0x0  }
0xa1: {  	[sflag:s19] =	ssyncadd.s32 $0xFFFFC000  }
0xa2: {  	[spmem:s2] =	stream.indirect.scatter.add.f32 [tilespmem:s17], [sflag:$0x3], $0x80, s22, s16, $0xb8;
	[tilespmem:$0x1E800] =	vst v63  }
0xa3: {  	_ =	swait.ge [sflag:s14], $0x4000  }
0xa4: {  	[sflag:s14] =	ssyncset.done $0x0  }
0xa5: {  	[sflag:s14] =	ssyncadd.s32 $0xFFFFC000  }
0xa6: {  	_ =	swait.ge [sflag:s20], $0x4000  }
0xa7: {  	[sflag:s20] =	ssyncset.done $0x0  }
0xa8: {  	[sflag:s20] =	ssyncadd.s32 $0xFFFFC000  }
0xa9: {  	[spmem:s2] =	stream.indirect.scatter.add.f32 [tilespmem:s18], [sflag:$0x3], $0x80, s23, s16, $0xb8;
	[tilespmem:$0x1E800] =	vst v63  }
0xaa: {  	_ =	swait.ge [sflag:s14], $0x4000  }
0xab: {  	s24 =	sadd.s32 $0x1, s24;
	[sflag:s14] =	ssyncset.done $0x0  }
0xac: {  	p0 =	sne.s32 s24, s12;
	[sflag:s14] =	ssyncadd.s32 $0xFFFFC000  }
.Ltmp2:
0xad: {  	[bflag:$0x0] =	sbarrier.arrive $0xFFFF;
	(pc) =	sbr.rel @p0 .LBB2_1-.Ltmp2, $4  }
0xae: {  	[hbm:s11], [sflag:s6] =	dma.local [spmem:s13], $0x2800  }
0xaf: {  	_ =	swait.ge [sflag:s14], $0x2800  }
0xb0: {  	[sflag:s14] =	ssyncset.done $0x0  }
0xb1: {  	[sflag:s14] =	ssyncadd.s32 $0xFFFFD800  }
0xb2: {  	_ =	sfence.sel $0x180000  }
0xb3: {  	[bflag:$0x0] =	sbarrier.arrive $0xFFFF  }
0xb4: {  	p0 =	sne.s32 s1, $0x0;
	_ =	strace $0x9000004A  }
0xb5: {  	s0 =	sadd.s32 @!p0 $0x100000, s0;
	[bflag:$0x2] =	sbarrier.arrive $0xFFFF  }
0xb6: {  	[sflag:s0] =	ssyncadd.tile.s32 @!p0 $0x1;
	_ =	shalt  }
.Lfunc_end2:
_tile_overlayer_lowered:
.L_overlay_start_2:
0xb7: {  	(tag) =	ssettag $0x2  }
0xb8: {  	s0 =	rddreg [dreg:$0x0];
	s2 =	stileid.u32  }
0xb9: {  	s1 =	rddreg [dreg:$0x1];
	p0 =	sne.s32 s2, $0x0  }
0xba: {  	s3 =	rddreg [dreg:$0x2];
	[bflag:$0x3] =	sbarrier.arrive $0xFFFF;
	s2 =	simm.s32 @!p0 $0x1C03  }
0xbb: {  	[timem:s3], [sflag:s2] =	dma.local @!p0 [hbm:s0], s1  }
0xbc: {  	s0 =	simm.s32 @!p0 $0x3  }
0xbd: {  	_ =	swait.ge @!p0 [sflag:s0], s1  }
0xbe: {  	s1 =	ssub.s32 @!p0 $0x0, s1;
	[sflag:s0] =	ssyncset.done @!p0 $0x0  }
0xbf: {  	[sflag:s0] =	ssyncadd.s32 @!p0 s1  }
0xc0: {  	[bflag:$0x3] =	sbarrier.arrive $0xFFFF  }
0xc1: {  	_ =	shalt  }

// kernel: kernel.16.cloned.1.call-start
scs
__scs_entry_jumppad:
0x0: {  	(pc) =	sbr.rel $0x88, $3  }
0x1: {  	(tag) =	ssettag $0x0;
	lr =	simm.s32 $0x1  }
0x2: {  	[smem:$0x3F81] =	sst lr;
	_ =	strace $0xD0000000  }
0x3: {  	_ = 	snop  }
0x4: {  	_ = 	snop  }
0x5: {  	_ = 	snop  }
0x6: {  	_ = 	snop  }
0x7: {  	_ = 	snop  }
__scs_overlays_trampoline_lowered:
0x8: {  	[smem:$0x3F90] =	sst s0  }
0x9: {  	[smem:$0x3F91] =	sst s1  }
0xa: {  	[smem:$0x3F92] =	sst s2  }
0xb: {  	[smem:$0x3F93] =	sst s3  }
0xc: {  	[smem:$0x3F94] =	sst s4  }
0xd: {  	[smem:$0x3F95] =	sst s5  }
0xe: {  	[smem:$0x3F96] =	sst s6  }
0xf: {  	[smem:$0x3F97] =	sst s7  }
0x10: {  	[smem:$0x3F98] =	sst s8  }
0x11: {  	[smem:$0x3F99] =	sst s9;
	s0 =	simm.s32 @!p0 $0x0  }
0x12: {  	s1 =	sld [smem:$0x3F7F];
	s0 =	simm.s32 @p0 $0x1  }
0x13: {  	[smem:$0x3F9A] =	sst s0;
	s0 =	simm.s32 @!p1 $0x0  }
0x14: {  	s2 =	sld [smem:$0x3F7E];
	s0 =	simm.s32 @p1 $0x1  }
0x15: {  	[smem:$0x3F9B] =	sst s0;
	s0 =	simm.s32 @!p2 $0x0  }
0x16: {  	s3 =	sld [smem:$0x3FDB];
	s0 =	simm.s32 @p2 $0x1  }
0x17: {  	s4 =	simm.s32 $0x1BF5;
	[smem:$0x3F9D] =	sst s0  }
0x18: {  	s0 =	sld [smem:$0x3F80];
	_ =	swait.ge [sflag:s4], $0x0  }
0x19: {  	s7 =	sld [smem:$0x3F81]  }
0x1a: {  	s8 =	sadd.s32 $0xFFFFE003, lr  }
0x1b: {  	s9 =	sadd.s32 $0xFFFFFEF7, lr;
	s5 =	simm.s32 $0xFFFFFFFF;
	p2 =	slt.u32 s8, $0xFFFFF086  }
0x1c: {  	p1 =	slt.u32 s9, $0xF7A;
	s5 =	simm.s32 @!p2 $0x0  }
0x1d: {  	s5 =	simm.s32 @p1 $0x1;
	p0 =	seq.s32 s7, s2  }
0x1e: {  	s7 =	smul.u32 @!p0 $0xF7A, s2;
	p2 =	seq.s32 @!p0 s5, $0x0  }
0x1f: {  	s9 =	smul.u32 $0xF7A, s1;
	s8 =	simm.s32 @!p0 $0x1BF5;
	p2 =	por !p2, p0  }
0x20: {  	[sflag:s8] =	ssyncset.s32 @!p0 $0xFFFFF086;
	s6 =	sadd.s32 @!p0 s3, s7;
	s7 =	simm.s32 @!p0 $0x108  }
0x21: {  	s3 =	sadd.s32 s3, s9;
	s6 =	sadd.s32 @!p0 $0x88, s6;
	s7 =	simm.s32 @p2 $0x1082  }
0x22: {  	[simem:s7], [sflag:s8] =	dma.local @!p0 [hbm:s6], $0xF7A  }
0x23: {  	s9 =	sor.u32 $0xD0000000, s2;
	s6 =	simm.s32 $0x108;
	_ =	swait.ge @!p0 [sflag:s8], $0x0  }
0x24: {  	s3 =	sadd.s32 $0x88, s3;
	s6 =	simm.s32 @!p1 $0x1082;
	[sflag:s4] =	ssyncset.s32 $0xFFFFF086  }
0x25: {  	[simem:s6], [sflag:s4] =	dma.local [hbm:s3], $0xF7A  }
0x26: {  	[smem:$0x3F81] =	sst s1;
	(tag) =	ssettag s2;
	_ =	strace s9  }
0x27: {  	s1 =	sld [smem:$0x3F91]  }
0x28: {  	s2 =	sld [smem:$0x3F92]  }
0x29: {  	s4 =	sld [smem:$0x3F94]  }
0x2a: {  	p0 =	seq.s32 s5, $0x0;
	s5 =	sld [smem:$0x3F95]  }
0x2b: {  	s6 =	sld [smem:$0x3F96]  }
0x2c: {  	s7 =	sld [smem:$0x3F97]  }
0x2d: {  	s3 =	simm.s32 $0x108;
	s8 =	sld [smem:$0x3F98]  }
0x2e: {  	s3 =	simm.s32 @!p0 $0x1082;
	s9 =	sld [smem:$0x3F99]  }
0x2f: {  	lr =	sadd.s32 s0, s3;
	s0 =	sld [smem:$0x3F90]  }
0x30: {  	s3 =	sld [smem:$0x3F93]  }
0x31: {  	[smem:$0x3F9C] =	sst s10  }
0x32: {  	s10 =	sld [smem:$0x3F9A];
	_ =	sdelay $0x3  }
0x33: {  	p0 =	seq.s32 s10, $0x1;
	s10 =	sld [smem:$0x3F9C];
	_ =	sdelay $0x3  }
0x34: {  	[smem:$0x3F9C] =	sst s10  }
0x35: {  	s10 =	sld [smem:$0x3F9B];
	_ =	sdelay $0x3  }
0x36: {  	p1 =	seq.s32 s10, $0x1;
	s10 =	sld [smem:$0x3F9C];
	_ =	sdelay $0x3  }
0x37: {  	[smem:$0x3F9C] =	sst s10  }
0x38: {  	s10 =	sld [smem:$0x3F9D]  }
0x39: {  	_ = 	snop;
	(pc) =	sbr.ind lr, $3  }
0x3a: {  	_ = 	snop  }
0x3b: {  	_ = 	snop  }
0x3c: {  	p2 =	seq.s32 s10, $0x1;
	s10 =	sld [smem:$0x3F9C]  }
0x3d: {  	_ =	shalt  }
0x3e: {  	_ =	shalt  }
0x3f: {  	_ =	shalt  }
0x40: {  	_ =	shalt  }
0x41: {  	_ =	shalt  }
0x42: {  	_ =	shalt  }
0x43: {  	_ =	shalt  }
0x44: {  	_ =	shalt  }
0x45: {  	_ =	shalt  }
0x46: {  	_ =	shalt  }
0x47: {  	_ =	shalt  }
0x48: {  	_ =	shalt  }
0x49: {  	_ =	shalt  }
0x4a: {  	_ =	shalt  }
0x4b: {  	_ =	shalt  }
0x4c: {  	_ =	shalt  }
0x4d: {  	_ =	shalt  }
0x4e: {  	_ =	shalt  }
0x4f: {  	_ =	shalt  }
0x50: {  	_ =	shalt  }
0x51: {  	_ =	shalt  }
0x52: {  	_ =	shalt  }
0x53: {  	_ =	shalt  }
0x54: {  	_ =	shalt  }
0x55: {  	_ =	shalt  }
0x56: {  	_ =	shalt  }
0x57: {  	_ =	shalt  }
0x58: {  	_ =	shalt  }
0x59: {  	_ =	shalt  }
0x5a: {  	_ =	shalt  }
0x5b: {  	_ =	shalt  }
0x5c: {  	_ =	shalt  }
0x5d: {  	_ =	shalt  }
0x5e: {  	_ =	shalt  }
0x5f: {  	_ =	shalt  }
0x60: {  	_ =	shalt  }
0x61: {  	_ =	shalt  }
0x62: {  	_ =	shalt  }
0x63: {  	_ =	shalt  }
0x64: {  	_ =	shalt  }
0x65: {  	_ =	shalt  }
0x66: {  	_ =	shalt  }
0x67: {  	_ =	shalt  }
0x68: {  	_ =	shalt  }
0x69: {  	_ =	shalt  }
0x6a: {  	_ =	shalt  }
0x6b: {  	_ =	shalt  }
0x6c: {  	_ =	shalt  }
0x6d: {  	_ =	shalt  }
0x6e: {  	_ =	shalt  }
0x6f: {  	_ =	shalt  }
0x70: {  	_ =	shalt  }
0x71: {  	_ =	shalt  }
0x72: {  	_ =	shalt  }
0x73: {  	_ =	shalt  }
0x74: {  	_ =	shalt  }
0x75: {  	_ =	shalt  }
0x76: {  	_ =	shalt  }
0x77: {  	_ =	shalt  }
0x78: {  	_ =	shalt  }
0x79: {  	_ =	shalt  }
0x7a: {  	_ =	shalt  }
0x7b: {  	_ =	shalt  }
0x7c: {  	_ =	shalt  }
0x7d: {  	_ =	shalt  }
0x7e: {  	_ =	shalt  }
0x7f: {  	_ =	shalt  }
0x80: {  	_ =	shalt  }
0x81: {  	_ =	shalt  }
0x82: {  	_ =	shalt  }
0x83: {  	_ =	shalt  }
0x84: {  	_ =	shalt  }
0x85: {  	_ =	shalt  }
0x86: {  	_ =	shalt  }
0x87: {  	_ =	shalt  }
.Lfunc_end0:
.L_simem_size_0:
called_computation.2_lowered:
.L_overlay_start_0:
0x88: {  	s2 =	sld [smem:$0x3FD9]  }
0x89: {  	s3 =	sld [smem:$0x3FFE];
	_ =	sdelay $0x1  }
0x8a: {  	s1 =	srdreg.scid  }
0x8b: {  	s0 =	sand.u32 $0x1, s1  }
0x8c: {  	s17 =	sshll.u32 s0, $0xA;
	s2 =	sadd.s32 s3, s2  }
0x8d: {  	s2 =	sadd.s32 s2, s17  }
0x8e: {  	[smem:$0x3FA8] =	sst s2  }
0x8f: {  	_ = 	snop  }
0x90: {  	s2 =	sld [smem:$0x3FD0];
	(tm) =	ssettm $0x1  }
0x91: {  	s18 =	sld [smem:$0x3FFB];
	_ =	sdelay $0x3  }
0x92: {  	_ =	strace s18  }
0x93: {  	s3 =	sld [smem:$0x3FFC];
	_ =	sdelay $0x3  }
0x94: {  	_ =	strace s3  }
0x95: {  	s3 =	sld [smem:$0x3FFD];
	_ =	sdelay $0x3  }
0x96: {  	_ =	strace s3  }
0x97: {  	_ =	strace $0x8FFFFFFF  }
0x98: {  	s19 =	sld [smem:$0x3FDB];
	_ =	sdelay $0x1  }
0x99: {  	s4 =	simm.s32 $_scs_section_size  }
0x9a: {  	s5 =	simm.s32 $_size__tile_overlayer_lowered;
	s6 =	simm.s32 $_tile_overlayer_lowered  }
0x9b: {  	s22 =	simm.s32 $0x1BFF;
	s21 =	sshll.u32 s6, $0x1;
	s3 =	sadd.s32 s4, s19  }
0x9c: {  	s7 =	simm.s32 $0x0;
	s20 =	sshll.u32 s5, $0x1;
	s5 =	sadd.s32 s21, s3  }
0x9d: {  	[timem:s7], [sflag:s22] =	dma.local [hbm:s5], s20  }
0x9e: {  	_ =	swait.ge [sflag:s22], s20  }
0x9f: {  	s4 =	ssub.s32 $0x0, s20;
	[sflag:s22] =	ssyncset.done $0x0  }
0xa0: {  	[sflag:s22] =	ssyncadd.s32 s4;
	_ =	sdelay $0x1  }
0xa1: {  	s23 =	simm.s32 $0x1B8B  }
0xa2: {  	_ =	swait.ge [sflag:s23], $0x1  }
0xa3: {  	[sflag:s23] =	ssyncset.done $0x0  }
0xa4: {  	s25 =	simm.s32 $0x1B8E;
	s24 =	sld [smem:$0x3FFE];
	[sflag:s23] =	ssyncadd.s32 $0xFFFFFFFF  }
0xa5: {  	s26 =	simm.s32 $execute0_lowered;
	[smem:$0x3FD2] =	sst s25  }
0xa6: {  	s5 =	sshll.u32 s26, $0x1;
	_ =	strace $0x8000004C;
	[dreg:$0x1] =	wrdreg $0xFFFFFFFF  }
0xa7: {  	s28 =	simm.s32 $_size_execute0_lowered;
	s3 =	sadd.s32 s3, s5;
	[dreg:$0x0] =	wrdreg $0x0  }
0xa8: {  	s5 =	sshll.u32 s28, $0x1;
	[dreg:$0x2] =	wrdreg s3  }
0xa9: {  	[dreg:$0x3] =	wrdreg s5  }
0xaa: {  	[dreg:$0x4] =	wrdreg $0xC0  }
0xab: {  	_ =	task [dreg:s7], $0x5FFFF  }
0xac: {  	[dreg:$0x1] =	wrdreg $0xFFFFFFFF  }
0xad: {  	[dreg:$0x0] =	wrdreg $0x60  }
0xae: {  	[dreg:$0x2] =	wrdreg s24  }
0xaf: {  	[dreg:$0x3] =	wrdreg s2  }
0xb0: {  	[dreg:$0x4] =	wrdreg $0xA8000  }
0xb1: {  	[dreg:$0x5] =	wrdreg $0x9  }
0xb2: {  	_ =	task.clear_ibuf [dreg:s7], $0x6FFFF;
	_ =	strace $0x9000004C  }
0xb3: {  	s29 =	simm.s32 $0x9;
	_ =	strace $0x8000004E  }
0xb4: {  	_ =	swait.ge [sflag:s29], $0x1  }
0xb5: {  	[sflag:s29] =	ssyncadd.s32 $0xFFFFFFFF  }
0xb6: {  	_ =	strace $0x9000004E  }
0xb7: {  	_ =	sfence  }
0xb8: {  	s30 =	sld [smem:$0x0];
	_ =	sdelay $0x2  }
0xb9: {  	s31 =	sshll.u32 s1, $0xD;
	s1 =	sshrl.u32 s1, $0x2  }
0xba: {  	s3 =	sand.u32 $0x4000, s31;
	s1 =	sadd.s32 s1, s30  }
0xbb: {  	s0 =	sor.u32 s3, s0;
	s1 =	sshll.u32 s1, $0x11  }
0xbc: {  	s0 =	sor.u32 s1, s0  }
0xbd: {  	s0 =	sadd.s32 $0x8F2B, s0  }
0xbe: {  	[sflag:s0] =	ssyncadd.remote.s32 $0x1  }
0xbf: {  	_ =	sfence.sel $0xFFFF  }
0xc0: {  	[dreg:$0x0] =	wrdreg $0xFFFFFFFF;
	(pc) =	sbr.abs _section_cstart, $3  }
0xc1: {  	[dreg:$0x1] =	wrdreg $0xFFFFFFFF  }
0xc2: {  	_ =	task.clear_ibuf [dreg:s7], $0x2FFFF;
	_ =	strace $0x9FFFFFFF  }
0xc3: {  	(tm) =	ssettm $0x7FFFFFFF  }
tec
execute0_lowered:
.L_overlay_start_1:
0x0: {  	(tag) =	ssettag $0x1  }
0x1: {  	s5 =	rddreg [dreg:$0x0]  }
0x2: {  	s10 =	rddreg [dreg:$0x1]  }
0x3: {  	s2 =	rddreg [dreg:$0x2]  }
0x4: {  	s0 =	rddreg [dreg:$0x3];
	s4 =	srdreg.scid  }
0x5: {  	s1 =	stileid.u32;
	s3 =	simm.s32 $0x0;
	s16 =	simm.s32 $0x80  }
0x6: {  	s17 =	simm.s32 $0x2800;
	s18 =	simm.s32 $0x6800;
	s19 =	simm.s32 $0x1  }
0x7: {  	s20 =	simm.s32 $0x2;
	s21 =	simm.s32 $0x1380;
	s22 =	simm.s32 $0x2700  }
0x8: {  	s23 =	simm.s32 $0x2780;
	s24 =	simm.s32 $0x0;
	s6 =	sand.u32 $0x1, s4  }
0x9: {  	s7 =	smul.u32 $0x14000, s1;
	[smem:$0x7FF] =	sst s3;
	s4 =	sadd.s32 $0xFA00, s5  }
0xa: {  	s9 =	sadd.s32 $0x5A00, s5;
	s11 =	smul.u32 $0x50000, s1;
	s29 =	sshll.u32 s1, $0x6  }
0xb: {  	s8 =	smul.u32 $0x140000, s6;
	s12 =	sshll.u32 s6, $0x4;
	s6 =	ssub.s32 $0x2, s6  }
0xc: {  	_ =	strace $0x8000004D;
	s12 =	sor.u32 s1, s12;
	s13 =	sshrl.u32 s6, $0x1  }
0xd: {  	s11 =	sshrl.u32 s11, $0x2;
	s28 =	sshrl.u32 s7, $0x3;
	s8 =	sadd.s32 s7, s8  }
0xe: {  	s12 =	smul.u32 $0x2800, s12;
	s13 =	ssub.s32 s6, s13;
	s8 =	sshrl.u32 s8, $0x3  }
0xf: {  	s15 =	sadd.s32 s11, s2;
	s6 =	sor.u32 $0x1C03, s29;
	s14 =	sadd.s32 s8, s5  }
0x10: {  	s30 =	sshrl.u32 s12, $0x3;
	s5 =	sadd.s32 s4, s28;
	s12 =	smax.u32 s13, $0x1  }
0x11: {  	s13 =	sshrl.u32 s15, $0x3;
	s15 =	simm.s32 $0x1400;
	s31 =	sadd.s32 $0x280, s30  }
0x12: {  	s7 =	sadd.s32 s9, s30;
	s8 =	sadd.s32 s10, s30;
	s11 =	sadd.s32 $0x37A00, s14  }
0x13: {  	s14 =	simm.s32 $0x3;
	s9 =	sadd.s32 s9, s31;
	s10 =	sadd.s32 s10, s31  }
.LBB2_1:
0x14: {  	[spmem:s13], [sflag:s6] =	dma.local [hbm:s5], $0x2800  }
0x15: {  	_ =	swait.ge [sflag:s14], $0x2800  }
0x16: {  	[sflag:s14] =	ssyncset.done $0x0  }
0x17: {  	[sflag:s14] =	ssyncadd.s32 $0xFFFFD800  }
0x18: {  	[bflag:$0x0] =	sbarrier.arrive $0xFFFF  }
0x19: {  	[tilespmem:s3], [sflag:$0x3] =	stream.linear.gather [hbm4b:s7+s3], $0x1400, $0x38;
	[tilespmem:$0x1E800] =	vst v63  }
0x1a: {  	_ =	swait.ge [sflag:s14], $0x1400  }
0x1b: {  	[sflag:s14] =	ssyncset.done $0x0  }
0x1c: {  	[sflag:s14] =	ssyncadd.s32 $0xFFFFEC00  }
0x1d: {  	[tilespmem:s15], [sflag:$0x3] =	stream.linear.gather [hbm4b:s8+s3], $0x1400, $0x38;
	[tilespmem:$0x1E800] =	vst v63  }
0x1e: {  	_ =	swait.ge [sflag:s14], $0x1400  }
0x1f: {  	[sflag:s14] =	ssyncset.done $0x0  }
0x20: {  	[sflag:s14] =	ssyncadd.s32 $0xFFFFEC00  }
0x21: {  	[tilespmem:s17], [sflag:$0x1] =	stream.indirect.gather [hbm4b:s4+s16], $0x80, s3, s16, $0xb8;
	[tilespmem:$0x1E800] =	vst v63  }
0x22: {  	s25 =	simm.s32 $0x80  }
0x23: {  	[tilespmem:s18], [sflag:$0x2] =	stream.indirect.gather [hbm4b:s4+s16], $0x80, s25, s16, $0xb8;
	[tilespmem:$0x1E800] =	vst v63  }
0x24: {  	_ =	swait.ge [sflag:s19], $0x4000  }
0x25: {  	[sflag:s19] =	ssyncset.done $0x0  }
0x26: {  	s29 =	simm.s32 $0x1400;
	[sflag:s19] =	ssyncadd.s32 $0xFFFFC000  }
0x27: {  	[spmem:s2] =	stream.indirect.scatter.add.f32 [tilespmem:s17], [sflag:$0x3], $0x80, s29, s16, $0xb8;
	[tilespmem:$0x1E800] =	vst v63  }
0x28: {  	_ =	swait.ge [sflag:s14], $0x4000  }
0x29: {  	[sflag:s14] =	ssyncset.done $0x0  }
0x2a: {  	s30 =	simm.s32 $0x100;
	[sflag:s14] =	ssyncadd.s32 $0xFFFFC000  }
0x2b: {  	[tilespmem:s17], [sflag:$0x1] =	stream.indirect.gather [hbm4b:s4+s16], $0x80, s30, s16, $0xb8;
	[tilespmem:$0x1E800] =	vst v63  }
0x2c: {  	_ =	swait.ge [sflag:s20], $0x4000  }
0x2d: {  	[sflag:s20] =	ssyncset.done $0x0  }
0x2e: {  	s31 =	simm.s32 $0x1480;
	[sflag:s20] =	ssyncadd.s32 $0xFFFFC000  }
0x2f: {  	[spmem:s2] =	stream.indirect.scatter.add.f32 [tilespmem:s18], [sflag:$0x3], $0x80, s31, s16, $0xb8;
	[tilespmem:$0x1E800] =	vst v63  }
0x30: {  	_ =	swait.ge [sflag:s14], $0x4000  }
0x31: {  	s26 =	simm.s32 $0x800;
	s25 =	simm.s32 $0x100;
	[sflag:s14] =	ssyncset.done $0x0  }
.LBB2_2:
0x32: {  	s28 =	sadd.s32 $0x80, s25  }
0x33: {  	[sflag:s14] =	ssyncadd.s32 $0xFFFFC000;
	s29 =	smov.u32 s26;
	s30 =	sadd.s32 $0x400, s26  }
0x34: {  	[tilespmem:s18], [sflag:$0x2] =	stream.indirect.gather [hbm4b:s4+s16], $0x80, s28, s16, $0xb8;
	[tilespmem:$0x1E800] =	vst v63  }
0x35: {  	p0 =	sne.s32 s26, $0x4800;
	_ =	swait.ge [sflag:s19], $0x4000  }
0x36: {  	[sflag:s19] =	ssyncset.done $0x0  }
0x37: {  	s26 =	sadd.s32 $0x1400, s25;
	[sflag:s19] =	ssyncadd.s32 $0xFFFFC000  }
0x38: {  	[spmem:s2] =	stream.indirect.scatter.add.f32 [tilespmem:s17], [sflag:$0x3], $0x80, s26, s16, $0xb8;
	[tilespmem:$0x1E800] =	vst v63  }
0x39: {  	_ =	swait.ge [sflag:s14], $0x4000  }
0x3a: {  	[sflag:s14] =	ssyncset.done $0x0  }
0x3b: {  	s26 =	sadd.s32 $0x100, s25;
	[sflag:s14] =	ssyncadd.s32 $0xFFFFC000  }
0x3c: {  	[tilespmem:s17], [sflag:$0x1] =	stream.indirect.gather [hbm4b:s4+s16], $0x80, s26, s16, $0xb8;
	[tilespmem:$0x1E800] =	vst v63  }
0x3d: {  	_ =	swait.ge [sflag:s20], $0x4000  }
.Ltmp0:
0x3e: {  	[sflag:s20] =	ssyncset.done $0x0;
	(pc) =	sbr.rel @p0 .LBB2_2-.Ltmp0, $4  }
0x3f: {  	s25 =	sadd.s32 $0x1480, s25;
	[sflag:s20] =	ssyncadd.s32 $0xFFFFC000  }
0x40: {  	[spmem:s2] =	stream.indirect.scatter.add.f32 [tilespmem:s18], [sflag:$0x3], $0x80, s25, s16, $0xb8;
	[tilespmem:$0x1E800] =	vst v63  }
0x41: {  	_ =	swait.ge [sflag:s14], $0x4000  }
0x42: {  	s26 =	smov.u32 s30;
	s25 =	sshra.s32 s29, $0x2;
	[sflag:s14] =	ssyncset.done $0x0  }
0x43: {  	s26 =	sadd.s32 $0x80, s25;
	[sflag:s14] =	ssyncadd.s32 $0xFFFFC000  }
0x44: {  	[tilespmem:s18], [sflag:$0x2] =	stream.indirect.gather [hbm4b:s4+s16], $0x80, s26, s16, $0xb8;
	[tilespmem:$0x1E800] =	vst v63  }
0x45: {  	_ =	swait.ge [sflag:s19], $0x4000  }
0x46: {  	[sflag:s19] =	ssyncset.done $0x0  }
0x47: {  	s29 =	sadd.s32 $0x1400, s25;
	[sflag:s19] =	ssyncadd.s32 $0xFFFFC000  }
0x48: {  	[spmem:s2] =	stream.indirect.scatter.add.f32 [tilespmem:s17], [sflag:$0x3], $0x80, s29, s16, $0xb8;
	[tilespmem:$0x1E800] =	vst v63  }
0x49: {  	_ =	swait.ge [sflag:s14], $0x4000  }
0x4a: {  	[sflag:s14] =	ssyncset.done $0x0  }
0x4b: {  	s30 =	sadd.s32 $0x100, s25;
	[sflag:s14] =	ssyncadd.s32 $0xFFFFC000  }
0x4c: {  	[tilespmem:s17], [sflag:$0x1] =	stream.indirect.gather [hbm4b:s4+s16], $0x80, s30, s16, $0xb8;
	[tilespmem:$0x1E800] =	vst v63  }
0x4d: {  	_ =	swait.ge [sflag:s20], $0x4000  }
0x4e: {  	[sflag:s20] =	ssyncset.done $0x0  }
0x4f: {  	s31 =	sadd.s32 $0x1480, s25;
	[sflag:s20] =	ssyncadd.s32 $0xFFFFC000  }
0x50: {  	[spmem:s2] =	stream.indirect.scatter.add.f32 [tilespmem:s18], [sflag:$0x3], $0x80, s31, s16, $0xb8;
	[tilespmem:$0x1E800] =	vst v63  }
0x51: {  	_ =	swait.ge [sflag:s14], $0x4000  }
0x52: {  	[sflag:s14] =	ssyncset.done $0x0  }
0x53: {  	[sflag:s14] =	ssyncadd.s32 $0xFFFFC000  }
0x54: {  	[tilespmem:s18], [sflag:$0x2] =	stream.indirect.gather [hbm4b:s4+s16], $0x80, s21, s16, $0xb8;
	[tilespmem:$0x1E800] =	vst v63  }
0x55: {  	_ =	swait.ge [sflag:s19], $0x4000  }
0x56: {  	[sflag:s19] =	ssyncset.done $0x0  }
0x57: {  	[sflag:s19] =	ssyncadd.s32 $0xFFFFC000  }
0x58: {  	[spmem:s2] =	stream.indirect.scatter.add.f32 [tilespmem:s17], [sflag:$0x3], $0x80, s22, s16, $0xb8;
	[tilespmem:$0x1E800] =	vst v63  }
0x59: {  	_ =	swait.ge [sflag:s14], $0x4000  }
0x5a: {  	[sflag:s14] =	ssyncset.done $0x0  }
0x5b: {  	[sflag:s14] =	ssyncadd.s32 $0xFFFFC000  }
0x5c: {  	_ =	swait.ge [sflag:s20], $0x4000  }
0x5d: {  	[sflag:s20] =	ssyncset.done $0x0  }
0x5e: {  	[sflag:s20] =	ssyncadd.s32 $0xFFFFC000  }
0x5f: {  	[spmem:s2] =	stream.indirect.scatter.add.f32 [tilespmem:s18], [sflag:$0x3], $0x80, s23, s16, $0xb8;
	[tilespmem:$0x1E800] =	vst v63  }
0x60: {  	_ =	swait.ge [sflag:s14], $0x4000  }
0x61: {  	[sflag:s14] =	ssyncset.done $0x0  }
0x62: {  	s26 =	simm.s32 $0x0;
	[sflag:s14] =	ssyncadd.s32 $0xFFFFC000  }
0x63: {  	[tilespmem:s26], [sflag:$0x3] =	stream.linear.gather [hbm4b:s9+s26], $0x1400, $0x38;
	[tilespmem:$0x1E800] =	vst v63  }
0x64: {  	_ =	swait.ge [sflag:s14], $0x1400  }
0x65: {  	[sflag:s14] =	ssyncset.done $0x0  }
0x66: {  	[sflag:s14] =	ssyncadd.s32 $0xFFFFEC00  }
0x67: {  	[tilespmem:s15], [sflag:$0x3] =	stream.linear.gather [hbm4b:s10+s26], $0x1400, $0x38;
	[tilespmem:$0x1E800] =	vst v63  }
0x68: {  	_ =	swait.ge [sflag:s14], $0x1400  }
0x69: {  	[sflag:s14] =	ssyncset.done $0x0  }
0x6a: {  	[sflag:s14] =	ssyncadd.s32 $0xFFFFEC00  }
0x6b: {  	[tilespmem:s17], [sflag:$0x1] =	stream.indirect.gather [hbm4b:s4+s16], $0x80, s26, s16, $0xb8;
	[tilespmem:$0x1E800] =	vst v63  }
0x6c: {  	s28 =	simm.s32 $0x80  }
0x6d: {  	[tilespmem:s18], [sflag:$0x2] =	stream.indirect.gather [hbm4b:s4+s16], $0x80, s28, s16, $0xb8;
	[tilespmem:$0x1E800] =	vst v63  }
0x6e: {  	_ =	swait.ge [sflag:s19], $0x4000  }
0x6f: {  	[sflag:s19] =	ssyncset.done $0x0  }
0x70: {  	s29 =	simm.s32 $0x1400;
	[sflag:s19] =	ssyncadd.s32 $0xFFFFC000  }
0x71: {  	[spmem:s2] =	stream.indirect.scatter.add.f32 [tilespmem:s17], [sflag:$0x3], $0x80, s29, s16, $0xb8;
	[tilespmem:$0x1E800] =	vst v63  }
0x72: {  	_ =	swait.ge [sflag:s14], $0x4000  }
0x73: {  	[sflag:s14] =	ssyncset.done $0x0  }
0x74: {  	s30 =	simm.s32 $0x100;
	[sflag:s14] =	ssyncadd.s32 $0xFFFFC000  }
0x75: {  	[tilespmem:s17], [sflag:$0x1] =	stream.indirect.gather [hbm4b:s4+s16], $0x80, s30, s16, $0xb8;
	[tilespmem:$0x1E800] =	vst v63  }
0x76: {  	_ =	swait.ge [sflag:s20], $0x4000  }
0x77: {  	[sflag:s20] =	ssyncset.done $0x0  }
0x78: {  	s31 =	simm.s32 $0x1480;
	[sflag:s20] =	ssyncadd.s32 $0xFFFFC000  }
0x79: {  	[spmem:s2] =	stream.indirect.scatter.add.f32 [tilespmem:s18], [sflag:$0x3], $0x80, s31, s16, $0xb8;
	[tilespmem:$0x1E800] =	vst v63  }
0x7a: {  	_ =	swait.ge [sflag:s14], $0x4000  }
0x7b: {  	s25 =	simm.s32 $0x100;
	s26 =	simm.s32 $0x800;
	[sflag:s14] =	ssyncset.done $0x0  }
.LBB2_4:
0x7c: {  	s28 =	sadd.s32 $0x80, s25  }
0x7d: {  	[sflag:s14] =	ssyncadd.s32 $0xFFFFC000;
	s29 =	smov.u32 s26;
	s30 =	sadd.s32 $0x400, s26  }
0x7e: {  	[tilespmem:s18], [sflag:$0x2] =	stream.indirect.gather [hbm4b:s4+s16], $0x80, s28, s16, $0xb8;
	[tilespmem:$0x1E800] =	vst v63  }
0x7f: {  	p0 =	sne.s32 s26, $0x4800;
	_ =	swait.ge [sflag:s19], $0x4000  }
0x80: {  	[sflag:s19] =	ssyncset.done $0x0  }
0x81: {  	s26 =	sadd.s32 $0x1400, s25;
	[sflag:s19] =	ssyncadd.s32 $0xFFFFC000  }
0x82: {  	[spmem:s2] =	stream.indirect.scatter.add.f32 [tilespmem:s17], [sflag:$0x3], $0x80, s26, s16, $0xb8;
	[tilespmem:$0x1E800] =	vst v63  }
0x83: {  	_ =	swait.ge [sflag:s14], $0x4000  }
0x84: {  	[sflag:s14] =	ssyncset.done $0x0  }
0x85: {  	s26 =	sadd.s32 $0x100, s25;
	[sflag:s14] =	ssyncadd.s32 $0xFFFFC000  }
0x86: {  	[tilespmem:s17], [sflag:$0x1] =	stream.indirect.gather [hbm4b:s4+s16], $0x80, s26, s16, $0xb8;
	[tilespmem:$0x1E800] =	vst v63  }
0x87: {  	_ =	swait.ge [sflag:s20], $0x4000  }
.Ltmp1:
0x88: {  	[sflag:s20] =	ssyncset.done $0x0;
	(pc) =	sbr.rel @p0 .LBB2_4-.Ltmp1, $4  }
0x89: {  	s25 =	sadd.s32 $0x1480, s25;
	[sflag:s20] =	ssyncadd.s32 $0xFFFFC000  }
0x8a: {  	[spmem:s2] =	stream.indirect.scatter.add.f32 [tilespmem:s18], [sflag:$0x3], $0x80, s25, s16, $0xb8;
	[tilespmem:$0x1E800] =	vst v63  }
0x8b: {  	_ =	swait.ge [sflag:s14], $0x4000  }
0x8c: {  	s26 =	smov.u32 s30;
	s25 =	sshra.s32 s29, $0x2;
	[sflag:s14] =	ssyncset.done $0x0  }
0x8d: {  	s26 =	sadd.s32 $0x80, s25;
	[sflag:s14] =	ssyncadd.s32 $0xFFFFC000  }
0x8e: {  	[tilespmem:s18], [sflag:$0x2] =	stream.indirect.gather [hbm4b:s4+s16], $0x80, s26, s16, $0xb8;
	[tilespmem:$0x1E800] =	vst v63  }
0x8f: {  	_ =	swait.ge [sflag:s19], $0x4000  }
0x90: {  	[sflag:s19] =	ssyncset.done $0x0  }
0x91: {  	s29 =	sadd.s32 $0x1400, s25;
	[sflag:s19] =	ssyncadd.s32 $0xFFFFC000  }
0x92: {  	[spmem:s2] =	stream.indirect.scatter.add.f32 [tilespmem:s17], [sflag:$0x3], $0x80, s29, s16, $0xb8;
	[tilespmem:$0x1E800] =	vst v63  }
0x93: {  	_ =	swait.ge [sflag:s14], $0x4000  }
0x94: {  	[sflag:s14] =	ssyncset.done $0x0  }
0x95: {  	s30 =	sadd.s32 $0x100, s25;
	[sflag:s14] =	ssyncadd.s32 $0xFFFFC000  }
0x96: {  	[tilespmem:s17], [sflag:$0x1] =	stream.indirect.gather [hbm4b:s4+s16], $0x80, s30, s16, $0xb8;
	[tilespmem:$0x1E800] =	vst v63  }
0x97: {  	_ =	swait.ge [sflag:s20], $0x4000  }
0x98: {  	[sflag:s20] =	ssyncset.done $0x0  }
0x99: {  	s31 =	sadd.s32 $0x1480, s25;
	[sflag:s20] =	ssyncadd.s32 $0xFFFFC000  }
0x9a: {  	[spmem:s2] =	stream.indirect.scatter.add.f32 [tilespmem:s18], [sflag:$0x3], $0x80, s31, s16, $0xb8;
	[tilespmem:$0x1E800] =	vst v63  }
0x9b: {  	_ =	swait.ge [sflag:s14], $0x4000  }
0x9c: {  	[sflag:s14] =	ssyncset.done $0x0  }
0x9d: {  	[sflag:s14] =	ssyncadd.s32 $0xFFFFC000  }
0x9e: {  	[tilespmem:s18], [sflag:$0x2] =	stream.indirect.gather [hbm4b:s4+s16], $0x80, s21, s16, $0xb8;
	[tilespmem:$0x1E800] =	vst v63  }
0x9f: {  	_ =	swait.ge [sflag:s19], $0x4000  }
0xa0: {  	[sflag:s19] =	ssyncset.done $0x0  }
0xa1: {  	[sflag:s19] =	ssyncadd.s32 $0xFFFFC000  }
0xa2: {  	[spmem:s2] =	stream.indirect.scatter.add.f32 [tilespmem:s17], [sflag:$0x3], $0x80, s22, s16, $0xb8;
	[tilespmem:$0x1E800] =	vst v63  }
0xa3: {  	_ =	swait.ge [sflag:s14], $0x4000  }
0xa4: {  	[sflag:s14] =	ssyncset.done $0x0  }
0xa5: {  	[sflag:s14] =	ssyncadd.s32 $0xFFFFC000  }
0xa6: {  	_ =	swait.ge [sflag:s20], $0x4000  }
0xa7: {  	[sflag:s20] =	ssyncset.done $0x0  }
0xa8: {  	[sflag:s20] =	ssyncadd.s32 $0xFFFFC000  }
0xa9: {  	[spmem:s2] =	stream.indirect.scatter.add.f32 [tilespmem:s18], [sflag:$0x3], $0x80, s23, s16, $0xb8;
	[tilespmem:$0x1E800] =	vst v63  }
0xaa: {  	_ =	swait.ge [sflag:s14], $0x4000  }
0xab: {  	s24 =	sadd.s32 $0x1, s24;
	[sflag:s14] =	ssyncset.done $0x0  }
0xac: {  	p0 =	sne.s32 s24, s12;
	[sflag:s14] =	ssyncadd.s32 $0xFFFFC000  }
.Ltmp2:
0xad: {  	[bflag:$0x0] =	sbarrier.arrive $0xFFFF;
	(pc) =	sbr.rel @p0 .LBB2_1-.Ltmp2, $4  }
0xae: {  	[hbm:s11], [sflag:s6] =	dma.local [spmem:s13], $0x2800  }
0xaf: {  	_ =	swait.ge [sflag:s14], $0x2800  }
0xb0: {  	[sflag:s14] =	ssyncset.done $0x0  }
0xb1: {  	[sflag:s14] =	ssyncadd.s32 $0xFFFFD800  }
0xb2: {  	_ =	sfence.sel $0x180000  }
0xb3: {  	[bflag:$0x0] =	sbarrier.arrive $0xFFFF  }
0xb4: {  	p0 =	sne.s32 s1, $0x0;
	_ =	strace $0x9000004D  }
0xb5: {  	s0 =	sadd.s32 @!p0 $0x100000, s0;
	[bflag:$0x2] =	sbarrier.arrive $0xFFFF  }
0xb6: {  	[sflag:s0] =	ssyncadd.tile.s32 @!p0 $0x1;
	_ =	shalt  }
.Lfunc_end2:
_tile_overlayer_lowered:
.L_overlay_start_2:
0xb7: {  	(tag) =	ssettag $0x2  }
0xb8: {  	s0 =	rddreg [dreg:$0x0];
	s2 =	stileid.u32  }
0xb9: {  	s1 =	rddreg [dreg:$0x1];
	p0 =	sne.s32 s2, $0x0  }
0xba: {  	s3 =	rddreg [dreg:$0x2];
	[bflag:$0x3] =	sbarrier.arrive $0xFFFF;
	s2 =	simm.s32 @!p0 $0x1C03  }
0xbb: {  	[timem:s3], [sflag:s2] =	dma.local @!p0 [hbm:s0], s1  }
0xbc: {  	s0 =	simm.s32 @!p0 $0x3  }
0xbd: {  	_ =	swait.ge @!p0 [sflag:s0], s1  }
0xbe: {  	s1 =	ssub.s32 @!p0 $0x0, s1;
	[sflag:s0] =	ssyncset.done @!p0 $0x0  }
0xbf: {  	[sflag:s0] =	ssyncadd.s32 @!p0 s1  }
0xc0: {  	[bflag:$0x3] =	sbarrier.arrive $0xFFFF  }
0xc1: {  	_ =	shalt  }

</sc_bundles>
